<compile_context>
chip_gen: v7x
topology: tpu7x:2x2x1
jax: 0.10.2.dev20260603
libtpu: 0.0.44.dev20260713+nightly
codegen_flags: <defaults>
</compile_context>

<pallas_src>
import functools

import jax
import jax.numpy as jnp
from jax import lax
from jax.experimental import pallas as pl
from jax.experimental.pallas import tpu as pltpu
from jax.experimental.pallas import tpu_sc as plsc

N_NODES = 10000
N_EDGES = 320000
D = 128

NC = 2
NS = 16
LANES = 16

DH = D // NC
EDGES_PER_TILE = N_EDGES // NS
CHUNK = 125
N_CHUNKS = EDGES_PER_TILE // CHUNK
DEPTH = 5
N_GROUPS = N_CHUNKS // DEPTH
N_CHUNKS_HALF = N_CHUNKS // 2
ROWS_PER_TILE = 632
N_PAD = NS * ROWS_PER_TILE
Q_STAGE = 4
QROWS = ROWS_PER_TILE // Q_STAGE
CNT_W = LANES

_mesh = plsc.VectorSubcoreMesh(core_axis_name="c", subcore_axis_name="s")


@functools.partial(
    pl.kernel,
    out_type=(
        jax.ShapeDtypeStruct((NC, N_PAD, DH), jnp.float32),
        jax.ShapeDtypeStruct((NC, N_PAD, CNT_W), jnp.float32),
    ),
    mesh=_mesh,
    compiler_params=pltpu.CompilerParams(use_tc_tiling_on_sc=False),
    scratch_types=(
        pltpu.VMEM_SHARED((N_PAD, DH), jnp.float32),
        pltpu.VMEM_SHARED((N_PAD, CNT_W), jnp.float32),
        pltpu.VMEM((QROWS, DH), jnp.float32),
        pltpu.VMEM((QROWS, CNT_W), jnp.float32),
        pltpu.VMEM((CHUNK, CNT_W), jnp.float32),
        [pltpu.VMEM((2, CHUNK), jnp.int32) for _ in range(DEPTH)],
        [pltpu.VMEM((CHUNK, DH), jnp.float32) for _ in range(DEPTH)],
        [pltpu.SemaphoreType.DMA for _ in range(DEPTH)],
        [pltpu.SemaphoreType.DMA for _ in range(DEPTH)],
        [pltpu.SemaphoreType.DMA for _ in range(DEPTH)],
        [pltpu.SemaphoreType.DMA for _ in range(DEPTH)],
    ),
)
def _sc_aggregate(xt_hbm, eidx_hbm, acc_out, cnt_out,
                  acc_sh, cnt_sh, zrow, zcnt, ones_b,
                  idx_bufs, row_bufs, idx_sems, row_sems, scat_sems, cnt_sems):
    c = lax.axis_index("c")
    s = lax.axis_index("s")

    zero16 = jnp.zeros((LANES,), jnp.float32)
    one16 = jnp.ones((LANES,), jnp.float32)

    def fill_zero(i, carry):
        for j in range(DH // LANES):
            zrow[i, pl.ds(j * LANES, LANES)] = zero16
        zcnt[i, :] = zero16
        return carry

    lax.fori_loop(0, QROWS, fill_zero, 0)

    def fill_one(i, carry):
        ones_b[i, :] = one16
        return carry

    lax.fori_loop(0, CHUNK, fill_one, 0)

    my_src = eidx_hbm.at[0, s]
    my_dst = eidx_hbm.at[1, s]

    def idx_start(chunk, buf, sem):
        pltpu.async_copy(my_src.at[chunk], buf.at[0], sem)
        pltpu.async_copy(my_dst.at[chunk], buf.at[1], sem)

    def idx_wait(chunk, buf, sem):
        pltpu.make_async_copy(my_src.at[chunk], buf.at[0], sem).wait()
        pltpu.make_async_copy(my_dst.at[chunk], buf.at[1], sem).wait()

    row0 = pl.multiple_of(s * ROWS_PER_TILE, 8)
    for u in range(DEPTH):
        idx_start(u, idx_bufs[u], idx_sems[u])
    for q in range(Q_STAGE):
        pltpu.sync_copy(zrow, acc_sh.at[pl.ds(row0 + q * QROWS, QROWS)])
        pltpu.sync_copy(zcnt, cnt_sh.at[pl.ds(row0 + q * QROWS, QROWS)])
    plsc.subcore_barrier()

    x_half = xt_hbm.at[pl.ds(c, 2 * N_NODES - 1)]

    def gather_start(ibuf, buf, sem):
        pltpu.async_copy(x_half.at[ibuf.at[0]], buf, sem)

    def gather_wait(ibuf, buf, sem):
        pltpu.make_async_copy(x_half.at[ibuf.at[0]], buf, sem).wait()

    def do_cnt(chunk):
        return (chunk < N_CHUNKS_HALF) == (c == 0)

    def scat_start(chunk, u):
        pltpu.async_copy(row_bufs[u], acc_sh.at[idx_bufs[u].at[1]],
                         scat_sems[u], add=True)

        @pl.when(do_cnt(chunk))
        def _():
            pltpu.async_copy(ones_b, cnt_sh.at[idx_bufs[u].at[1]],
                             cnt_sems[u], add=True)

    def scat_wait(chunk, u):
        pltpu.make_async_copy(row_bufs[u], acc_sh.at[idx_bufs[u].at[1]],
                              scat_sems[u]).wait()

        @pl.when(do_cnt(chunk))
        def _():
            pltpu.make_async_copy(ones_b, cnt_sh.at[idx_bufs[u].at[1]],
                                  cnt_sems[u]).wait()

    for u in range(DEPTH):
        idx_wait(u, idx_bufs[u], idx_sems[u])
        gather_start(idx_bufs[u], row_bufs[u], row_sems[u])

    def step(k, carry):
        i = DEPTH * k
        for u in range(DEPTH):
            gather_wait(idx_bufs[u], row_bufs[u], row_sems[u])
            scat_start(i + u, u)

        for u in range(DEPTH):
            @pl.when(k < N_GROUPS - 1)
            def _():
                scat_wait(i + u, u)
                idx_start(i + u + DEPTH, idx_bufs[u], idx_sems[u])
                idx_wait(i + u + DEPTH, idx_bufs[u], idx_sems[u])
                gather_start(idx_bufs[u], row_bufs[u], row_sems[u])

        return carry

    lax.fori_loop(0, N_GROUPS, step, 0)

    for u in range(DEPTH):
        scat_wait(N_CHUNKS - DEPTH + u, u)
    plsc.subcore_barrier()

    for q in range(Q_STAGE):
        r = row0 + q * QROWS
        pltpu.sync_copy(acc_sh.at[pl.ds(r, QROWS)], zrow)
        pltpu.sync_copy(zrow, acc_out.at[c, pl.ds(r, QROWS)])
        pltpu.sync_copy(cnt_sh.at[pl.ds(r, QROWS)], zcnt)
        pltpu.sync_copy(zcnt, cnt_out.at[c, pl.ds(r, QROWS)])


_BR = 400


def _tc_self_body(x_ref, wr_ref, b_ref, y_ref):
    dn = (((1,), (1,)), ((), ()))
    y_ref[...] = (
        lax.dot_general(x_ref[...], wr_ref[...], dn, preferred_element_type=jnp.float32)
        + b_ref[...]
    )


def _tc_self(x, W_r, b):
    return pl.pallas_call(
        _tc_self_body,
        grid=(N_NODES // _BR,),
        in_specs=[
            pl.BlockSpec((_BR, D), lambda i: (i, 0)),
            pl.BlockSpec((D, D), lambda i: (0, 0)),
            pl.BlockSpec((1, D), lambda i: (0, 0)),
        ],
        out_specs=pl.BlockSpec((_BR, D), lambda i: (i, 0)),
        out_shape=jax.ShapeDtypeStruct((N_NODES, D), jnp.float32),
    )(x, W_r, b)


def _tc_body(p_ref, cnt_ref, y_ref, wl_ref, o_ref):
    p = jnp.concatenate([p_ref[0], p_ref[1]], axis=-1)
    cnt = cnt_ref[0, :, :1] + cnt_ref[1, :, :1]
    scale = 1.0 / jnp.maximum(cnt, 1.0)
    aggr = p * scale
    dn = (((1,), (1,)), ((), ()))
    o_ref[...] = (
        lax.dot_general(aggr, wl_ref[...], dn, preferred_element_type=jnp.float32)
        + y_ref[...]
    )


def _tc_finish(p, cnt, y, W_l):
    grid = (N_NODES // _BR,)
    return pl.pallas_call(
        _tc_body,
        grid=grid,
        in_specs=[
            pl.BlockSpec((NC, _BR, DH), lambda i: (0, i, 0)),
            pl.BlockSpec((NC, _BR, CNT_W), lambda i: (0, i, 0)),
            pl.BlockSpec((_BR, D), lambda i: (i, 0)),
            pl.BlockSpec((D, D), lambda i: (0, 0)),
        ],
        out_specs=pl.BlockSpec((_BR, D), lambda i: (i, 0)),
        out_shape=jax.ShapeDtypeStruct((N_NODES, D), jnp.float32),
    )(p, cnt, y, W_l)


def kernel(x, edge_index, W_l, W_r, b):
    x2 = x.reshape(NC * N_NODES, DH)
    eidx = (edge_index * jnp.array([[2], [1]], dtype=jnp.int32)).reshape(
        2, NS, N_CHUNKS, CHUNK)
    y = _tc_self(x, W_r, b.reshape(1, D))
    p, cnt_w = _sc_aggregate(x2, eidx)
    return _tc_finish(p, cnt_w, y, W_l)

# --- scband reference (transcript-rebuilt; emitter-appended) ---
"""Pipeline reference for scband-sageconv-36885179138430 (READ-ONLY COPY).

The authoritative reference and input builder live on the scoring server;
editing this copy changes nothing except your own understanding.
"""

import jax, jax.numpy as jnp
import numpy as np

N_NODES = 10000
N_EDGES = 320000
D_IN = 128
D_OUT = 128

def _xavier(key, shape):
    fan_in, fan_out = shape[1], shape[0]
    a = np.sqrt(6.0 / (fan_in + fan_out))
    return jax.random.uniform(key, shape, dtype=jnp.float32, minval=-a, maxval=a)

def setup_inputs(seed: int = 0):
    key = jax.random.key(seed)
    k1, k2, k3, k4 = jax.random.split(key, 4)
    x = jax.random.normal(k1, (N_NODES, D_IN), dtype=jnp.float32)
    edge_index = jax.random.randint(k2, (2, N_EDGES), 0, N_NODES, dtype=jnp.int32)
    W_l = _xavier(k3, (D_OUT, D_IN))
    W_r = _xavier(k4, (D_OUT, D_IN))
    b = jnp.zeros((D_OUT,), dtype=jnp.float32)
    return {"x": x, "edge_index": edge_index, "W_l": W_l, "W_r": W_r, "b": b}

def reference(x, edge_index, W_l, W_r, b):
    src = edge_index[0]
    dst = edge_index[1]
    num_dst = x.shape[0]
    messages = jnp.take(x, src, axis=0)                      # gather [E, D]
    summed = jax.ops.segment_sum(messages, dst, num_segments=num_dst)
    counts = jax.ops.segment_sum(jnp.ones((messages.shape[0],), dtype=jnp.float32), dst, num_segments=num_dst)
    # mean aggregation; dst nodes with no incoming edges stay zero (matches torch loop)
    aggr = summed / jnp.maximum(counts, 1.0)[:, None]
    out = aggr @ W_l.T + x @ W_r.T + b
    return out

if __name__ == "__main__":
    import jax
    _d = setup_inputs()
    print(jax.jit(kernel)(*tuple(_d.values())))

</pallas_src>

<mosaic_0001>
#map = affine_map<(d0, d1) -> (0, 0)>
#map1 = affine_map<(d0, d1) -> (0, 0, 0, 0)>
#map2 = affine_map<(d0, d1) -> (0, 0, 0)>
module attributes {stable_mosaic.version = 14 : i64} {
  func.func @_sc_aggregate(%arg0: i32, %arg1: i32, %arg2: memref<20000x64xf32, #tpu.memory_space<hbm>>, %arg3: memref<2x16x160x125xi32, #tpu.memory_space<hbm>>, %arg4: memref<2x10112x64xf32, #tpu.memory_space<hbm>>, %arg5: memref<2x10112x16xf32, #tpu.memory_space<hbm>>, %arg6: memref<10112x64xf32, #tpu.memory_space<vmem_shared>>, %arg7: memref<10112x16xf32, #tpu.memory_space<vmem_shared>>, %arg8: memref<158x64xf32, #tpu.memory_space<vmem>>, %arg9: memref<158x16xf32, #tpu.memory_space<vmem>>, %arg10: memref<125x16xf32, #tpu.memory_space<vmem>>, %arg11: memref<2x125xi32, #tpu.memory_space<vmem>>, %arg12: memref<2x125xi32, #tpu.memory_space<vmem>>, %arg13: memref<2x125xi32, #tpu.memory_space<vmem>>, %arg14: memref<2x125xi32, #tpu.memory_space<vmem>>, %arg15: memref<2x125xi32, #tpu.memory_space<vmem>>, %arg16: memref<125x64xf32, #tpu.memory_space<vmem>>, %arg17: memref<125x64xf32, #tpu.memory_space<vmem>>, %arg18: memref<125x64xf32, #tpu.memory_space<vmem>>, %arg19: memref<125x64xf32, #tpu.memory_space<vmem>>, %arg20: memref<125x64xf32, #tpu.memory_space<vmem>>, %arg21: memref<!tpu.dma_semaphore, #tpu.memory_space<semaphore_mem>>, %arg22: memref<!tpu.dma_semaphore, #tpu.memory_space<semaphore_mem>>, %arg23: memref<!tpu.dma_semaphore, #tpu.memory_space<semaphore_mem>>, %arg24: memref<!tpu.dma_semaphore, #tpu.memory_space<semaphore_mem>>, %arg25: memref<!tpu.dma_semaphore, #tpu.memory_space<semaphore_mem>>, %arg26: memref<!tpu.dma_semaphore, #tpu.memory_space<semaphore_mem>>, %arg27: memref<!tpu.dma_semaphore, #tpu.memory_space<semaphore_mem>>, %arg28: memref<!tpu.dma_semaphore, #tpu.memory_space<semaphore_mem>>, %arg29: memref<!tpu.dma_semaphore, #tpu.memory_space<semaphore_mem>>, %arg30: memref<!tpu.dma_semaphore, #tpu.memory_space<semaphore_mem>>, %arg31: memref<!tpu.dma_semaphore, #tpu.memory_space<semaphore_mem>>, %arg32: memref<!tpu.dma_semaphore, #tpu.memory_space<semaphore_mem>>, %arg33: memref<!tpu.dma_semaphore, #tpu.memory_space<semaphore_mem>>, %arg34: memref<!tpu.dma_semaphore, #tpu.memory_space<semaphore_mem>>, %arg35: memref<!tpu.dma_semaphore, #tpu.memory_space<semaphore_mem>>, %arg36: memref<!tpu.dma_semaphore, #tpu.memory_space<semaphore_mem>>, %arg37: memref<!tpu.dma_semaphore, #tpu.memory_space<semaphore_mem>>, %arg38: memref<!tpu.dma_semaphore, #tpu.memory_space<semaphore_mem>>, %arg39: memref<!tpu.dma_semaphore, #tpu.memory_space<semaphore_mem>>, %arg40: memref<!tpu.dma_semaphore, #tpu.memory_space<semaphore_mem>>) attributes {dimension_semantics = [#tpu.dimension_semantics<core_parallel>, #tpu.dimension_semantics<subcore_parallel>], iteration_bounds = array<i64: 2, 16>, scalar_prefetch = 0 : i64, scratch_operands = 35 : i64, tpu.core_type = #tpu.core_type<sc_vector_subcore>, window_params = [{transform_indices = #map}, {transform_indices = #map1}, {transform_indices = #map2}, {transform_indices = #map2}]} {
    %broadcast_in_dim3A = arith.constant 0.000000e+00 : f32
    %broadcast_in_dim3A_0 = vector.broadcast %broadcast_in_dim3A : f32 to vector<16xf32>
    %broadcast_in_dim3A_1 = arith.constant 1.000000e+00 : f32
    %broadcast_in_dim3A_2 = vector.broadcast %broadcast_in_dim3A_1 : f32 to vector<16xf32>
    %scan3A = arith.constant 0 : i32
    %scan3A_3 = arith.constant 0 : i32
    %scan3A_4 = arith.constant 158 : i32
    %scan3A_5 = arith.addi %scan3A_3, %scan3A_4 : i32
    %scan3A_6 = arith.constant 1 : i32
    scf.for %scan3A_627 = %scan3A_3 to %scan3A_5 step %scan3A_6  : i32 {
      %swap3A = arith.index_cast %scan3A_627 : i32 to index
      %swap3A_628 = arith.constant 0 : index
      %swap3A_629 = tpu.vector_load %arg8[%swap3A, %swap3A_628] {strides = array<i32>} : memref<158x64xf32, #tpu.memory_space<vmem>>, vector<1x16xf32>,
      %swap3A_630 = vector.shape_cast %swap3A_629 : vector<1x16xf32> to vector<16xf32>
      %swap3A_631 = vector.shape_cast %broadcast_in_dim3A_0 : vector<16xf32> to vector<1x16xf32>
      tpu.vector_store %arg8[%swap3A, %swap3A_628], %swap3A_631 {strides = array<i32>} : memref<158x64xf32, #tpu.memory_space<vmem>>, vector<1x16xf32>,
      %swap3A_632 = arith.index_cast %scan3A_627 : i32 to index
      %swap3A_633 = arith.constant 16 : index
      %swap3A_634 = tpu.vector_load %arg8[%swap3A_632, %swap3A_633] {strides = array<i32>} : memref<158x64xf32, #tpu.memory_space<vmem>>, vector<1x16xf32>,
      %swap3A_635 = vector.shape_cast %swap3A_634 : vector<1x16xf32> to vector<16xf32>
      %swap3A_636 = vector.shape_cast %broadcast_in_dim3A_0 : vector<16xf32> to vector<1x16xf32>
      tpu.vector_store %arg8[%swap3A_632, %swap3A_633], %swap3A_636 {strides = array<i32>} : memref<158x64xf32, #tpu.memory_space<vmem>>, vector<1x16xf32>,
      %swap3A_637 = arith.index_cast %scan3A_627 : i32 to index
      %swap3A_638 = arith.constant 32 : index
      %swap3A_639 = tpu.vector_load %arg8[%swap3A_637, %swap3A_638] {strides = array<i32>} : memref<158x64xf32, #tpu.memory_space<vmem>>, vector<1x16xf32>,
      %swap3A_640 = vector.shape_cast %swap3A_639 : vector<1x16xf32> to vector<16xf32>
      %swap3A_641 = vector.shape_cast %broadcast_in_dim3A_0 : vector<16xf32> to vector<1x16xf32>
      tpu.vector_store %arg8[%swap3A_637, %swap3A_638], %swap3A_641 {strides = array<i32>} : memref<158x64xf32, #tpu.memory_space<vmem>>, vector<1x16xf32>,
      %swap3A_642 = arith.index_cast %scan3A_627 : i32 to index
      %swap3A_643 = arith.constant 48 : index
      %swap3A_644 = tpu.vector_load %arg8[%swap3A_642, %swap3A_643] {strides = array<i32>} : memref<158x64xf32, #tpu.memory_space<vmem>>, vector<1x16xf32>,
      %swap3A_645 = vector.shape_cast %swap3A_644 : vector<1x16xf32> to vector<16xf32>
      %swap3A_646 = vector.shape_cast %broadcast_in_dim3A_0 : vector<16xf32> to vector<1x16xf32>
      tpu.vector_store %arg8[%swap3A_642, %swap3A_643], %swap3A_646 {strides = array<i32>} : memref<158x64xf32, #tpu.memory_space<vmem>>, vector<1x16xf32>,
      %swap3A_647 = arith.index_cast %scan3A_627 : i32 to index
      %swap3A_648 = arith.constant 0 : index
      %swap3A_649 = tpu.vector_load %arg9[%swap3A_647, %swap3A_648] {strides = array<i32>} : memref<158x16xf32, #tpu.memory_space<vmem>>, vector<1x16xf32>,
      %swap3A_650 = vector.shape_cast %swap3A_649 : vector<1x16xf32> to vector<16xf32>
      %swap3A_651 = vector.shape_cast %broadcast_in_dim3A_0 : vector<16xf32> to vector<1x16xf32>
      tpu.vector_store %arg9[%swap3A_647, %swap3A_648], %swap3A_651 {strides = array<i32>} : memref<158x16xf32, #tpu.memory_space<vmem>>, vector<1x16xf32>,
    }
    %scan3A_7 = arith.constant 158 : i32
    %scan3A_8 = arith.constant 0 : i32
    %scan3A_9 = arith.constant 0 : i32
    %scan3A_10 = arith.constant 125 : i32
    %scan3A_11 = arith.addi %scan3A_9, %scan3A_10 : i32
    %scan3A_12 = arith.constant 1 : i32
    scf.for %scan3A_627 = %scan3A_9 to %scan3A_11 step %scan3A_12  : i32 {
      %swap3A = arith.index_cast %scan3A_627 : i32 to index
      %swap3A_628 = arith.constant 0 : index
      %swap3A_629 = tpu.vector_load %arg10[%swap3A, %swap3A_628] {strides = array<i32>} : memref<125x16xf32, #tpu.memory_space<vmem>>, vector<1x16xf32>,
      %swap3A_630 = vector.shape_cast %swap3A_629 : vector<1x16xf32> to vector<16xf32>
      %swap3A_631 = vector.shape_cast %broadcast_in_dim3A_2 : vector<16xf32> to vector<1x16xf32>
      tpu.vector_store %arg10[%swap3A, %swap3A_628], %swap3A_631 {strides = array<i32>} : memref<125x16xf32, #tpu.memory_space<vmem>>, vector<1x16xf32>,
    }
    %scan3A_13 = arith.constant 125 : i32
    %mul3A = arith.constant 632 : i32
    %mul3A_14 = arith.muli %arg1, %mul3A : i32
    %multiple_of3A = tpu.assume_multiple %mul3A_14, 8 : i32
    %dma_start3A = arith.constant 0 : i32
    %dma_start3A_15 = arith.constant 0 : i32
    %dma_start3A_16 = arith.constant 0 : i32
    %dma_start3A_17 = arith.constant 0 : i32
    %dma_start3A_18 = tpu.memref_slice %arg11[%dma_start3A_16, %dma_start3A_17] : memref<2x125xi32, #tpu.memory_space<vmem>> -> memref<1x125xi32, #tpu.memory_space<vmem>>
    %dma_start3A_19 = tpu.memref_squeeze %dma_start3A_18 : memref<1x125xi32, #tpu.memory_space<vmem>> -> memref<125xi32, #tpu.memory_space<vmem>>
    %dma_start3A_20 = arith.constant 0 : i32
    %dma_start3A_21 = arith.constant 0 : i32
    %dma_start3A_22 = tpu.memref_slice %arg3[%dma_start3A, %arg1, %dma_start3A_20, %dma_start3A_21] : memref<2x16x160x125xi32, #tpu.memory_space<hbm>> -> memref<1x1x160x125xi32, #tpu.memory_space<hbm>>
    %dma_start3A_23 = tpu.memref_squeeze %dma_start3A_22 : memref<1x1x160x125xi32, #tpu.memory_space<hbm>> -> memref<160x125xi32, #tpu.memory_space<hbm>>
    %dma_start3A_24 = arith.constant 0 : i32
    %dma_start3A_25 = tpu.memref_slice %dma_start3A_23[%dma_start3A_15, %dma_start3A_24] : memref<160x125xi32, #tpu.memory_space<hbm>> -> memref<1x125xi32, #tpu.memory_space<hbm>>
    %dma_start3A_26 = tpu.memref_squeeze %dma_start3A_25 : memref<1x125xi32, #tpu.memory_space<hbm>> -> memref<125xi32, #tpu.memory_space<hbm>>
    %dma_start3A_27 = arith.constant 0 : i32
    %dma_start3A_28 = tpu.memref_slice %arg11[%dma_start3A_16, %dma_start3A_27] : memref<2x125xi32, #tpu.memory_space<vmem>> -> memref<1x125xi32, #tpu.memory_space<vmem>>
    %dma_start3A_29 = tpu.memref_squeeze %dma_start3A_28 : memref<1x125xi32, #tpu.memory_space<vmem>> -> memref<125xi32, #tpu.memory_space<vmem>>
    %dma_start3A_30 = arith.constant 0 : i32
    %dma_start3A_31 = arith.constant 0 : i32
    %dma_start3A_32 = tpu.memref_slice %arg3[%dma_start3A, %arg1, %dma_start3A_30, %dma_start3A_31] : memref<2x16x160x125xi32, #tpu.memory_space<hbm>> -> memref<1x1x160x125xi32, #tpu.memory_space<hbm>>
    %dma_start3A_33 = tpu.memref_squeeze %dma_start3A_32 : memref<1x1x160x125xi32, #tpu.memory_space<hbm>> -> memref<160x125xi32, #tpu.memory_space<hbm>>
    %dma_start3A_34 = arith.constant 0 : i32
    %dma_start3A_35 = tpu.memref_slice %dma_start3A_33[%dma_start3A_15, %dma_start3A_34] : memref<160x125xi32, #tpu.memory_space<hbm>> -> memref<1x125xi32, #tpu.memory_space<hbm>>
    %dma_start3A_36 = tpu.memref_squeeze %dma_start3A_35 : memref<1x125xi32, #tpu.memory_space<hbm>> -> memref<125xi32, #tpu.memory_space<hbm>>
    tpu.enqueue_dma source(%dma_start3A_36 : memref<125xi32, #tpu.memory_space<hbm>>) target(%dma_start3A_29 : memref<125xi32, #tpu.memory_space<vmem>>) target_semaphore(%arg21 : memref<!tpu.dma_semaphore, #tpu.memory_space<semaphore_mem>>)
    %dma_start3A_37 = arith.constant 1 : i32
    %dma_start3A_38 = arith.constant 0 : i32
    %dma_start3A_39 = arith.constant 1 : i32
    %dma_start3A_40 = arith.constant 0 : i32
    %dma_start3A_41 = tpu.memref_slice %arg11[%dma_start3A_39, %dma_start3A_40] : memref<2x125xi32, #tpu.memory_space<vmem>> -> memref<1x125xi32, #tpu.memory_space<vmem>>
    %dma_start3A_42 = tpu.memref_squeeze %dma_start3A_41 : memref<1x125xi32, #tpu.memory_space<vmem>> -> memref<125xi32, #tpu.memory_space<vmem>>
    %dma_start3A_43 = arith.constant 0 : i32
    %dma_start3A_44 = arith.constant 0 : i32
    %dma_start3A_45 = tpu.memref_slice %arg3[%dma_start3A_37, %arg1, %dma_start3A_43, %dma_start3A_44] : memref<2x16x160x125xi32, #tpu.memory_space<hbm>> -> memref<1x1x160x125xi32, #tpu.memory_space<hbm>>
    %dma_start3A_46 = tpu.memref_squeeze %dma_start3A_45 : memref<1x1x160x125xi32, #tpu.memory_space<hbm>> -> memref<160x125xi32, #tpu.memory_space<hbm>>
    %dma_start3A_47 = arith.constant 0 : i32
    %dma_start3A_48 = tpu.memref_slice %dma_start3A_46[%dma_start3A_38, %dma_start3A_47] : memref<160x125xi32, #tpu.memory_space<hbm>> -> memref<1x125xi32, #tpu.memory_space<hbm>>
    %dma_start3A_49 = tpu.memref_squeeze %dma_start3A_48 : memref<1x125xi32, #tpu.memory_space<hbm>> -> memref<125xi32, #tpu.memory_space<hbm>>
    %dma_start3A_50 = arith.constant 0 : i32
    %dma_start3A_51 = tpu.memref_slice %arg11[%dma_start3A_39, %dma_start3A_50] : memref<2x125xi32, #tpu.memory_space<vmem>> -> memref<1x125xi32, #tpu.memory_space<vmem>>
    %dma_start3A_52 = tpu.memref_squeeze %dma_start3A_51 : memref<1x125xi32, #tpu.memory_space<vmem>> -> memref<125xi32, #tpu.memory_space<vmem>>
    %dma_start3A_53 = arith.constant 0 : i32
    %dma_start3A_54 = arith.constant 0 : i32
    %dma_start3A_55 = tpu.memref_slice %arg3[%dma_start3A_37, %arg1, %dma_start3A_53, %dma_start3A_54] : memref<2x16x160x125xi32, #tpu.memory_space<hbm>> -> memref<1x1x160x125xi32, #tpu.memory_space<hbm>>
    %dma_start3A_56 = tpu.memref_squeeze %dma_start3A_55 : memref<1x1x160x125xi32, #tpu.memory_space<hbm>> -> memref<160x125xi32, #tpu.memory_space<hbm>>
    %dma_start3A_57 = arith.constant 0 : i32
    %dma_start3A_58 = tpu.memref_slice %dma_start3A_56[%dma_start3A_38, %dma_start3A_57] : memref<160x125xi32, #tpu.memory_space<hbm>> -> memref<1x125xi32, #tpu.memory_space<hbm>>
    %dma_start3A_59 = tpu.memref_squeeze %dma_start3A_58 : memref<1x125xi32, #tpu.memory_space<hbm>> -> memref<125xi32, #tpu.memory_space<hbm>>
    tpu.enqueue_dma source(%dma_start3A_59 : memref<125xi32, #tpu.memory_space<hbm>>) target(%dma_start3A_52 : memref<125xi32, #tpu.memory_space<vmem>>) target_semaphore(%arg21 : memref<!tpu.dma_semaphore, #tpu.memory_space<semaphore_mem>>)
    %dma_start3A_60 = arith.constant 0 : i32
    %dma_start3A_61 = arith.constant 1 : i32
    %dma_start3A_62 = arith.constant 0 : i32
    %dma_start3A_63 = arith.constant 0 : i32
    %dma_start3A_64 = tpu.memref_slice %arg12[%dma_start3A_62, %dma_start3A_63] : memref<2x125xi32, #tpu.memory_space<vmem>> -> memref<1x125xi32, #tpu.memory_space<vmem>>
    %dma_start3A_65 = tpu.memref_squeeze %dma_start3A_64 : memref<1x125xi32, #tpu.memory_space<vmem>> -> memref<125xi32, #tpu.memory_space<vmem>>
    %dma_start3A_66 = arith.constant 0 : i32
    %dma_start3A_67 = arith.constant 0 : i32
    %dma_start3A_68 = tpu.memref_slice %arg3[%dma_start3A_60, %arg1, %dma_start3A_66, %dma_start3A_67] : memref<2x16x160x125xi32, #tpu.memory_space<hbm>> -> memref<1x1x160x125xi32, #tpu.memory_space<hbm>>
    %dma_start3A_69 = tpu.memref_squeeze %dma_start3A_68 : memref<1x1x160x125xi32, #tpu.memory_space<hbm>> -> memref<160x125xi32, #tpu.memory_space<hbm>>
    %dma_start3A_70 = arith.constant 0 : i32
    %dma_start3A_71 = tpu.memref_slice %dma_start3A_69[%dma_start3A_61, %dma_start3A_70] : memref<160x125xi32, #tpu.memory_space<hbm>> -> memref<1x125xi32, #tpu.memory_space<hbm>>
    %dma_start3A_72 = tpu.memref_squeeze %dma_start3A_71 : memref<1x125xi32, #tpu.memory_space<hbm>> -> memref<125xi32, #tpu.memory_space<hbm>>
    %dma_start3A_73 = arith.constant 0 : i32
    %dma_start3A_74 = tpu.memref_slice %arg12[%dma_start3A_62, %dma_start3A_73] : memref<2x125xi32, #tpu.memory_space<vmem>> -> memref<1x125xi32, #tpu.memory_space<vmem>>
    %dma_start3A_75 = tpu.memref_squeeze %dma_start3A_74 : memref<1x125xi32, #tpu.memory_space<vmem>> -> memref<125xi32, #tpu.memory_space<vmem>>
    %dma_start3A_76 = arith.constant 0 : i32
    %dma_start3A_77 = arith.constant 0 : i32
    %dma_start3A_78 = tpu.memref_slice %arg3[%dma_start3A_60, %arg1, %dma_start3A_76, %dma_start3A_77] : memref<2x16x160x125xi32, #tpu.memory_space<hbm>> -> memref<1x1x160x125xi32, #tpu.memory_space<hbm>>
    %dma_start3A_79 = tpu.memref_squeeze %dma_start3A_78 : memref<1x1x160x125xi32, #tpu.memory_space<hbm>> -> memref<160x125xi32, #tpu.memory_space<hbm>>
    %dma_start3A_80 = arith.constant 0 : i32
    %dma_start3A_81 = tpu.memref_slice %dma_start3A_79[%dma_start3A_61, %dma_start3A_80] : memref<160x125xi32, #tpu.memory_space<hbm>> -> memref<1x125xi32, #tpu.memory_space<hbm>>
    %dma_start3A_82 = tpu.memref_squeeze %dma_start3A_81 : memref<1x125xi32, #tpu.memory_space<hbm>> -> memref<125xi32, #tpu.memory_space<hbm>>
    tpu.enqueue_dma source(%dma_start3A_82 : memref<125xi32, #tpu.memory_space<hbm>>) target(%dma_start3A_75 : memref<125xi32, #tpu.memory_space<vmem>>) target_semaphore(%arg22 : memref<!tpu.dma_semaphore, #tpu.memory_space<semaphore_mem>>)
    %dma_start3A_83 = arith.constant 1 : i32
    %dma_start3A_84 = arith.constant 1 : i32
    %dma_start3A_85 = arith.constant 1 : i32
    %dma_start3A_86 = arith.constant 0 : i32
    %dma_start3A_87 = tpu.memref_slice %arg12[%dma_start3A_85, %dma_start3A_86] : memref<2x125xi32, #tpu.memory_space<vmem>> -> memref<1x125xi32, #tpu.memory_space<vmem>>
    %dma_start3A_88 = tpu.memref_squeeze %dma_start3A_87 : memref<1x125xi32, #tpu.memory_space<vmem>> -> memref<125xi32, #tpu.memory_space<vmem>>
    %dma_start3A_89 = arith.constant 0 : i32
    %dma_start3A_90 = arith.constant 0 : i32
    %dma_start3A_91 = tpu.memref_slice %arg3[%dma_start3A_83, %arg1, %dma_start3A_89, %dma_start3A_90] : memref<2x16x160x125xi32, #tpu.memory_space<hbm>> -> memref<1x1x160x125xi32, #tpu.memory_space<hbm>>
    %dma_start3A_92 = tpu.memref_squeeze %dma_start3A_91 : memref<1x1x160x125xi32, #tpu.memory_space<hbm>> -> memref<160x125xi32, #tpu.memory_space<hbm>>
    %dma_start3A_93 = arith.constant 0 : i32
    %dma_start3A_94 = tpu.memref_slice %dma_start3A_92[%dma_start3A_84, %dma_start3A_93] : memref<160x125xi32, #tpu.memory_space<hbm>> -> memref<1x125xi32, #tpu.memory_space<hbm>>
    %dma_start3A_95 = tpu.memref_squeeze %dma_start3A_94 : memref<1x125xi32, #tpu.memory_space<hbm>> -> memref<125xi32, #tpu.memory_space<hbm>>
    %dma_start3A_96 = arith.constant 0 : i32
    %dma_start3A_97 = tpu.memref_slice %arg12[%dma_start3A_85, %dma_start3A_96] : memref<2x125xi32, #tpu.memory_space<vmem>> -> memref<1x125xi32, #tpu.memory_space<vmem>>
    %dma_start3A_98 = tpu.memref_squeeze %dma_start3A_97 : memref<1x125xi32, #tpu.memory_space<vmem>> -> memref<125xi32, #tpu.memory_space<vmem>>
    %dma_start3A_99 = arith.constant 0 : i32
    %dma_start3A_100 = arith.constant 0 : i32
    %dma_start3A_101 = tpu.memref_slice %arg3[%dma_start3A_83, %arg1, %dma_start3A_99, %dma_start3A_100] : memref<2x16x160x125xi32, #tpu.memory_space<hbm>> -> memref<1x1x160x125xi32, #tpu.memory_space<hbm>>
    %dma_start3A_102 = tpu.memref_squeeze %dma_start3A_101 : memref<1x1x160x125xi32, #tpu.memory_space<hbm>> -> memref<160x125xi32, #tpu.memory_space<hbm>>
    %dma_start3A_103 = arith.constant 0 : i32
    %dma_start3A_104 = tpu.memref_slice %dma_start3A_102[%dma_start3A_84, %dma_start3A_103] : memref<160x125xi32, #tpu.memory_space<hbm>> -> memref<1x125xi32, #tpu.memory_space<hbm>>
    %dma_start3A_105 = tpu.memref_squeeze %dma_start3A_104 : memref<1x125xi32, #tpu.memory_space<hbm>> -> memref<125xi32, #tpu.memory_space<hbm>>
    tpu.enqueue_dma source(%dma_start3A_105 : memref<125xi32, #tpu.memory_space<hbm>>) target(%dma_start3A_98 : memref<125xi32, #tpu.memory_space<vmem>>) target_semaphore(%arg22 : memref<!tpu.dma_semaphore, #tpu.memory_space<semaphore_mem>>)
    %dma_start3A_106 = arith.constant 0 : i32
    %dma_start3A_107 = arith.constant 2 : i32
    %dma_start3A_108 = arith.constant 0 : i32
    %dma_start3A_109 = arith.constant 0 : i32
    %dma_start3A_110 = tpu.memref_slice %arg13[%dma_start3A_108, %dma_start3A_109] : memref<2x125xi32, #tpu.memory_space<vmem>> -> memref<1x125xi32, #tpu.memory_space<vmem>>
    %dma_start3A_111 = tpu.memref_squeeze %dma_start3A_110 : memref<1x125xi32, #tpu.memory_space<vmem>> -> memref<125xi32, #tpu.memory_space<vmem>>
    %dma_start3A_112 = arith.constant 0 : i32
    %dma_start3A_113 = arith.constant 0 : i32
    %dma_start3A_114 = tpu.memref_slice %arg3[%dma_start3A_106, %arg1, %dma_start3A_112, %dma_start3A_113] : memref<2x16x160x125xi32, #tpu.memory_space<hbm>> -> memref<1x1x160x125xi32, #tpu.memory_space<hbm>>
    %dma_start3A_115 = tpu.memref_squeeze %dma_start3A_114 : memref<1x1x160x125xi32, #tpu.memory_space<hbm>> -> memref<160x125xi32, #tpu.memory_space<hbm>>
    %dma_start3A_116 = arith.constant 0 : i32
    %dma_start3A_117 = tpu.memref_slice %dma_start3A_115[%dma_start3A_107, %dma_start3A_116] : memref<160x125xi32, #tpu.memory_space<hbm>> -> memref<1x125xi32, #tpu.memory_space<hbm>>
    %dma_start3A_118 = tpu.memref_squeeze %dma_start3A_117 : memref<1x125xi32, #tpu.memory_space<hbm>> -> memref<125xi32, #tpu.memory_space<hbm>>
    %dma_start3A_119 = arith.constant 0 : i32
    %dma_start3A_120 = tpu.memref_slice %arg13[%dma_start3A_108, %dma_start3A_119] : memref<2x125xi32, #tpu.memory_space<vmem>> -> memref<1x125xi32, #tpu.memory_space<vmem>>
    %dma_start3A_121 = tpu.memref_squeeze %dma_start3A_120 : memref<1x125xi32, #tpu.memory_space<vmem>> -> memref<125xi32, #tpu.memory_space<vmem>>
    %dma_start3A_122 = arith.constant 0 : i32
    %dma_start3A_123 = arith.constant 0 : i32
    %dma_start3A_124 = tpu.memref_slice %arg3[%dma_start3A_106, %arg1, %dma_start3A_122, %dma_start3A_123] : memref<2x16x160x125xi32, #tpu.memory_space<hbm>> -> memref<1x1x160x125xi32, #tpu.memory_space<hbm>>
    %dma_start3A_125 = tpu.memref_squeeze %dma_start3A_124 : memref<1x1x160x125xi32, #tpu.memory_space<hbm>> -> memref<160x125xi32, #tpu.memory_space<hbm>>
    %dma_start3A_126 = arith.constant 0 : i32
    %dma_start3A_127 = tpu.memref_slice %dma_start3A_125[%dma_start3A_107, %dma_start3A_126] : memref<160x125xi32, #tpu.memory_space<hbm>> -> memref<1x125xi32, #tpu.memory_space<hbm>>
    %dma_start3A_128 = tpu.memref_squeeze %dma_start3A_127 : memref<1x125xi32, #tpu.memory_space<hbm>> -> memref<125xi32, #tpu.memory_space<hbm>>
    tpu.enqueue_dma source(%dma_start3A_128 : memref<125xi32, #tpu.memory_space<hbm>>) target(%dma_start3A_121 : memref<125xi32, #tpu.memory_space<vmem>>) target_semaphore(%arg23 : memref<!tpu.dma_semaphore, #tpu.memory_space<semaphore_mem>>)
    %dma_start3A_129 = arith.constant 1 : i32
    %dma_start3A_130 = arith.constant 2 : i32
    %dma_start3A_131 = arith.constant 1 : i32
    %dma_start3A_132 = arith.constant 0 : i32
    %dma_start3A_133 = tpu.memref_slice %arg13[%dma_start3A_131, %dma_start3A_132] : memref<2x125xi32, #tpu.memory_space<vmem>> -> memref<1x125xi32, #tpu.memory_space<vmem>>
    %dma_start3A_134 = tpu.memref_squeeze %dma_start3A_133 : memref<1x125xi32, #tpu.memory_space<vmem>> -> memref<125xi32, #tpu.memory_space<vmem>>
    %dma_start3A_135 = arith.constant 0 : i32
    %dma_start3A_136 = arith.constant 0 : i32
    %dma_start3A_137 = tpu.memref_slice %arg3[%dma_start3A_129, %arg1, %dma_start3A_135, %dma_start3A_136] : memref<2x16x160x125xi32, #tpu.memory_space<hbm>> -> memref<1x1x160x125xi32, #tpu.memory_space<hbm>>
    %dma_start3A_138 = tpu.memref_squeeze %dma_start3A_137 : memref<1x1x160x125xi32, #tpu.memory_space<hbm>> -> memref<160x125xi32, #tpu.memory_space<hbm>>
    %dma_start3A_139 = arith.constant 0 : i32
    %dma_start3A_140 = tpu.memref_slice %dma_start3A_138[%dma_start3A_130, %dma_start3A_139] : memref<160x125xi32, #tpu.memory_space<hbm>> -> memref<1x125xi32, #tpu.memory_space<hbm>>
    %dma_start3A_141 = tpu.memref_squeeze %dma_start3A_140 : memref<1x125xi32, #tpu.memory_space<hbm>> -> memref<125xi32, #tpu.memory_space<hbm>>
    %dma_start3A_142 = arith.constant 0 : i32
    %dma_start3A_143 = tpu.memref_slice %arg13[%dma_start3A_131, %dma_start3A_142] : memref<2x125xi32, #tpu.memory_space<vmem>> -> memref<1x125xi32, #tpu.memory_space<vmem>>
    %dma_start3A_144 = tpu.memref_squeeze %dma_start3A_143 : memref<1x125xi32, #tpu.memory_space<vmem>> -> memref<125xi32, #tpu.memory_space<vmem>>
    %dma_start3A_145 = arith.constant 0 : i32
    %dma_start3A_146 = arith.constant 0 : i32
    %dma_start3A_147 = tpu.memref_slice %arg3[%dma_start3A_129, %arg1, %dma_start3A_145, %dma_start3A_146] : memref<2x16x160x125xi32, #tpu.memory_space<hbm>> -> memref<1x1x160x125xi32, #tpu.memory_space<hbm>>
    %dma_start3A_148 = tpu.memref_squeeze %dma_start3A_147 : memref<1x1x160x125xi32, #tpu.memory_space<hbm>> -> memref<160x125xi32, #tpu.memory_space<hbm>>
    %dma_start3A_149 = arith.constant 0 : i32
    %dma_start3A_150 = tpu.memref_slice %dma_start3A_148[%dma_start3A_130, %dma_start3A_149] : memref<160x125xi32, #tpu.memory_space<hbm>> -> memref<1x125xi32, #tpu.memory_space<hbm>>
    %dma_start3A_151 = tpu.memref_squeeze %dma_start3A_150 : memref<1x125xi32, #tpu.memory_space<hbm>> -> memref<125xi32, #tpu.memory_space<hbm>>
    tpu.enqueue_dma source(%dma_start3A_151 : memref<125xi32, #tpu.memory_space<hbm>>) target(%dma_start3A_144 : memref<125xi32, #tpu.memory_space<vmem>>) target_semaphore(%arg23 : memref<!tpu.dma_semaphore, #tpu.memory_space<semaphore_mem>>)
    %dma_start3A_152 = arith.constant 0 : i32
    %dma_start3A_153 = arith.constant 3 : i32
    %dma_start3A_154 = arith.constant 0 : i32
    %dma_start3A_155 = arith.constant 0 : i32
    %dma_start3A_156 = tpu.memref_slice %arg14[%dma_start3A_154, %dma_start3A_155] : memref<2x125xi32, #tpu.memory_space<vmem>> -> memref<1x125xi32, #tpu.memory_space<vmem>>
    %dma_start3A_157 = tpu.memref_squeeze %dma_start3A_156 : memref<1x125xi32, #tpu.memory_space<vmem>> -> memref<125xi32, #tpu.memory_space<vmem>>
    %dma_start3A_158 = arith.constant 0 : i32
    %dma_start3A_159 = arith.constant 0 : i32
    %dma_start3A_160 = tpu.memref_slice %arg3[%dma_start3A_152, %arg1, %dma_start3A_158, %dma_start3A_159] : memref<2x16x160x125xi32, #tpu.memory_space<hbm>> -> memref<1x1x160x125xi32, #tpu.memory_space<hbm>>
    %dma_start3A_161 = tpu.memref_squeeze %dma_start3A_160 : memref<1x1x160x125xi32, #tpu.memory_space<hbm>> -> memref<160x125xi32, #tpu.memory_space<hbm>>
    %dma_start3A_162 = arith.constant 0 : i32
    %dma_start3A_163 = tpu.memref_slice %dma_start3A_161[%dma_start3A_153, %dma_start3A_162] : memref<160x125xi32, #tpu.memory_space<hbm>> -> memref<1x125xi32, #tpu.memory_space<hbm>>
    %dma_start3A_164 = tpu.memref_squeeze %dma_start3A_163 : memref<1x125xi32, #tpu.memory_space<hbm>> -> memref<125xi32, #tpu.memory_space<hbm>>
    %dma_start3A_165 = arith.constant 0 : i32
    %dma_start3A_166 = tpu.memref_slice %arg14[%dma_start3A_154, %dma_start3A_165] : memref<2x125xi32, #tpu.memory_space<vmem>> -> memref<1x125xi32, #tpu.memory_space<vmem>>
    %dma_start3A_167 = tpu.memref_squeeze %dma_start3A_166 : memref<1x125xi32, #tpu.memory_space<vmem>> -> memref<125xi32, #tpu.memory_space<vmem>>
    %dma_start3A_168 = arith.constant 0 : i32
    %dma_start3A_169 = arith.constant 0 : i32
    %dma_start3A_170 = tpu.memref_slice %arg3[%dma_start3A_152, %arg1, %dma_start3A_168, %dma_start3A_169] : memref<2x16x160x125xi32, #tpu.memory_space<hbm>> -> memref<1x1x160x125xi32, #tpu.memory_space<hbm>>
    %dma_start3A_171 = tpu.memref_squeeze %dma_start3A_170 : memref<1x1x160x125xi32, #tpu.memory_space<hbm>> -> memref<160x125xi32, #tpu.memory_space<hbm>>
    %dma_start3A_172 = arith.constant 0 : i32
    %dma_start3A_173 = tpu.memref_slice %dma_start3A_171[%dma_start3A_153, %dma_start3A_172] : memref<160x125xi32, #tpu.memory_space<hbm>> -> memref<1x125xi32, #tpu.memory_space<hbm>>
    %dma_start3A_174 = tpu.memref_squeeze %dma_start3A_173 : memref<1x125xi32, #tpu.memory_space<hbm>> -> memref<125xi32, #tpu.memory_space<hbm>>
    tpu.enqueue_dma source(%dma_start3A_174 : memref<125xi32, #tpu.memory_space<hbm>>) target(%dma_start3A_167 : memref<125xi32, #tpu.memory_space<vmem>>) target_semaphore(%arg24 : memref<!tpu.dma_semaphore, #tpu.memory_space<semaphore_mem>>)
    %dma_start3A_175 = arith.constant 1 : i32
    %dma_start3A_176 = arith.constant 3 : i32
    %dma_start3A_177 = arith.constant 1 : i32
    %dma_start3A_178 = arith.constant 0 : i32
    %dma_start3A_179 = tpu.memref_slice %arg14[%dma_start3A_177, %dma_start3A_178] : memref<2x125xi32, #tpu.memory_space<vmem>> -> memref<1x125xi32, #tpu.memory_space<vmem>>
    %dma_start3A_180 = tpu.memref_squeeze %dma_start3A_179 : memref<1x125xi32, #tpu.memory_space<vmem>> -> memref<125xi32, #tpu.memory_space<vmem>>
    %dma_start3A_181 = arith.constant 0 : i32
    %dma_start3A_182 = arith.constant 0 : i32
    %dma_start3A_183 = tpu.memref_slice %arg3[%dma_start3A_175, %arg1, %dma_start3A_181, %dma_start3A_182] : memref<2x16x160x125xi32, #tpu.memory_space<hbm>> -> memref<1x1x160x125xi32, #tpu.memory_space<hbm>>
    %dma_start3A_184 = tpu.memref_squeeze %dma_start3A_183 : memref<1x1x160x125xi32, #tpu.memory_space<hbm>> -> memref<160x125xi32, #tpu.memory_space<hbm>>
    %dma_start3A_185 = arith.constant 0 : i32
    %dma_start3A_186 = tpu.memref_slice %dma_start3A_184[%dma_start3A_176, %dma_start3A_185] : memref<160x125xi32, #tpu.memory_space<hbm>> -> memref<1x125xi32, #tpu.memory_space<hbm>>
    %dma_start3A_187 = tpu.memref_squeeze %dma_start3A_186 : memref<1x125xi32, #tpu.memory_space<hbm>> -> memref<125xi32, #tpu.memory_space<hbm>>
    %dma_start3A_188 = arith.constant 0 : i32
    %dma_start3A_189 = tpu.memref_slice %arg14[%dma_start3A_177, %dma_start3A_188] : memref<2x125xi32, #tpu.memory_space<vmem>> -> memref<1x125xi32, #tpu.memory_space<vmem>>
    %dma_start3A_190 = tpu.memref_squeeze %dma_start3A_189 : memref<1x125xi32, #tpu.memory_space<vmem>> -> memref<125xi32, #tpu.memory_space<vmem>>
    %dma_start3A_191 = arith.constant 0 : i32
    %dma_start3A_192 = arith.constant 0 : i32
    %dma_start3A_193 = tpu.memref_slice %arg3[%dma_start3A_175, %arg1, %dma_start3A_191, %dma_start3A_192] : memref<2x16x160x125xi32, #tpu.memory_space<hbm>> -> memref<1x1x160x125xi32, #tpu.memory_space<hbm>>
    %dma_start3A_194 = tpu.memref_squeeze %dma_start3A_193 : memref<1x1x160x125xi32, #tpu.memory_space<hbm>> -> memref<160x125xi32, #tpu.memory_space<hbm>>
    %dma_start3A_195 = arith.constant 0 : i32
    %dma_start3A_196 = tpu.memref_slice %dma_start3A_194[%dma_start3A_176, %dma_start3A_195] : memref<160x125xi32, #tpu.memory_space<hbm>> -> memref<1x125xi32, #tpu.memory_space<hbm>>
    %dma_start3A_197 = tpu.memref_squeeze %dma_start3A_196 : memref<1x125xi32, #tpu.memory_space<hbm>> -> memref<125xi32, #tpu.memory_space<hbm>>
    tpu.enqueue_dma source(%dma_start3A_197 : memref<125xi32, #tpu.memory_space<hbm>>) target(%dma_start3A_190 : memref<125xi32, #tpu.memory_space<vmem>>) target_semaphore(%arg24 : memref<!tpu.dma_semaphore, #tpu.memory_space<semaphore_mem>>)
    %dma_start3A_198 = arith.constant 0 : i32
    %dma_start3A_199 = arith.constant 4 : i32
    %dma_start3A_200 = arith.constant 0 : i32
    %dma_start3A_201 = arith.constant 0 : i32
    %dma_start3A_202 = tpu.memref_slice %arg15[%dma_start3A_200, %dma_start3A_201] : memref<2x125xi32, #tpu.memory_space<vmem>> -> memref<1x125xi32, #tpu.memory_space<vmem>>
    %dma_start3A_203 = tpu.memref_squeeze %dma_start3A_202 : memref<1x125xi32, #tpu.memory_space<vmem>> -> memref<125xi32, #tpu.memory_space<vmem>>
    %dma_start3A_204 = arith.constant 0 : i32
    %dma_start3A_205 = arith.constant 0 : i32
    %dma_start3A_206 = tpu.memref_slice %arg3[%dma_start3A_198, %arg1, %dma_start3A_204, %dma_start3A_205] : memref<2x16x160x125xi32, #tpu.memory_space<hbm>> -> memref<1x1x160x125xi32, #tpu.memory_space<hbm>>
    %dma_start3A_207 = tpu.memref_squeeze %dma_start3A_206 : memref<1x1x160x125xi32, #tpu.memory_space<hbm>> -> memref<160x125xi32, #tpu.memory_space<hbm>>
    %dma_start3A_208 = arith.constant 0 : i32
    %dma_start3A_209 = tpu.memref_slice %dma_start3A_207[%dma_start3A_199, %dma_start3A_208] : memref<160x125xi32, #tpu.memory_space<hbm>> -> memref<1x125xi32, #tpu.memory_space<hbm>>
    %dma_start3A_210 = tpu.memref_squeeze %dma_start3A_209 : memref<1x125xi32, #tpu.memory_space<hbm>> -> memref<125xi32, #tpu.memory_space<hbm>>
    %dma_start3A_211 = arith.constant 0 : i32
    %dma_start3A_212 = tpu.memref_slice %arg15[%dma_start3A_200, %dma_start3A_211] : memref<2x125xi32, #tpu.memory_space<vmem>> -> memref<1x125xi32, #tpu.memory_space<vmem>>
    %dma_start3A_213 = tpu.memref_squeeze %dma_start3A_212 : memref<1x125xi32, #tpu.memory_space<vmem>> -> memref<125xi32, #tpu.memory_space<vmem>>
    %dma_start3A_214 = arith.constant 0 : i32
    %dma_start3A_215 = arith.constant 0 : i32
    %dma_start3A_216 = tpu.memref_slice %arg3[%dma_start3A_198, %arg1, %dma_start3A_214, %dma_start3A_215] : memref<2x16x160x125xi32, #tpu.memory_space<hbm>> -> memref<1x1x160x125xi32, #tpu.memory_space<hbm>>
    %dma_start3A_217 = tpu.memref_squeeze %dma_start3A_216 : memref<1x1x160x125xi32, #tpu.memory_space<hbm>> -> memref<160x125xi32, #tpu.memory_space<hbm>>
    %dma_start3A_218 = arith.constant 0 : i32
    %dma_start3A_219 = tpu.memref_slice %dma_start3A_217[%dma_start3A_199, %dma_start3A_218] : memref<160x125xi32, #tpu.memory_space<hbm>> -> memref<1x125xi32, #tpu.memory_space<hbm>>
    %dma_start3A_220 = tpu.memref_squeeze %dma_start3A_219 : memref<1x125xi32, #tpu.memory_space<hbm>> -> memref<125xi32, #tpu.memory_space<hbm>>
    tpu.enqueue_dma source(%dma_start3A_220 : memref<125xi32, #tpu.memory_space<hbm>>) target(%dma_start3A_213 : memref<125xi32, #tpu.memory_space<vmem>>) target_semaphore(%arg25 : memref<!tpu.dma_semaphore, #tpu.memory_space<semaphore_mem>>)
    %dma_start3A_221 = arith.constant 1 : i32
    %dma_start3A_222 = arith.constant 4 : i32
    %dma_start3A_223 = arith.constant 1 : i32
    %dma_start3A_224 = arith.constant 0 : i32
    %dma_start3A_225 = tpu.memref_slice %arg15[%dma_start3A_223, %dma_start3A_224] : memref<2x125xi32, #tpu.memory_space<vmem>> -> memref<1x125xi32, #tpu.memory_space<vmem>>
    %dma_start3A_226 = tpu.memref_squeeze %dma_start3A_225 : memref<1x125xi32, #tpu.memory_space<vmem>> -> memref<125xi32, #tpu.memory_space<vmem>>
    %dma_start3A_227 = arith.constant 0 : i32
    %dma_start3A_228 = arith.constant 0 : i32
    %dma_start3A_229 = tpu.memref_slice %arg3[%dma_start3A_221, %arg1, %dma_start3A_227, %dma_start3A_228] : memref<2x16x160x125xi32, #tpu.memory_space<hbm>> -> memref<1x1x160x125xi32, #tpu.memory_space<hbm>>
    %dma_start3A_230 = tpu.memref_squeeze %dma_start3A_229 : memref<1x1x160x125xi32, #tpu.memory_space<hbm>> -> memref<160x125xi32, #tpu.memory_space<hbm>>
    %dma_start3A_231 = arith.constant 0 : i32
    %dma_start3A_232 = tpu.memref_slice %dma_start3A_230[%dma_start3A_222, %dma_start3A_231] : memref<160x125xi32, #tpu.memory_space<hbm>> -> memref<1x125xi32, #tpu.memory_space<hbm>>
    %dma_start3A_233 = tpu.memref_squeeze %dma_start3A_232 : memref<1x125xi32, #tpu.memory_space<hbm>> -> memref<125xi32, #tpu.memory_space<hbm>>
    %dma_start3A_234 = arith.constant 0 : i32
    %dma_start3A_235 = tpu.memref_slice %arg15[%dma_start3A_223, %dma_start3A_234] : memref<2x125xi32, #tpu.memory_space<vmem>> -> memref<1x125xi32, #tpu.memory_space<vmem>>
    %dma_start3A_236 = tpu.memref_squeeze %dma_start3A_235 : memref<1x125xi32, #tpu.memory_space<vmem>> -> memref<125xi32, #tpu.memory_space<vmem>>
    %dma_start3A_237 = arith.constant 0 : i32
    %dma_start3A_238 = arith.constant 0 : i32
    %dma_start3A_239 = tpu.memref_slice %arg3[%dma_start3A_221, %arg1, %dma_start3A_237, %dma_start3A_238] : memref<2x16x160x125xi32, #tpu.memory_space<hbm>> -> memref<1x1x160x125xi32, #tpu.memory_space<hbm>>
    %dma_start3A_240 = tpu.memref_squeeze %dma_start3A_239 : memref<1x1x160x125xi32, #tpu.memory_space<hbm>> -> memref<160x125xi32, #tpu.memory_space<hbm>>
    %dma_start3A_241 = arith.constant 0 : i32
    %dma_start3A_242 = tpu.memref_slice %dma_start3A_240[%dma_start3A_222, %dma_start3A_241] : memref<160x125xi32, #tpu.memory_space<hbm>> -> memref<1x125xi32, #tpu.memory_space<hbm>>
    %dma_start3A_243 = tpu.memref_squeeze %dma_start3A_242 : memref<1x125xi32, #tpu.memory_space<hbm>> -> memref<125xi32, #tpu.memory_space<hbm>>
    tpu.enqueue_dma source(%dma_start3A_243 : memref<125xi32, #tpu.memory_space<hbm>>) target(%dma_start3A_236 : memref<125xi32, #tpu.memory_space<vmem>>) target_semaphore(%arg25 : memref<!tpu.dma_semaphore, #tpu.memory_space<semaphore_mem>>)
    %add3A = arith.constant 0 : i32
    %add3A_244 = arith.addi %multiple_of3A, %add3A : i32
    "tpu.region"() ({
      %run_scoped3A = tpu.sem_alloc : memref<!tpu.dma_semaphore, #tpu.memory_space<semaphore_mem>>
      %dma_start3A_627 = arith.constant 0 : i32
      %dma_start3A_628 = tpu.memref_slice %arg6[%add3A_244, %dma_start3A_627] : memref<10112x64xf32, #tpu.memory_space<vmem_shared>> -> memref<158x64xf32, #tpu.memory_space<vmem_shared>>
      %dma_start3A_629 = arith.constant 0 : i32
      %dma_start3A_630 = tpu.memref_slice %arg6[%add3A_244, %dma_start3A_629] : memref<10112x64xf32, #tpu.memory_space<vmem_shared>> -> memref<158x64xf32, #tpu.memory_space<vmem_shared>>
      tpu.enqueue_dma source(%arg8 : memref<158x64xf32, #tpu.memory_space<vmem>>) target(%dma_start3A_630 : memref<158x64xf32, #tpu.memory_space<vmem_shared>>) target_semaphore(%run_scoped3A : memref<!tpu.dma_semaphore, #tpu.memory_space<semaphore_mem>>)
      %dma_wait3A_631 = arith.constant 0 : i32
      %dma_wait3A_632 = tpu.memref_slice %arg6[%add3A_244, %dma_wait3A_631] : memref<10112x64xf32, #tpu.memory_space<vmem_shared>> -> memref<158x64xf32, #tpu.memory_space<vmem_shared>>
      %dma_wait3A_633 = arith.constant 0 : i32
      %dma_wait3A_634 = tpu.memref_slice %arg6[%add3A_244, %dma_wait3A_633] : memref<10112x64xf32, #tpu.memory_space<vmem_shared>> -> memref<158x64xf32, #tpu.memory_space<vmem_shared>>
      tpu.wait_dma2 semaphore(%run_scoped3A : memref<!tpu.dma_semaphore, #tpu.memory_space<semaphore_mem>>) src(%arg8 : memref<158x64xf32, #tpu.memory_space<vmem>>) dst(%dma_wait3A_634 : memref<158x64xf32, #tpu.memory_space<vmem_shared>>)
      tpu.yield
    }) : () -> ()
    %add3A_245 = arith.constant 0 : i32
    %add3A_246 = arith.addi %multiple_of3A, %add3A_245 : i32
    "tpu.region"() ({
      %run_scoped3A = tpu.sem_alloc : memref<!tpu.dma_semaphore, #tpu.memory_space<semaphore_mem>>
      %dma_start3A_627 = arith.constant 0 : i32
      %dma_start3A_628 = tpu.memref_slice %arg7[%add3A_246, %dma_start3A_627] : memref<10112x16xf32, #tpu.memory_space<vmem_shared>> -> memref<158x16xf32, #tpu.memory_space<vmem_shared>>
      %dma_start3A_629 = arith.constant 0 : i32
      %dma_start3A_630 = tpu.memref_slice %arg7[%add3A_246, %dma_start3A_629] : memref<10112x16xf32, #tpu.memory_space<vmem_shared>> -> memref<158x16xf32, #tpu.memory_space<vmem_shared>>
      tpu.enqueue_dma source(%arg9 : memref<158x16xf32, #tpu.memory_space<vmem>>) target(%dma_start3A_630 : memref<158x16xf32, #tpu.memory_space<vmem_shared>>) target_semaphore(%run_scoped3A : memref<!tpu.dma_semaphore, #tpu.memory_space<semaphore_mem>>)
      %dma_wait3A_631 = arith.constant 0 : i32
      %dma_wait3A_632 = tpu.memref_slice %arg7[%add3A_246, %dma_wait3A_631] : memref<10112x16xf32, #tpu.memory_space<vmem_shared>> -> memref<158x16xf32, #tpu.memory_space<vmem_shared>>
      %dma_wait3A_633 = arith.constant 0 : i32
      %dma_wait3A_634 = tpu.memref_slice %arg7[%add3A_246, %dma_wait3A_633] : memref<10112x16xf32, #tpu.memory_space<vmem_shared>> -> memref<158x16xf32, #tpu.memory_space<vmem_shared>>
      tpu.wait_dma2 semaphore(%run_scoped3A : memref<!tpu.dma_semaphore, #tpu.memory_space<semaphore_mem>>) src(%arg9 : memref<158x16xf32, #tpu.memory_space<vmem>>) dst(%dma_wait3A_634 : memref<158x16xf32, #tpu.memory_space<vmem_shared>>)
      tpu.yield
    }) : () -> ()
    %add3A_247 = arith.constant 158 : i32
    %add3A_248 = arith.addi %multiple_of3A, %add3A_247 : i32
    "tpu.region"() ({
      %run_scoped3A = tpu.sem_alloc : memref<!tpu.dma_semaphore, #tpu.memory_space<semaphore_mem>>
      %dma_start3A_627 = arith.constant 0 : i32
      %dma_start3A_628 = tpu.memref_slice %arg6[%add3A_248, %dma_start3A_627] : memref<10112x64xf32, #tpu.memory_space<vmem_shared>> -> memref<158x64xf32, #tpu.memory_space<vmem_shared>>
      %dma_start3A_629 = arith.constant 0 : i32
      %dma_start3A_630 = tpu.memref_slice %arg6[%add3A_248, %dma_start3A_629] : memref<10112x64xf32, #tpu.memory_space<vmem_shared>> -> memref<158x64xf32, #tpu.memory_space<vmem_shared>>
      tpu.enqueue_dma source(%arg8 : memref<158x64xf32, #tpu.memory_space<vmem>>) target(%dma_start3A_630 : memref<158x64xf32, #tpu.memory_space<vmem_shared>>) target_semaphore(%run_scoped3A : memref<!tpu.dma_semaphore, #tpu.memory_space<semaphore_mem>>)
      %dma_wait3A_631 = arith.constant 0 : i32
      %dma_wait3A_632 = tpu.memref_slice %arg6[%add3A_248, %dma_wait3A_631] : memref<10112x64xf32, #tpu.memory_space<vmem_shared>> -> memref<158x64xf32, #tpu.memory_space<vmem_shared>>
      %dma_wait3A_633 = arith.constant 0 : i32
      %dma_wait3A_634 = tpu.memref_slice %arg6[%add3A_248, %dma_wait3A_633] : memref<10112x64xf32, #tpu.memory_space<vmem_shared>> -> memref<158x64xf32, #tpu.memory_space<vmem_shared>>
      tpu.wait_dma2 semaphore(%run_scoped3A : memref<!tpu.dma_semaphore, #tpu.memory_space<semaphore_mem>>) src(%arg8 : memref<158x64xf32, #tpu.memory_space<vmem>>) dst(%dma_wait3A_634 : memref<158x64xf32, #tpu.memory_space<vmem_shared>>)
      tpu.yield
    }) : () -> ()
    %add3A_249 = arith.constant 158 : i32
    %add3A_250 = arith.addi %multiple_of3A, %add3A_249 : i32
    "tpu.region"() ({
      %run_scoped3A = tpu.sem_alloc : memref<!tpu.dma_semaphore, #tpu.memory_space<semaphore_mem>>
      %dma_start3A_627 = arith.constant 0 : i32
      %dma_start3A_628 = tpu.memref_slice %arg7[%add3A_250, %dma_start3A_627] : memref<10112x16xf32, #tpu.memory_space<vmem_shared>> -> memref<158x16xf32, #tpu.memory_space<vmem_shared>>
      %dma_start3A_629 = arith.constant 0 : i32
      %dma_start3A_630 = tpu.memref_slice %arg7[%add3A_250, %dma_start3A_629] : memref<10112x16xf32, #tpu.memory_space<vmem_shared>> -> memref<158x16xf32, #tpu.memory_space<vmem_shared>>
      tpu.enqueue_dma source(%arg9 : memref<158x16xf32, #tpu.memory_space<vmem>>) target(%dma_start3A_630 : memref<158x16xf32, #tpu.memory_space<vmem_shared>>) target_semaphore(%run_scoped3A : memref<!tpu.dma_semaphore, #tpu.memory_space<semaphore_mem>>)
      %dma_wait3A_631 = arith.constant 0 : i32
      %dma_wait3A_632 = tpu.memref_slice %arg7[%add3A_250, %dma_wait3A_631] : memref<10112x16xf32, #tpu.memory_space<vmem_shared>> -> memref<158x16xf32, #tpu.memory_space<vmem_shared>>
      %dma_wait3A_633 = arith.constant 0 : i32
      %dma_wait3A_634 = tpu.memref_slice %arg7[%add3A_250, %dma_wait3A_633] : memref<10112x16xf32, #tpu.memory_space<vmem_shared>> -> memref<158x16xf32, #tpu.memory_space<vmem_shared>>
      tpu.wait_dma2 semaphore(%run_scoped3A : memref<!tpu.dma_semaphore, #tpu.memory_space<semaphore_mem>>) src(%arg9 : memref<158x16xf32, #tpu.memory_space<vmem>>) dst(%dma_wait3A_634 : memref<158x16xf32, #tpu.memory_space<vmem_shared>>)
      tpu.yield
    }) : () -> ()
    %add3A_251 = arith.constant 316 : i32
    %add3A_252 = arith.addi %multiple_of3A, %add3A_251 : i32
    "tpu.region"() ({
      %run_scoped3A = tpu.sem_alloc : memref<!tpu.dma_semaphore, #tpu.memory_space<semaphore_mem>>
      %dma_start3A_627 = arith.constant 0 : i32
      %dma_start3A_628 = tpu.memref_slice %arg6[%add3A_252, %dma_start3A_627] : memref<10112x64xf32, #tpu.memory_space<vmem_shared>> -> memref<158x64xf32, #tpu.memory_space<vmem_shared>>
      %dma_start3A_629 = arith.constant 0 : i32
      %dma_start3A_630 = tpu.memref_slice %arg6[%add3A_252, %dma_start3A_629] : memref<10112x64xf32, #tpu.memory_space<vmem_shared>> -> memref<158x64xf32, #tpu.memory_space<vmem_shared>>
      tpu.enqueue_dma source(%arg8 : memref<158x64xf32, #tpu.memory_space<vmem>>) target(%dma_start3A_630 : memref<158x64xf32, #tpu.memory_space<vmem_shared>>) target_semaphore(%run_scoped3A : memref<!tpu.dma_semaphore, #tpu.memory_space<semaphore_mem>>)
      %dma_wait3A_631 = arith.constant 0 : i32
      %dma_wait3A_632 = tpu.memref_slice %arg6[%add3A_252, %dma_wait3A_631] : memref<10112x64xf32, #tpu.memory_space<vmem_shared>> -> memref<158x64xf32, #tpu.memory_space<vmem_shared>>
      %dma_wait3A_633 = arith.constant 0 : i32
      %dma_wait3A_634 = tpu.memref_slice %arg6[%add3A_252, %dma_wait3A_633] : memref<10112x64xf32, #tpu.memory_space<vmem_shared>> -> memref<158x64xf32, #tpu.memory_space<vmem_shared>>
      tpu.wait_dma2 semaphore(%run_scoped3A : memref<!tpu.dma_semaphore, #tpu.memory_space<semaphore_mem>>) src(%arg8 : memref<158x64xf32, #tpu.memory_space<vmem>>) dst(%dma_wait3A_634 : memref<158x64xf32, #tpu.memory_space<vmem_shared>>)
      tpu.yield
    }) : () -> ()
    %add3A_253 = arith.constant 316 : i32
    %add3A_254 = arith.addi %multiple_of3A, %add3A_253 : i32
    "tpu.region"() ({
      %run_scoped3A = tpu.sem_alloc : memref<!tpu.dma_semaphore, #tpu.memory_space<semaphore_mem>>
      %dma_start3A_627 = arith.constant 0 : i32
      %dma_start3A_628 = tpu.memref_slice %arg7[%add3A_254, %dma_start3A_627] : memref<10112x16xf32, #tpu.memory_space<vmem_shared>> -> memref<158x16xf32, #tpu.memory_space<vmem_shared>>
      %dma_start3A_629 = arith.constant 0 : i32
      %dma_start3A_630 = tpu.memref_slice %arg7[%add3A_254, %dma_start3A_629] : memref<10112x16xf32, #tpu.memory_space<vmem_shared>> -> memref<158x16xf32, #tpu.memory_space<vmem_shared>>
      tpu.enqueue_dma source(%arg9 : memref<158x16xf32, #tpu.memory_space<vmem>>) target(%dma_start3A_630 : memref<158x16xf32, #tpu.memory_space<vmem_shared>>) target_semaphore(%run_scoped3A : memref<!tpu.dma_semaphore, #tpu.memory_space<semaphore_mem>>)
      %dma_wait3A_631 = arith.constant 0 : i32
      %dma_wait3A_632 = tpu.memref_slice %arg7[%add3A_254, %dma_wait3A_631] : memref<10112x16xf32, #tpu.memory_space<vmem_shared>> -> memref<158x16xf32, #tpu.memory_space<vmem_shared>>
      %dma_wait3A_633 = arith.constant 0 : i32
      %dma_wait3A_634 = tpu.memref_slice %arg7[%add3A_254, %dma_wait3A_633] : memref<10112x16xf32, #tpu.memory_space<vmem_shared>> -> memref<158x16xf32, #tpu.memory_space<vmem_shared>>
      tpu.wait_dma2 semaphore(%run_scoped3A : memref<!tpu.dma_semaphore, #tpu.memory_space<semaphore_mem>>) src(%arg9 : memref<158x16xf32, #tpu.memory_space<vmem>>) dst(%dma_wait3A_634 : memref<158x16xf32, #tpu.memory_space<vmem_shared>>)
      tpu.yield
    }) : () -> ()
    %add3A_255 = arith.constant 474 : i32
    %add3A_256 = arith.addi %multiple_of3A, %add3A_255 : i32
    "tpu.region"() ({
      %run_scoped3A = tpu.sem_alloc : memref<!tpu.dma_semaphore, #tpu.memory_space<semaphore_mem>>
      %dma_start3A_627 = arith.constant 0 : i32
      %dma_start3A_628 = tpu.memref_slice %arg6[%add3A_256, %dma_start3A_627] : memref<10112x64xf32, #tpu.memory_space<vmem_shared>> -> memref<158x64xf32, #tpu.memory_space<vmem_shared>>
      %dma_start3A_629 = arith.constant 0 : i32
      %dma_start3A_630 = tpu.memref_slice %arg6[%add3A_256, %dma_start3A_629] : memref<10112x64xf32, #tpu.memory_space<vmem_shared>> -> memref<158x64xf32, #tpu.memory_space<vmem_shared>>
      tpu.enqueue_dma source(%arg8 : memref<158x64xf32, #tpu.memory_space<vmem>>) target(%dma_start3A_630 : memref<158x64xf32, #tpu.memory_space<vmem_shared>>) target_semaphore(%run_scoped3A : memref<!tpu.dma_semaphore, #tpu.memory_space<semaphore_mem>>)
      %dma_wait3A_631 = arith.constant 0 : i32
      %dma_wait3A_632 = tpu.memref_slice %arg6[%add3A_256, %dma_wait3A_631] : memref<10112x64xf32, #tpu.memory_space<vmem_shared>> -> memref<158x64xf32, #tpu.memory_space<vmem_shared>>
      %dma_wait3A_633 = arith.constant 0 : i32
      %dma_wait3A_634 = tpu.memref_slice %arg6[%add3A_256, %dma_wait3A_633] : memref<10112x64xf32, #tpu.memory_space<vmem_shared>> -> memref<158x64xf32, #tpu.memory_space<vmem_shared>>
      tpu.wait_dma2 semaphore(%run_scoped3A : memref<!tpu.dma_semaphore, #tpu.memory_space<semaphore_mem>>) src(%arg8 : memref<158x64xf32, #tpu.memory_space<vmem>>) dst(%dma_wait3A_634 : memref<158x64xf32, #tpu.memory_space<vmem_shared>>)
      tpu.yield
    }) : () -> ()
    %add3A_257 = arith.constant 474 : i32
    %add3A_258 = arith.addi %multiple_of3A, %add3A_257 : i32
    "tpu.region"() ({
      %run_scoped3A = tpu.sem_alloc : memref<!tpu.dma_semaphore, #tpu.memory_space<semaphore_mem>>
      %dma_start3A_627 = arith.constant 0 : i32
      %dma_start3A_628 = tpu.memref_slice %arg7[%add3A_258, %dma_start3A_627] : memref<10112x16xf32, #tpu.memory_space<vmem_shared>> -> memref<158x16xf32, #tpu.memory_space<vmem_shared>>
      %dma_start3A_629 = arith.constant 0 : i32
      %dma_start3A_630 = tpu.memref_slice %arg7[%add3A_258, %dma_start3A_629] : memref<10112x16xf32, #tpu.memory_space<vmem_shared>> -> memref<158x16xf32, #tpu.memory_space<vmem_shared>>
      tpu.enqueue_dma source(%arg9 : memref<158x16xf32, #tpu.memory_space<vmem>>) target(%dma_start3A_630 : memref<158x16xf32, #tpu.memory_space<vmem_shared>>) target_semaphore(%run_scoped3A : memref<!tpu.dma_semaphore, #tpu.memory_space<semaphore_mem>>)
      %dma_wait3A_631 = arith.constant 0 : i32
      %dma_wait3A_632 = tpu.memref_slice %arg7[%add3A_258, %dma_wait3A_631] : memref<10112x16xf32, #tpu.memory_space<vmem_shared>> -> memref<158x16xf32, #tpu.memory_space<vmem_shared>>
      %dma_wait3A_633 = arith.constant 0 : i32
      %dma_wait3A_634 = tpu.memref_slice %arg7[%add3A_258, %dma_wait3A_633] : memref<10112x16xf32, #tpu.memory_space<vmem_shared>> -> memref<158x16xf32, #tpu.memory_space<vmem_shared>>
      tpu.wait_dma2 semaphore(%run_scoped3A : memref<!tpu.dma_semaphore, #tpu.memory_space<semaphore_mem>>) src(%arg9 : memref<158x16xf32, #tpu.memory_space<vmem>>) dst(%dma_wait3A_634 : memref<158x16xf32, #tpu.memory_space<vmem_shared>>)
      tpu.yield
    }) : () -> ()
    %barrier3A = arith.constant 0 : index
    tpu.barrier barrier_id(%barrier3A)
    %dma_wait3A = arith.constant 0 : i32
    %dma_wait3A_259 = arith.constant 0 : i32
    %dma_wait3A_260 = arith.constant 0 : i32
    %dma_wait3A_261 = arith.constant 0 : i32
    %dma_wait3A_262 = tpu.memref_slice %arg11[%dma_wait3A_260, %dma_wait3A_261] : memref<2x125xi32, #tpu.memory_space<vmem>> -> memref<1x125xi32, #tpu.memory_space<vmem>>
    %dma_wait3A_263 = tpu.memref_squeeze %dma_wait3A_262 : memref<1x125xi32, #tpu.memory_space<vmem>> -> memref<125xi32, #tpu.memory_space<vmem>>
    %dma_wait3A_264 = arith.constant 0 : i32
    %dma_wait3A_265 = arith.constant 0 : i32
    %dma_wait3A_266 = tpu.memref_slice %arg3[%dma_wait3A, %arg1, %dma_wait3A_264, %dma_wait3A_265] : memref<2x16x160x125xi32, #tpu.memory_space<hbm>> -> memref<1x1x160x125xi32, #tpu.memory_space<hbm>>
    %dma_wait3A_267 = tpu.memref_squeeze %dma_wait3A_266 : memref<1x1x160x125xi32, #tpu.memory_space<hbm>> -> memref<160x125xi32, #tpu.memory_space<hbm>>
    %dma_wait3A_268 = arith.constant 0 : i32
    %dma_wait3A_269 = tpu.memref_slice %dma_wait3A_267[%dma_wait3A_259, %dma_wait3A_268] : memref<160x125xi32, #tpu.memory_space<hbm>> -> memref<1x125xi32, #tpu.memory_space<hbm>>
    %dma_wait3A_270 = tpu.memref_squeeze %dma_wait3A_269 : memref<1x125xi32, #tpu.memory_space<hbm>> -> memref<125xi32, #tpu.memory_space<hbm>>
    %dma_wait3A_271 = arith.constant 0 : i32
    %dma_wait3A_272 = tpu.memref_slice %arg11[%dma_wait3A_260, %dma_wait3A_271] : memref<2x125xi32, #tpu.memory_space<vmem>> -> memref<1x125xi32, #tpu.memory_space<vmem>>
    %dma_wait3A_273 = tpu.memref_squeeze %dma_wait3A_272 : memref<1x125xi32, #tpu.memory_space<vmem>> -> memref<125xi32, #tpu.memory_space<vmem>>
    %dma_wait3A_274 = arith.constant 0 : i32
    %dma_wait3A_275 = arith.constant 0 : i32
    %dma_wait3A_276 = tpu.memref_slice %arg3[%dma_wait3A, %arg1, %dma_wait3A_274, %dma_wait3A_275] : memref<2x16x160x125xi32, #tpu.memory_space<hbm>> -> memref<1x1x160x125xi32, #tpu.memory_space<hbm>>
    %dma_wait3A_277 = tpu.memref_squeeze %dma_wait3A_276 : memref<1x1x160x125xi32, #tpu.memory_space<hbm>> -> memref<160x125xi32, #tpu.memory_space<hbm>>
    %dma_wait3A_278 = arith.constant 0 : i32
    %dma_wait3A_279 = tpu.memref_slice %dma_wait3A_277[%dma_wait3A_259, %dma_wait3A_278] : memref<160x125xi32, #tpu.memory_space<hbm>> -> memref<1x125xi32, #tpu.memory_space<hbm>>
    %dma_wait3A_280 = tpu.memref_squeeze %dma_wait3A_279 : memref<1x125xi32, #tpu.memory_space<hbm>> -> memref<125xi32, #tpu.memory_space<hbm>>
    tpu.wait_dma2 semaphore(%arg21 : memref<!tpu.dma_semaphore, #tpu.memory_space<semaphore_mem>>) src(%dma_wait3A_280 : memref<125xi32, #tpu.memory_space<hbm>>) dst(%dma_wait3A_273 : memref<125xi32, #tpu.memory_space<vmem>>)
    %dma_wait3A_281 = arith.constant 1 : i32
    %dma_wait3A_282 = arith.constant 0 : i32
    %dma_wait3A_283 = arith.constant 1 : i32
    %dma_wait3A_284 = arith.constant 0 : i32
    %dma_wait3A_285 = tpu.memref_slice %arg11[%dma_wait3A_283, %dma_wait3A_284] : memref<2x125xi32, #tpu.memory_space<vmem>> -> memref<1x125xi32, #tpu.memory_space<vmem>>
    %dma_wait3A_286 = tpu.memref_squeeze %dma_wait3A_285 : memref<1x125xi32, #tpu.memory_space<vmem>> -> memref<125xi32, #tpu.memory_space<vmem>>
    %dma_wait3A_287 = arith.constant 0 : i32
    %dma_wait3A_288 = arith.constant 0 : i32
    %dma_wait3A_289 = tpu.memref_slice %arg3[%dma_wait3A_281, %arg1, %dma_wait3A_287, %dma_wait3A_288] : memref<2x16x160x125xi32, #tpu.memory_space<hbm>> -> memref<1x1x160x125xi32, #tpu.memory_space<hbm>>
    %dma_wait3A_290 = tpu.memref_squeeze %dma_wait3A_289 : memref<1x1x160x125xi32, #tpu.memory_space<hbm>> -> memref<160x125xi32, #tpu.memory_space<hbm>>
    %dma_wait3A_291 = arith.constant 0 : i32
    %dma_wait3A_292 = tpu.memref_slice %dma_wait3A_290[%dma_wait3A_282, %dma_wait3A_291] : memref<160x125xi32, #tpu.memory_space<hbm>> -> memref<1x125xi32, #tpu.memory_space<hbm>>
    %dma_wait3A_293 = tpu.memref_squeeze %dma_wait3A_292 : memref<1x125xi32, #tpu.memory_space<hbm>> -> memref<125xi32, #tpu.memory_space<hbm>>
    %dma_wait3A_294 = arith.constant 0 : i32
    %dma_wait3A_295 = tpu.memref_slice %arg11[%dma_wait3A_283, %dma_wait3A_294] : memref<2x125xi32, #tpu.memory_space<vmem>> -> memref<1x125xi32, #tpu.memory_space<vmem>>
    %dma_wait3A_296 = tpu.memref_squeeze %dma_wait3A_295 : memref<1x125xi32, #tpu.memory_space<vmem>> -> memref<125xi32, #tpu.memory_space<vmem>>
    %dma_wait3A_297 = arith.constant 0 : i32
    %dma_wait3A_298 = arith.constant 0 : i32
    %dma_wait3A_299 = tpu.memref_slice %arg3[%dma_wait3A_281, %arg1, %dma_wait3A_297, %dma_wait3A_298] : memref<2x16x160x125xi32, #tpu.memory_space<hbm>> -> memref<1x1x160x125xi32, #tpu.memory_space<hbm>>
    %dma_wait3A_300 = tpu.memref_squeeze %dma_wait3A_299 : memref<1x1x160x125xi32, #tpu.memory_space<hbm>> -> memref<160x125xi32, #tpu.memory_space<hbm>>
    %dma_wait3A_301 = arith.constant 0 : i32
    %dma_wait3A_302 = tpu.memref_slice %dma_wait3A_300[%dma_wait3A_282, %dma_wait3A_301] : memref<160x125xi32, #tpu.memory_space<hbm>> -> memref<1x125xi32, #tpu.memory_space<hbm>>
    %dma_wait3A_303 = tpu.memref_squeeze %dma_wait3A_302 : memref<1x125xi32, #tpu.memory_space<hbm>> -> memref<125xi32, #tpu.memory_space<hbm>>
    tpu.wait_dma2 semaphore(%arg21 : memref<!tpu.dma_semaphore, #tpu.memory_space<semaphore_mem>>) src(%dma_wait3A_303 : memref<125xi32, #tpu.memory_space<hbm>>) dst(%dma_wait3A_296 : memref<125xi32, #tpu.memory_space<vmem>>)
    %dma_start3A_304 = arith.constant 0 : i32
    %dma_start3A_305 = arith.constant 0 : i32
    %dma_start3A_306 = tpu.memref_slice %arg11[%dma_start3A_304, %dma_start3A_305] : memref<2x125xi32, #tpu.memory_space<vmem>> -> memref<1x125xi32, #tpu.memory_space<vmem>>
    %dma_start3A_307 = tpu.memref_squeeze %dma_start3A_306 : memref<1x125xi32, #tpu.memory_space<vmem>> -> memref<125xi32, #tpu.memory_space<vmem>>
    %dma_start3A_308 = arith.constant 0 : i32
    %dma_start3A_309 = tpu.memref_slice %arg2[%arg0, %dma_start3A_308] : memref<20000x64xf32, #tpu.memory_space<hbm>> -> memref<19999x64xf32, #tpu.memory_space<hbm>>
    %dma_start3A_310 = arith.constant 0 : i32
    %dma_start3A_311 = arith.constant 0 : i32
    %dma_start3A_312 = tpu.memref_slice %dma_start3A_309[%dma_start3A_310, %dma_start3A_311] : memref<19999x64xf32, #tpu.memory_space<hbm>> -> memref<19999x64xf32, #tpu.memory_space<hbm>>
    tpu.enqueue_indirect_dma source(%dma_start3A_312 : memref<19999x64xf32, #tpu.memory_space<hbm>>) target(%arg16 : memref<125x64xf32, #tpu.memory_space<vmem>>) offsets(%dma_start3A_307 : memref<125xi32, #tpu.memory_space<vmem>>) semaphore(%arg26 : memref<!tpu.dma_semaphore, #tpu.memory_space<semaphore_mem>>)
    %dma_wait3A_313 = arith.constant 0 : i32
    %dma_wait3A_314 = arith.constant 1 : i32
    %dma_wait3A_315 = arith.constant 0 : i32
    %dma_wait3A_316 = arith.constant 0 : i32
    %dma_wait3A_317 = tpu.memref_slice %arg12[%dma_wait3A_315, %dma_wait3A_316] : memref<2x125xi32, #tpu.memory_space<vmem>> -> memref<1x125xi32, #tpu.memory_space<vmem>>
    %dma_wait3A_318 = tpu.memref_squeeze %dma_wait3A_317 : memref<1x125xi32, #tpu.memory_space<vmem>> -> memref<125xi32, #tpu.memory_space<vmem>>
    %dma_wait3A_319 = arith.constant 0 : i32
    %dma_wait3A_320 = arith.constant 0 : i32
    %dma_wait3A_321 = tpu.memref_slice %arg3[%dma_wait3A_313, %arg1, %dma_wait3A_319, %dma_wait3A_320] : memref<2x16x160x125xi32, #tpu.memory_space<hbm>> -> memref<1x1x160x125xi32, #tpu.memory_space<hbm>>
    %dma_wait3A_322 = tpu.memref_squeeze %dma_wait3A_321 : memref<1x1x160x125xi32, #tpu.memory_space<hbm>> -> memref<160x125xi32, #tpu.memory_space<hbm>>
    %dma_wait3A_323 = arith.constant 0 : i32
    %dma_wait3A_324 = tpu.memref_slice %dma_wait3A_322[%dma_wait3A_314, %dma_wait3A_323] : memref<160x125xi32, #tpu.memory_space<hbm>> -> memref<1x125xi32, #tpu.memory_space<hbm>>
    %dma_wait3A_325 = tpu.memref_squeeze %dma_wait3A_324 : memref<1x125xi32, #tpu.memory_space<hbm>> -> memref<125xi32, #tpu.memory_space<hbm>>
    %dma_wait3A_326 = arith.constant 0 : i32
    %dma_wait3A_327 = tpu.memref_slice %arg12[%dma_wait3A_315, %dma_wait3A_326] : memref<2x125xi32, #tpu.memory_space<vmem>> -> memref<1x125xi32, #tpu.memory_space<vmem>>
    %dma_wait3A_328 = tpu.memref_squeeze %dma_wait3A_327 : memref<1x125xi32, #tpu.memory_space<vmem>> -> memref<125xi32, #tpu.memory_space<vmem>>
    %dma_wait3A_329 = arith.constant 0 : i32
    %dma_wait3A_330 = arith.constant 0 : i32
    %dma_wait3A_331 = tpu.memref_slice %arg3[%dma_wait3A_313, %arg1, %dma_wait3A_329, %dma_wait3A_330] : memref<2x16x160x125xi32, #tpu.memory_space<hbm>> -> memref<1x1x160x125xi32, #tpu.memory_space<hbm>>
    %dma_wait3A_332 = tpu.memref_squeeze %dma_wait3A_331 : memref<1x1x160x125xi32, #tpu.memory_space<hbm>> -> memref<160x125xi32, #tpu.memory_space<hbm>>
    %dma_wait3A_333 = arith.constant 0 : i32
    %dma_wait3A_334 = tpu.memref_slice %dma_wait3A_332[%dma_wait3A_314, %dma_wait3A_333] : memref<160x125xi32, #tpu.memory_space<hbm>> -> memref<1x125xi32, #tpu.memory_space<hbm>>
    %dma_wait3A_335 = tpu.memref_squeeze %dma_wait3A_334 : memref<1x125xi32, #tpu.memory_space<hbm>> -> memref<125xi32, #tpu.memory_space<hbm>>
    tpu.wait_dma2 semaphore(%arg22 : memref<!tpu.dma_semaphore, #tpu.memory_space<semaphore_mem>>) src(%dma_wait3A_335 : memref<125xi32, #tpu.memory_space<hbm>>) dst(%dma_wait3A_328 : memref<125xi32, #tpu.memory_space<vmem>>)
    %dma_wait3A_336 = arith.constant 1 : i32
    %dma_wait3A_337 = arith.constant 1 : i32
    %dma_wait3A_338 = arith.constant 1 : i32
    %dma_wait3A_339 = arith.constant 0 : i32
    %dma_wait3A_340 = tpu.memref_slice %arg12[%dma_wait3A_338, %dma_wait3A_339] : memref<2x125xi32, #tpu.memory_space<vmem>> -> memref<1x125xi32, #tpu.memory_space<vmem>>
    %dma_wait3A_341 = tpu.memref_squeeze %dma_wait3A_340 : memref<1x125xi32, #tpu.memory_space<vmem>> -> memref<125xi32, #tpu.memory_space<vmem>>
    %dma_wait3A_342 = arith.constant 0 : i32
    %dma_wait3A_343 = arith.constant 0 : i32
    %dma_wait3A_344 = tpu.memref_slice %arg3[%dma_wait3A_336, %arg1, %dma_wait3A_342, %dma_wait3A_343] : memref<2x16x160x125xi32, #tpu.memory_space<hbm>> -> memref<1x1x160x125xi32, #tpu.memory_space<hbm>>
    %dma_wait3A_345 = tpu.memref_squeeze %dma_wait3A_344 : memref<1x1x160x125xi32, #tpu.memory_space<hbm>> -> memref<160x125xi32, #tpu.memory_space<hbm>>
    %dma_wait3A_346 = arith.constant 0 : i32
    %dma_wait3A_347 = tpu.memref_slice %dma_wait3A_345[%dma_wait3A_337, %dma_wait3A_346] : memref<160x125xi32, #tpu.memory_space<hbm>> -> memref<1x125xi32, #tpu.memory_space<hbm>>
    %dma_wait3A_348 = tpu.memref_squeeze %dma_wait3A_347 : memref<1x125xi32, #tpu.memory_space<hbm>> -> memref<125xi32, #tpu.memory_space<hbm>>
    %dma_wait3A_349 = arith.constant 0 : i32
    %dma_wait3A_350 = tpu.memref_slice %arg12[%dma_wait3A_338, %dma_wait3A_349] : memref<2x125xi32, #tpu.memory_space<vmem>> -> memref<1x125xi32, #tpu.memory_space<vmem>>
    %dma_wait3A_351 = tpu.memref_squeeze %dma_wait3A_350 : memref<1x125xi32, #tpu.memory_space<vmem>> -> memref<125xi32, #tpu.memory_space<vmem>>
    %dma_wait3A_352 = arith.constant 0 : i32
    %dma_wait3A_353 = arith.constant 0 : i32
    %dma_wait3A_354 = tpu.memref_slice %arg3[%dma_wait3A_336, %arg1, %dma_wait3A_352, %dma_wait3A_353] : memref<2x16x160x125xi32, #tpu.memory_space<hbm>> -> memref<1x1x160x125xi32, #tpu.memory_space<hbm>>
    %dma_wait3A_355 = tpu.memref_squeeze %dma_wait3A_354 : memref<1x1x160x125xi32, #tpu.memory_space<hbm>> -> memref<160x125xi32, #tpu.memory_space<hbm>>
    %dma_wait3A_356 = arith.constant 0 : i32
    %dma_wait3A_357 = tpu.memref_slice %dma_wait3A_355[%dma_wait3A_337, %dma_wait3A_356] : memref<160x125xi32, #tpu.memory_space<hbm>> -> memref<1x125xi32, #tpu.memory_space<hbm>>
    %dma_wait3A_358 = tpu.memref_squeeze %dma_wait3A_357 : memref<1x125xi32, #tpu.memory_space<hbm>> -> memref<125xi32, #tpu.memory_space<hbm>>
    tpu.wait_dma2 semaphore(%arg22 : memref<!tpu.dma_semaphore, #tpu.memory_space<semaphore_mem>>) src(%dma_wait3A_358 : memref<125xi32, #tpu.memory_space<hbm>>) dst(%dma_wait3A_351 : memref<125xi32, #tpu.memory_space<vmem>>)
    %dma_start3A_359 = arith.constant 0 : i32
    %dma_start3A_360 = arith.constant 0 : i32
    %dma_start3A_361 = tpu.memref_slice %arg12[%dma_start3A_359, %dma_start3A_360] : memref<2x125xi32, #tpu.memory_space<vmem>> -> memref<1x125xi32, #tpu.memory_space<vmem>>
    %dma_start3A_362 = tpu.memref_squeeze %dma_start3A_361 : memref<1x125xi32, #tpu.memory_space<vmem>> -> memref<125xi32, #tpu.memory_space<vmem>>
    %dma_start3A_363 = arith.constant 0 : i32
    %dma_start3A_364 = tpu.memref_slice %arg2[%arg0, %dma_start3A_363] : memref<20000x64xf32, #tpu.memory_space<hbm>> -> memref<19999x64xf32, #tpu.memory_space<hbm>>
    %dma_start3A_365 = arith.constant 0 : i32
    %dma_start3A_366 = arith.constant 0 : i32
    %dma_start3A_367 = tpu.memref_slice %dma_start3A_364[%dma_start3A_365, %dma_start3A_366] : memref<19999x64xf32, #tpu.memory_space<hbm>> -> memref<19999x64xf32, #tpu.memory_space<hbm>>
    tpu.enqueue_indirect_dma source(%dma_start3A_367 : memref<19999x64xf32, #tpu.memory_space<hbm>>) target(%arg17 : memref<125x64xf32, #tpu.memory_space<vmem>>) offsets(%dma_start3A_362 : memref<125xi32, #tpu.memory_space<vmem>>) semaphore(%arg27 : memref<!tpu.dma_semaphore, #tpu.memory_space<semaphore_mem>>)
    %dma_wait3A_368 = arith.constant 0 : i32
    %dma_wait3A_369 = arith.constant 2 : i32
    %dma_wait3A_370 = arith.constant 0 : i32
    %dma_wait3A_371 = arith.constant 0 : i32
    %dma_wait3A_372 = tpu.memref_slice %arg13[%dma_wait3A_370, %dma_wait3A_371] : memref<2x125xi32, #tpu.memory_space<vmem>> -> memref<1x125xi32, #tpu.memory_space<vmem>>
    %dma_wait3A_373 = tpu.memref_squeeze %dma_wait3A_372 : memref<1x125xi32, #tpu.memory_space<vmem>> -> memref<125xi32, #tpu.memory_space<vmem>>
    %dma_wait3A_374 = arith.constant 0 : i32
    %dma_wait3A_375 = arith.constant 0 : i32
    %dma_wait3A_376 = tpu.memref_slice %arg3[%dma_wait3A_368, %arg1, %dma_wait3A_374, %dma_wait3A_375] : memref<2x16x160x125xi32, #tpu.memory_space<hbm>> -> memref<1x1x160x125xi32, #tpu.memory_space<hbm>>
    %dma_wait3A_377 = tpu.memref_squeeze %dma_wait3A_376 : memref<1x1x160x125xi32, #tpu.memory_space<hbm>> -> memref<160x125xi32, #tpu.memory_space<hbm>>
    %dma_wait3A_378 = arith.constant 0 : i32
    %dma_wait3A_379 = tpu.memref_slice %dma_wait3A_377[%dma_wait3A_369, %dma_wait3A_378] : memref<160x125xi32, #tpu.memory_space<hbm>> -> memref<1x125xi32, #tpu.memory_space<hbm>>
    %dma_wait3A_380 = tpu.memref_squeeze %dma_wait3A_379 : memref<1x125xi32, #tpu.memory_space<hbm>> -> memref<125xi32, #tpu.memory_space<hbm>>
    %dma_wait3A_381 = arith.constant 0 : i32
    %dma_wait3A_382 = tpu.memref_slice %arg13[%dma_wait3A_370, %dma_wait3A_381] : memref<2x125xi32, #tpu.memory_space<vmem>> -> memref<1x125xi32, #tpu.memory_space<vmem>>
    %dma_wait3A_383 = tpu.memref_squeeze %dma_wait3A_382 : memref<1x125xi32, #tpu.memory_space<vmem>> -> memref<125xi32, #tpu.memory_space<vmem>>
    %dma_wait3A_384 = arith.constant 0 : i32
    %dma_wait3A_385 = arith.constant 0 : i32
    %dma_wait3A_386 = tpu.memref_slice %arg3[%dma_wait3A_368, %arg1, %dma_wait3A_384, %dma_wait3A_385] : memref<2x16x160x125xi32, #tpu.memory_space<hbm>> -> memref<1x1x160x125xi32, #tpu.memory_space<hbm>>
    %dma_wait3A_387 = tpu.memref_squeeze %dma_wait3A_386 : memref<1x1x160x125xi32, #tpu.memory_space<hbm>> -> memref<160x125xi32, #tpu.memory_space<hbm>>
    %dma_wait3A_388 = arith.constant 0 : i32
    %dma_wait3A_389 = tpu.memref_slice %dma_wait3A_387[%dma_wait3A_369, %dma_wait3A_388] : memref<160x125xi32, #tpu.memory_space<hbm>> -> memref<1x125xi32, #tpu.memory_space<hbm>>
    %dma_wait3A_390 = tpu.memref_squeeze %dma_wait3A_389 : memref<1x125xi32, #tpu.memory_space<hbm>> -> memref<125xi32, #tpu.memory_space<hbm>>
    tpu.wait_dma2 semaphore(%arg23 : memref<!tpu.dma_semaphore, #tpu.memory_space<semaphore_mem>>) src(%dma_wait3A_390 : memref<125xi32, #tpu.memory_space<hbm>>) dst(%dma_wait3A_383 : memref<125xi32, #tpu.memory_space<vmem>>)
    %dma_wait3A_391 = arith.constant 1 : i32
    %dma_wait3A_392 = arith.constant 2 : i32
    %dma_wait3A_393 = arith.constant 1 : i32
    %dma_wait3A_394 = arith.constant 0 : i32
    %dma_wait3A_395 = tpu.memref_slice %arg13[%dma_wait3A_393, %dma_wait3A_394] : memref<2x125xi32, #tpu.memory_space<vmem>> -> memref<1x125xi32, #tpu.memory_space<vmem>>
    %dma_wait3A_396 = tpu.memref_squeeze %dma_wait3A_395 : memref<1x125xi32, #tpu.memory_space<vmem>> -> memref<125xi32, #tpu.memory_space<vmem>>
    %dma_wait3A_397 = arith.constant 0 : i32
    %dma_wait3A_398 = arith.constant 0 : i32
    %dma_wait3A_399 = tpu.memref_slice %arg3[%dma_wait3A_391, %arg1, %dma_wait3A_397, %dma_wait3A_398] : memref<2x16x160x125xi32, #tpu.memory_space<hbm>> -> memref<1x1x160x125xi32, #tpu.memory_space<hbm>>
    %dma_wait3A_400 = tpu.memref_squeeze %dma_wait3A_399 : memref<1x1x160x125xi32, #tpu.memory_space<hbm>> -> memref<160x125xi32, #tpu.memory_space<hbm>>
    %dma_wait3A_401 = arith.constant 0 : i32
    %dma_wait3A_402 = tpu.memref_slice %dma_wait3A_400[%dma_wait3A_392, %dma_wait3A_401] : memref<160x125xi32, #tpu.memory_space<hbm>> -> memref<1x125xi32, #tpu.memory_space<hbm>>
    %dma_wait3A_403 = tpu.memref_squeeze %dma_wait3A_402 : memref<1x125xi32, #tpu.memory_space<hbm>> -> memref<125xi32, #tpu.memory_space<hbm>>
    %dma_wait3A_404 = arith.constant 0 : i32
    %dma_wait3A_405 = tpu.memref_slice %arg13[%dma_wait3A_393, %dma_wait3A_404] : memref<2x125xi32, #tpu.memory_space<vmem>> -> memref<1x125xi32, #tpu.memory_space<vmem>>
    %dma_wait3A_406 = tpu.memref_squeeze %dma_wait3A_405 : memref<1x125xi32, #tpu.memory_space<vmem>> -> memref<125xi32, #tpu.memory_space<vmem>>
    %dma_wait3A_407 = arith.constant 0 : i32
    %dma_wait3A_408 = arith.constant 0 : i32
    %dma_wait3A_409 = tpu.memref_slice %arg3[%dma_wait3A_391, %arg1, %dma_wait3A_407, %dma_wait3A_408] : memref<2x16x160x125xi32, #tpu.memory_space<hbm>> -> memref<1x1x160x125xi32, #tpu.memory_space<hbm>>
    %dma_wait3A_410 = tpu.memref_squeeze %dma_wait3A_409 : memref<1x1x160x125xi32, #tpu.memory_space<hbm>> -> memref<160x125xi32, #tpu.memory_space<hbm>>
    %dma_wait3A_411 = arith.constant 0 : i32
    %dma_wait3A_412 = tpu.memref_slice %dma_wait3A_410[%dma_wait3A_392, %dma_wait3A_411] : memref<160x125xi32, #tpu.memory_space<hbm>> -> memref<1x125xi32, #tpu.memory_space<hbm>>
    %dma_wait3A_413 = tpu.memref_squeeze %dma_wait3A_412 : memref<1x125xi32, #tpu.memory_space<hbm>> -> memref<125xi32, #tpu.memory_space<hbm>>
    tpu.wait_dma2 semaphore(%arg23 : memref<!tpu.dma_semaphore, #tpu.memory_space<semaphore_mem>>) src(%dma_wait3A_413 : memref<125xi32, #tpu.memory_space<hbm>>) dst(%dma_wait3A_406 : memref<125xi32, #tpu.memory_space<vmem>>)
    %dma_start3A_414 = arith.constant 0 : i32
    %dma_start3A_415 = arith.constant 0 : i32
    %dma_start3A_416 = tpu.memref_slice %arg13[%dma_start3A_414, %dma_start3A_415] : memref<2x125xi32, #tpu.memory_space<vmem>> -> memref<1x125xi32, #tpu.memory_space<vmem>>
    %dma_start3A_417 = tpu.memref_squeeze %dma_start3A_416 : memref<1x125xi32, #tpu.memory_space<vmem>> -> memref<125xi32, #tpu.memory_space<vmem>>
    %dma_start3A_418 = arith.constant 0 : i32
    %dma_start3A_419 = tpu.memref_slice %arg2[%arg0, %dma_start3A_418] : memref<20000x64xf32, #tpu.memory_space<hbm>> -> memref<19999x64xf32, #tpu.memory_space<hbm>>
    %dma_start3A_420 = arith.constant 0 : i32
    %dma_start3A_421 = arith.constant 0 : i32
    %dma_start3A_422 = tpu.memref_slice %dma_start3A_419[%dma_start3A_420, %dma_start3A_421] : memref<19999x64xf32, #tpu.memory_space<hbm>> -> memref<19999x64xf32, #tpu.memory_space<hbm>>
    tpu.enqueue_indirect_dma source(%dma_start3A_422 : memref<19999x64xf32, #tpu.memory_space<hbm>>) target(%arg18 : memref<125x64xf32, #tpu.memory_space<vmem>>) offsets(%dma_start3A_417 : memref<125xi32, #tpu.memory_space<vmem>>) semaphore(%arg28 : memref<!tpu.dma_semaphore, #tpu.memory_space<semaphore_mem>>)
    %dma_wait3A_423 = arith.constant 0 : i32
    %dma_wait3A_424 = arith.constant 3 : i32
    %dma_wait3A_425 = arith.constant 0 : i32
    %dma_wait3A_426 = arith.constant 0 : i32
    %dma_wait3A_427 = tpu.memref_slice %arg14[%dma_wait3A_425, %dma_wait3A_426] : memref<2x125xi32, #tpu.memory_space<vmem>> -> memref<1x125xi32, #tpu.memory_space<vmem>>
    %dma_wait3A_428 = tpu.memref_squeeze %dma_wait3A_427 : memref<1x125xi32, #tpu.memory_space<vmem>> -> memref<125xi32, #tpu.memory_space<vmem>>
    %dma_wait3A_429 = arith.constant 0 : i32
    %dma_wait3A_430 = arith.constant 0 : i32
    %dma_wait3A_431 = tpu.memref_slice %arg3[%dma_wait3A_423, %arg1, %dma_wait3A_429, %dma_wait3A_430] : memref<2x16x160x125xi32, #tpu.memory_space<hbm>> -> memref<1x1x160x125xi32, #tpu.memory_space<hbm>>
    %dma_wait3A_432 = tpu.memref_squeeze %dma_wait3A_431 : memref<1x1x160x125xi32, #tpu.memory_space<hbm>> -> memref<160x125xi32, #tpu.memory_space<hbm>>
    %dma_wait3A_433 = arith.constant 0 : i32
    %dma_wait3A_434 = tpu.memref_slice %dma_wait3A_432[%dma_wait3A_424, %dma_wait3A_433] : memref<160x125xi32, #tpu.memory_space<hbm>> -> memref<1x125xi32, #tpu.memory_space<hbm>>
    %dma_wait3A_435 = tpu.memref_squeeze %dma_wait3A_434 : memref<1x125xi32, #tpu.memory_space<hbm>> -> memref<125xi32, #tpu.memory_space<hbm>>
    %dma_wait3A_436 = arith.constant 0 : i32
    %dma_wait3A_437 = tpu.memref_slice %arg14[%dma_wait3A_425, %dma_wait3A_436] : memref<2x125xi32, #tpu.memory_space<vmem>> -> memref<1x125xi32, #tpu.memory_space<vmem>>
    %dma_wait3A_438 = tpu.memref_squeeze %dma_wait3A_437 : memref<1x125xi32, #tpu.memory_space<vmem>> -> memref<125xi32, #tpu.memory_space<vmem>>
    %dma_wait3A_439 = arith.constant 0 : i32
    %dma_wait3A_440 = arith.constant 0 : i32
    %dma_wait3A_441 = tpu.memref_slice %arg3[%dma_wait3A_423, %arg1, %dma_wait3A_439, %dma_wait3A_440] : memref<2x16x160x125xi32, #tpu.memory_space<hbm>> -> memref<1x1x160x125xi32, #tpu.memory_space<hbm>>
    %dma_wait3A_442 = tpu.memref_squeeze %dma_wait3A_441 : memref<1x1x160x125xi32, #tpu.memory_space<hbm>> -> memref<160x125xi32, #tpu.memory_space<hbm>>
    %dma_wait3A_443 = arith.constant 0 : i32
    %dma_wait3A_444 = tpu.memref_slice %dma_wait3A_442[%dma_wait3A_424, %dma_wait3A_443] : memref<160x125xi32, #tpu.memory_space<hbm>> -> memref<1x125xi32, #tpu.memory_space<hbm>>
    %dma_wait3A_445 = tpu.memref_squeeze %dma_wait3A_444 : memref<1x125xi32, #tpu.memory_space<hbm>> -> memref<125xi32, #tpu.memory_space<hbm>>
    tpu.wait_dma2 semaphore(%arg24 : memref<!tpu.dma_semaphore, #tpu.memory_space<semaphore_mem>>) src(%dma_wait3A_445 : memref<125xi32, #tpu.memory_space<hbm>>) dst(%dma_wait3A_438 : memref<125xi32, #tpu.memory_space<vmem>>)
    %dma_wait3A_446 = arith.constant 1 : i32
    %dma_wait3A_447 = arith.constant 3 : i32
    %dma_wait3A_448 = arith.constant 1 : i32
    %dma_wait3A_449 = arith.constant 0 : i32
    %dma_wait3A_450 = tpu.memref_slice %arg14[%dma_wait3A_448, %dma_wait3A_449] : memref<2x125xi32, #tpu.memory_space<vmem>> -> memref<1x125xi32, #tpu.memory_space<vmem>>
    %dma_wait3A_451 = tpu.memref_squeeze %dma_wait3A_450 : memref<1x125xi32, #tpu.memory_space<vmem>> -> memref<125xi32, #tpu.memory_space<vmem>>
    %dma_wait3A_452 = arith.constant 0 : i32
    %dma_wait3A_453 = arith.constant 0 : i32
    %dma_wait3A_454 = tpu.memref_slice %arg3[%dma_wait3A_446, %arg1, %dma_wait3A_452, %dma_wait3A_453] : memref<2x16x160x125xi32, #tpu.memory_space<hbm>> -> memref<1x1x160x125xi32, #tpu.memory_space<hbm>>
    %dma_wait3A_455 = tpu.memref_squeeze %dma_wait3A_454 : memref<1x1x160x125xi32, #tpu.memory_space<hbm>> -> memref<160x125xi32, #tpu.memory_space<hbm>>
    %dma_wait3A_456 = arith.constant 0 : i32
    %dma_wait3A_457 = tpu.memref_slice %dma_wait3A_455[%dma_wait3A_447, %dma_wait3A_456] : memref<160x125xi32, #tpu.memory_space<hbm>> -> memref<1x125xi32, #tpu.memory_space<hbm>>
    %dma_wait3A_458 = tpu.memref_squeeze %dma_wait3A_457 : memref<1x125xi32, #tpu.memory_space<hbm>> -> memref<125xi32, #tpu.memory_space<hbm>>
    %dma_wait3A_459 = arith.constant 0 : i32
    %dma_wait3A_460 = tpu.memref_slice %arg14[%dma_wait3A_448, %dma_wait3A_459] : memref<2x125xi32, #tpu.memory_space<vmem>> -> memref<1x125xi32, #tpu.memory_space<vmem>>
    %dma_wait3A_461 = tpu.memref_squeeze %dma_wait3A_460 : memref<1x125xi32, #tpu.memory_space<vmem>> -> memref<125xi32, #tpu.memory_space<vmem>>
    %dma_wait3A_462 = arith.constant 0 : i32
    %dma_wait3A_463 = arith.constant 0 : i32
    %dma_wait3A_464 = tpu.memref_slice %arg3[%dma_wait3A_446, %arg1, %dma_wait3A_462, %dma_wait3A_463] : memref<2x16x160x125xi32, #tpu.memory_space<hbm>> -> memref<1x1x160x125xi32, #tpu.memory_space<hbm>>
    %dma_wait3A_465 = tpu.memref_squeeze %dma_wait3A_464 : memref<1x1x160x125xi32, #tpu.memory_space<hbm>> -> memref<160x125xi32, #tpu.memory_space<hbm>>
    %dma_wait3A_466 = arith.constant 0 : i32
    %dma_wait3A_467 = tpu.memref_slice %dma_wait3A_465[%dma_wait3A_447, %dma_wait3A_466] : memref<160x125xi32, #tpu.memory_space<hbm>> -> memref<1x125xi32, #tpu.memory_space<hbm>>
    %dma_wait3A_468 = tpu.memref_squeeze %dma_wait3A_467 : memref<1x125xi32, #tpu.memory_space<hbm>> -> memref<125xi32, #tpu.memory_space<hbm>>
    tpu.wait_dma2 semaphore(%arg24 : memref<!tpu.dma_semaphore, #tpu.memory_space<semaphore_mem>>) src(%dma_wait3A_468 : memref<125xi32, #tpu.memory_space<hbm>>) dst(%dma_wait3A_461 : memref<125xi32, #tpu.memory_space<vmem>>)
    %dma_start3A_469 = arith.constant 0 : i32
    %dma_start3A_470 = arith.constant 0 : i32
    %dma_start3A_471 = tpu.memref_slice %arg14[%dma_start3A_469, %dma_start3A_470] : memref<2x125xi32, #tpu.memory_space<vmem>> -> memref<1x125xi32, #tpu.memory_space<vmem>>
    %dma_start3A_472 = tpu.memref_squeeze %dma_start3A_471 : memref<1x125xi32, #tpu.memory_space<vmem>> -> memref<125xi32, #tpu.memory_space<vmem>>
    %dma_start3A_473 = arith.constant 0 : i32
    %dma_start3A_474 = tpu.memref_slice %arg2[%arg0, %dma_start3A_473] : memref<20000x64xf32, #tpu.memory_space<hbm>> -> memref<19999x64xf32, #tpu.memory_space<hbm>>
    %dma_start3A_475 = arith.constant 0 : i32
    %dma_start3A_476 = arith.constant 0 : i32
    %dma_start3A_477 = tpu.memref_slice %dma_start3A_474[%dma_start3A_475, %dma_start3A_476] : memref<19999x64xf32, #tpu.memory_space<hbm>> -> memref<19999x64xf32, #tpu.memory_space<hbm>>
    tpu.enqueue_indirect_dma source(%dma_start3A_477 : memref<19999x64xf32, #tpu.memory_space<hbm>>) target(%arg19 : memref<125x64xf32, #tpu.memory_space<vmem>>) offsets(%dma_start3A_472 : memref<125xi32, #tpu.memory_space<vmem>>) semaphore(%arg29 : memref<!tpu.dma_semaphore, #tpu.memory_space<semaphore_mem>>)
    %dma_wait3A_478 = arith.constant 0 : i32
    %dma_wait3A_479 = arith.constant 4 : i32
    %dma_wait3A_480 = arith.constant 0 : i32
    %dma_wait3A_481 = arith.constant 0 : i32
    %dma_wait3A_482 = tpu.memref_slice %arg15[%dma_wait3A_480, %dma_wait3A_481] : memref<2x125xi32, #tpu.memory_space<vmem>> -> memref<1x125xi32, #tpu.memory_space<vmem>>
    %dma_wait3A_483 = tpu.memref_squeeze %dma_wait3A_482 : memref<1x125xi32, #tpu.memory_space<vmem>> -> memref<125xi32, #tpu.memory_space<vmem>>
    %dma_wait3A_484 = arith.constant 0 : i32
    %dma_wait3A_485 = arith.constant 0 : i32
    %dma_wait3A_486 = tpu.memref_slice %arg3[%dma_wait3A_478, %arg1, %dma_wait3A_484, %dma_wait3A_485] : memref<2x16x160x125xi32, #tpu.memory_space<hbm>> -> memref<1x1x160x125xi32, #tpu.memory_space<hbm>>
    %dma_wait3A_487 = tpu.memref_squeeze %dma_wait3A_486 : memref<1x1x160x125xi32, #tpu.memory_space<hbm>> -> memref<160x125xi32, #tpu.memory_space<hbm>>
    %dma_wait3A_488 = arith.constant 0 : i32
    %dma_wait3A_489 = tpu.memref_slice %dma_wait3A_487[%dma_wait3A_479, %dma_wait3A_488] : memref<160x125xi32, #tpu.memory_space<hbm>> -> memref<1x125xi32, #tpu.memory_space<hbm>>
    %dma_wait3A_490 = tpu.memref_squeeze %dma_wait3A_489 : memref<1x125xi32, #tpu.memory_space<hbm>> -> memref<125xi32, #tpu.memory_space<hbm>>
    %dma_wait3A_491 = arith.constant 0 : i32
    %dma_wait3A_492 = tpu.memref_slice %arg15[%dma_wait3A_480, %dma_wait3A_491] : memref<2x125xi32, #tpu.memory_space<vmem>> -> memref<1x125xi32, #tpu.memory_space<vmem>>
    %dma_wait3A_493 = tpu.memref_squeeze %dma_wait3A_492 : memref<1x125xi32, #tpu.memory_space<vmem>> -> memref<125xi32, #tpu.memory_space<vmem>>
    %dma_wait3A_494 = arith.constant 0 : i32
    %dma_wait3A_495 = arith.constant 0 : i32
    %dma_wait3A_496 = tpu.memref_slice %arg3[%dma_wait3A_478, %arg1, %dma_wait3A_494, %dma_wait3A_495] : memref<2x16x160x125xi32, #tpu.memory_space<hbm>> -> memref<1x1x160x125xi32, #tpu.memory_space<hbm>>
    %dma_wait3A_497 = tpu.memref_squeeze %dma_wait3A_496 : memref<1x1x160x125xi32, #tpu.memory_space<hbm>> -> memref<160x125xi32, #tpu.memory_space<hbm>>
    %dma_wait3A_498 = arith.constant 0 : i32
    %dma_wait3A_499 = tpu.memref_slice %dma_wait3A_497[%dma_wait3A_479, %dma_wait3A_498] : memref<160x125xi32, #tpu.memory_space<hbm>> -> memref<1x125xi32, #tpu.memory_space<hbm>>
    %dma_wait3A_500 = tpu.memref_squeeze %dma_wait3A_499 : memref<1x125xi32, #tpu.memory_space<hbm>> -> memref<125xi32, #tpu.memory_space<hbm>>
    tpu.wait_dma2 semaphore(%arg25 : memref<!tpu.dma_semaphore, #tpu.memory_space<semaphore_mem>>) src(%dma_wait3A_500 : memref<125xi32, #tpu.memory_space<hbm>>) dst(%dma_wait3A_493 : memref<125xi32, #tpu.memory_space<vmem>>)
    %dma_wait3A_501 = arith.constant 1 : i32
    %dma_wait3A_502 = arith.constant 4 : i32
    %dma_wait3A_503 = arith.constant 1 : i32
    %dma_wait3A_504 = arith.constant 0 : i32
    %dma_wait3A_505 = tpu.memref_slice %arg15[%dma_wait3A_503, %dma_wait3A_504] : memref<2x125xi32, #tpu.memory_space<vmem>> -> memref<1x125xi32, #tpu.memory_space<vmem>>
    %dma_wait3A_506 = tpu.memref_squeeze %dma_wait3A_505 : memref<1x125xi32, #tpu.memory_space<vmem>> -> memref<125xi32, #tpu.memory_space<vmem>>
    %dma_wait3A_507 = arith.constant 0 : i32
    %dma_wait3A_508 = arith.constant 0 : i32
    %dma_wait3A_509 = tpu.memref_slice %arg3[%dma_wait3A_501, %arg1, %dma_wait3A_507, %dma_wait3A_508] : memref<2x16x160x125xi32, #tpu.memory_space<hbm>> -> memref<1x1x160x125xi32, #tpu.memory_space<hbm>>
    %dma_wait3A_510 = tpu.memref_squeeze %dma_wait3A_509 : memref<1x1x160x125xi32, #tpu.memory_space<hbm>> -> memref<160x125xi32, #tpu.memory_space<hbm>>
    %dma_wait3A_511 = arith.constant 0 : i32
    %dma_wait3A_512 = tpu.memref_slice %dma_wait3A_510[%dma_wait3A_502, %dma_wait3A_511] : memref<160x125xi32, #tpu.memory_space<hbm>> -> memref<1x125xi32, #tpu.memory_space<hbm>>
    %dma_wait3A_513 = tpu.memref_squeeze %dma_wait3A_512 : memref<1x125xi32, #tpu.memory_space<hbm>> -> memref<125xi32, #tpu.memory_space<hbm>>
    %dma_wait3A_514 = arith.constant 0 : i32
    %dma_wait3A_515 = tpu.memref_slice %arg15[%dma_wait3A_503, %dma_wait3A_514] : memref<2x125xi32, #tpu.memory_space<vmem>> -> memref<1x125xi32, #tpu.memory_space<vmem>>
    %dma_wait3A_516 = tpu.memref_squeeze %dma_wait3A_515 : memref<1x125xi32, #tpu.memory_space<vmem>> -> memref<125xi32, #tpu.memory_space<vmem>>
    %dma_wait3A_517 = arith.constant 0 : i32
    %dma_wait3A_518 = arith.constant 0 : i32
    %dma_wait3A_519 = tpu.memref_slice %arg3[%dma_wait3A_501, %arg1, %dma_wait3A_517, %dma_wait3A_518] : memref<2x16x160x125xi32, #tpu.memory_space<hbm>> -> memref<1x1x160x125xi32, #tpu.memory_space<hbm>>
    %dma_wait3A_520 = tpu.memref_squeeze %dma_wait3A_519 : memref<1x1x160x125xi32, #tpu.memory_space<hbm>> -> memref<160x125xi32, #tpu.memory_space<hbm>>
    %dma_wait3A_521 = arith.constant 0 : i32
    %dma_wait3A_522 = tpu.memref_slice %dma_wait3A_520[%dma_wait3A_502, %dma_wait3A_521] : memref<160x125xi32, #tpu.memory_space<hbm>> -> memref<1x125xi32, #tpu.memory_space<hbm>>
    %dma_wait3A_523 = tpu.memref_squeeze %dma_wait3A_522 : memref<1x125xi32, #tpu.memory_space<hbm>> -> memref<125xi32, #tpu.memory_space<hbm>>
    tpu.wait_dma2 semaphore(%arg25 : memref<!tpu.dma_semaphore, #tpu.memory_space<semaphore_mem>>) src(%dma_wait3A_523 : memref<125xi32, #tpu.memory_space<hbm>>) dst(%dma_wait3A_516 : memref<125xi32, #tpu.memory_space<vmem>>)
    %dma_start3A_524 = arith.constant 0 : i32
    %dma_start3A_525 = arith.constant 0 : i32
    %dma_start3A_526 = tpu.memref_slice %arg15[%dma_start3A_524, %dma_start3A_525] : memref<2x125xi32, #tpu.memory_space<vmem>> -> memref<1x125xi32, #tpu.memory_space<vmem>>
    %dma_start3A_527 = tpu.memref_squeeze %dma_start3A_526 : memref<1x125xi32, #tpu.memory_space<vmem>> -> memref<125xi32, #tpu.memory_space<vmem>>
    %dma_start3A_528 = arith.constant 0 : i32
    %dma_start3A_529 = tpu.memref_slice %arg2[%arg0, %dma_start3A_528] : memref<20000x64xf32, #tpu.memory_space<hbm>> -> memref<19999x64xf32, #tpu.memory_space<hbm>>
    %dma_start3A_530 = arith.constant 0 : i32
    %dma_start3A_531 = arith.constant 0 : i32
    %dma_start3A_532 = tpu.memref_slice %dma_start3A_529[%dma_start3A_530, %dma_start3A_531] : memref<19999x64xf32, #tpu.memory_space<hbm>> -> memref<19999x64xf32, #tpu.memory_space<hbm>>
    tpu.enqueue_indirect_dma source(%dma_start3A_532 : memref<19999x64xf32, #tpu.memory_space<hbm>>) target(%arg20 : memref<125x64xf32, #tpu.memory_space<vmem>>) offsets(%dma_start3A_527 : memref<125xi32, #tpu.memory_space<vmem>>) semaphore(%arg30 : memref<!tpu.dma_semaphore, #tpu.memory_space<semaphore_mem>>)
    %scan3A_533 = arith.constant 0 : i32
    %scan3A_534 = arith.constant 0 : i32
    %scan3A_535 = arith.constant 1 : i32
    %scan3A_536 = arith.constant 0 : i32
    %scan3A_537 = arith.constant 32 : i32
    %scan3A_538 = arith.addi %scan3A_536, %scan3A_537 : i32
    %scan3A_539 = arith.constant 1 : i32
    scf.for %scan3A_627 = %scan3A_536 to %scan3A_538 step %scan3A_539  : i32 {
      %mul3A_628 = arith.constant 5 : i32
      %mul3A_629 = arith.muli %mul3A_628, %scan3A_627 : i32
      %dma_wait3A_630 = arith.constant 0 : i32
      %dma_wait3A_631 = arith.constant 0 : i32
      %dma_wait3A_632 = tpu.memref_slice %arg11[%dma_wait3A_630, %dma_wait3A_631] : memref<2x125xi32, #tpu.memory_space<vmem>> -> memref<1x125xi32, #tpu.memory_space<vmem>>
      %dma_wait3A_633 = tpu.memref_squeeze %dma_wait3A_632 : memref<1x125xi32, #tpu.memory_space<vmem>> -> memref<125xi32, #tpu.memory_space<vmem>>
      %dma_wait3A_634 = arith.constant 0 : i32
      %dma_wait3A_635 = tpu.memref_slice %arg2[%arg0, %dma_wait3A_634] : memref<20000x64xf32, #tpu.memory_space<hbm>> -> memref<19999x64xf32, #tpu.memory_space<hbm>>
      %dma_wait3A_636 = arith.constant 0 : i32
      %dma_wait3A_637 = arith.constant 0 : i32
      %dma_wait3A_638 = tpu.memref_slice %dma_wait3A_635[%dma_wait3A_636, %dma_wait3A_637] : memref<19999x64xf32, #tpu.memory_space<hbm>> -> memref<19999x64xf32, #tpu.memory_space<hbm>>
      tpu.wait_indirect_dma semaphore(%arg26 : memref<!tpu.dma_semaphore, #tpu.memory_space<semaphore_mem>>) src(%dma_wait3A_638 : memref<19999x64xf32, #tpu.memory_space<hbm>>) dst(%arg16 : memref<125x64xf32, #tpu.memory_space<vmem>>)
      %add3A_639 = arith.constant 0 : i32
      %add3A_640 = arith.addi %mul3A_629, %add3A_639 : i32
      %dma_start3A_641 = arith.constant 1 : i32
      %dma_start3A_642 = arith.constant 0 : i32
      %dma_start3A_643 = tpu.memref_slice %arg11[%dma_start3A_641, %dma_start3A_642] : memref<2x125xi32, #tpu.memory_space<vmem>> -> memref<1x125xi32, #tpu.memory_space<vmem>>
      %dma_start3A_644 = tpu.memref_squeeze %dma_start3A_643 : memref<1x125xi32, #tpu.memory_space<vmem>> -> memref<125xi32, #tpu.memory_space<vmem>>
      %dma_start3A_645 = arith.constant 0 : i32
      %dma_start3A_646 = arith.constant 0 : i32
      %dma_start3A_647 = tpu.memref_slice %arg6[%dma_start3A_645, %dma_start3A_646] : memref<10112x64xf32, #tpu.memory_space<vmem_shared>> -> memref<10112x64xf32, #tpu.memory_space<vmem_shared>>
      tpu.enqueue_indirect_dma source(%arg16 : memref<125x64xf32, #tpu.memory_space<vmem>>) target(%dma_start3A_647 : memref<10112x64xf32, #tpu.memory_space<vmem_shared>>) offsets(%dma_start3A_644 : memref<125xi32, #tpu.memory_space<vmem>>) semaphore(%arg31 : memref<!tpu.dma_semaphore, #tpu.memory_space<semaphore_mem>>) {add = true}
      %lt3A = arith.constant 80 : i32
      %lt3A_648 = arith.cmpi slt, %add3A_640, %lt3A : i32
      %eq3A_649 = arith.constant 0 : i32
      %eq3A_650 = arith.cmpi eq, %arg0, %eq3A_649 : i32
      %eq3A_651 = arith.xori %lt3A_648, %eq3A_650 : i1
      %eq3A_652 = arith.constant true
      %eq3A_653 = arith.xori %eq3A_651, %eq3A_652 : i1
      %convert_element_type3A_654 = arith.extui %eq3A_653 : i1 to i32
      %cond3A_655 = arith.constant 0 : i32
      %cond3A_656 = arith.cmpi ne, %convert_element_type3A_654, %cond3A_655 : i32
      scf.if %cond3A_656 {
        %dma_start3A_794 = arith.constant 1 : i32
        %dma_start3A_795 = arith.constant 0 : i32
        %dma_start3A_796 = tpu.memref_slice %arg11[%dma_start3A_794, %dma_start3A_795] : memref<2x125xi32, #tpu.memory_space<vmem>> -> memref<1x125xi32, #tpu.memory_space<vmem>>
        %dma_start3A_797 = tpu.memref_squeeze %dma_start3A_796 : memref<1x125xi32, #tpu.memory_space<vmem>> -> memref<125xi32, #tpu.memory_space<vmem>>
        %dma_start3A_798 = arith.constant 0 : i32
        %dma_start3A_799 = arith.constant 0 : i32
        %dma_start3A_800 = tpu.memref_slice %arg7[%dma_start3A_798, %dma_start3A_799] : memref<10112x16xf32, #tpu.memory_space<vmem_shared>> -> memref<10112x16xf32, #tpu.memory_space<vmem_shared>>
        tpu.enqueue_indirect_dma source(%arg10 : memref<125x16xf32, #tpu.memory_space<vmem>>) target(%dma_start3A_800 : memref<10112x16xf32, #tpu.memory_space<vmem_shared>>) offsets(%dma_start3A_797 : memref<125xi32, #tpu.memory_space<vmem>>) semaphore(%arg36 : memref<!tpu.dma_semaphore, #tpu.memory_space<semaphore_mem>>) {add = true}
      } else {
      }
      %dma_wait3A_657 = arith.constant 0 : i32
      %dma_wait3A_658 = arith.constant 0 : i32
      %dma_wait3A_659 = tpu.memref_slice %arg12[%dma_wait3A_657, %dma_wait3A_658] : memref<2x125xi32, #tpu.memory_space<vmem>> -> memref<1x125xi32, #tpu.memory_space<vmem>>
      %dma_wait3A_660 = tpu.memref_squeeze %dma_wait3A_659 : memref<1x125xi32, #tpu.memory_space<vmem>> -> memref<125xi32, #tpu.memory_space<vmem>>
      %dma_wait3A_661 = arith.constant 0 : i32
      %dma_wait3A_662 = tpu.memref_slice %arg2[%arg0, %dma_wait3A_661] : memref<20000x64xf32, #tpu.memory_space<hbm>> -> memref<19999x64xf32, #tpu.memory_space<hbm>>
      %dma_wait3A_663 = arith.constant 0 : i32
      %dma_wait3A_664 = arith.constant 0 : i32
      %dma_wait3A_665 = tpu.memref_slice %dma_wait3A_662[%dma_wait3A_663, %dma_wait3A_664] : memref<19999x64xf32, #tpu.memory_space<hbm>> -> memref<19999x64xf32, #tpu.memory_space<hbm>>
      tpu.wait_indirect_dma semaphore(%arg27 : memref<!tpu.dma_semaphore, #tpu.memory_space<semaphore_mem>>) src(%dma_wait3A_665 : memref<19999x64xf32, #tpu.memory_space<hbm>>) dst(%arg17 : memref<125x64xf32, #tpu.memory_space<vmem>>)
      %add3A_666 = arith.constant 1 : i32
      %add3A_667 = arith.addi %mul3A_629, %add3A_666 : i32
      %dma_start3A_668 = arith.constant 1 : i32
      %dma_start3A_669 = arith.constant 0 : i32
      %dma_start3A_670 = tpu.memref_slice %arg12[%dma_start3A_668, %dma_start3A_669] : memref<2x125xi32, #tpu.memory_space<vmem>> -> memref<1x125xi32, #tpu.memory_space<vmem>>
      %dma_start3A_671 = tpu.memref_squeeze %dma_start3A_670 : memref<1x125xi32, #tpu.memory_space<vmem>> -> memref<125xi32, #tpu.memory_space<vmem>>
      %dma_start3A_672 = arith.constant 0 : i32
      %dma_start3A_673 = arith.constant 0 : i32
      %dma_start3A_674 = tpu.memref_slice %arg6[%dma_start3A_672, %dma_start3A_673] : memref<10112x64xf32, #tpu.memory_space<vmem_shared>> -> memref<10112x64xf32, #tpu.memory_space<vmem_shared>>
      tpu.enqueue_indirect_dma source(%arg17 : memref<125x64xf32, #tpu.memory_space<vmem>>) target(%dma_start3A_674 : memref<10112x64xf32, #tpu.memory_space<vmem_shared>>) offsets(%dma_start3A_671 : memref<125xi32, #tpu.memory_space<vmem>>) semaphore(%arg32 : memref<!tpu.dma_semaphore, #tpu.memory_space<semaphore_mem>>) {add = true}
      %lt3A_675 = arith.constant 80 : i32
      %lt3A_676 = arith.cmpi slt, %add3A_667, %lt3A_675 : i32
      %eq3A_677 = arith.constant 0 : i32
      %eq3A_678 = arith.cmpi eq, %arg0, %eq3A_677 : i32
      %eq3A_679 = arith.xori %lt3A_676, %eq3A_678 : i1
      %eq3A_680 = arith.constant true
      %eq3A_681 = arith.xori %eq3A_679, %eq3A_680 : i1
      %convert_element_type3A_682 = arith.extui %eq3A_681 : i1 to i32
      %cond3A_683 = arith.constant 0 : i32
      %cond3A_684 = arith.cmpi ne, %convert_element_type3A_682, %cond3A_683 : i32
      scf.if %cond3A_684 {
        %dma_start3A_794 = arith.constant 1 : i32
        %dma_start3A_795 = arith.constant 0 : i32
        %dma_start3A_796 = tpu.memref_slice %arg12[%dma_start3A_794, %dma_start3A_795] : memref<2x125xi32, #tpu.memory_space<vmem>> -> memref<1x125xi32, #tpu.memory_space<vmem>>
        %dma_start3A_797 = tpu.memref_squeeze %dma_start3A_796 : memref<1x125xi32, #tpu.memory_space<vmem>> -> memref<125xi32, #tpu.memory_space<vmem>>
        %dma_start3A_798 = arith.constant 0 : i32
        %dma_start3A_799 = arith.constant 0 : i32
        %dma_start3A_800 = tpu.memref_slice %arg7[%dma_start3A_798, %dma_start3A_799] : memref<10112x16xf32, #tpu.memory_space<vmem_shared>> -> memref<10112x16xf32, #tpu.memory_space<vmem_shared>>
        tpu.enqueue_indirect_dma source(%arg10 : memref<125x16xf32, #tpu.memory_space<vmem>>) target(%dma_start3A_800 : memref<10112x16xf32, #tpu.memory_space<vmem_shared>>) offsets(%dma_start3A_797 : memref<125xi32, #tpu.memory_space<vmem>>) semaphore(%arg37 : memref<!tpu.dma_semaphore, #tpu.memory_space<semaphore_mem>>) {add = true}
      } else {
      }
      %dma_wait3A_685 = arith.constant 0 : i32
      %dma_wait3A_686 = arith.constant 0 : i32
      %dma_wait3A_687 = tpu.memref_slice %arg13[%dma_wait3A_685, %dma_wait3A_686] : memref<2x125xi32, #tpu.memory_space<vmem>> -> memref<1x125xi32, #tpu.memory_space<vmem>>
      %dma_wait3A_688 = tpu.memref_squeeze %dma_wait3A_687 : memref<1x125xi32, #tpu.memory_space<vmem>> -> memref<125xi32, #tpu.memory_space<vmem>>
      %dma_wait3A_689 = arith.constant 0 : i32
      %dma_wait3A_690 = tpu.memref_slice %arg2[%arg0, %dma_wait3A_689] : memref<20000x64xf32, #tpu.memory_space<hbm>> -> memref<19999x64xf32, #tpu.memory_space<hbm>>
      %dma_wait3A_691 = arith.constant 0 : i32
      %dma_wait3A_692 = arith.constant 0 : i32
      %dma_wait3A_693 = tpu.memref_slice %dma_wait3A_690[%dma_wait3A_691, %dma_wait3A_692] : memref<19999x64xf32, #tpu.memory_space<hbm>> -> memref<19999x64xf32, #tpu.memory_space<hbm>>
      tpu.wait_indirect_dma semaphore(%arg28 : memref<!tpu.dma_semaphore, #tpu.memory_space<semaphore_mem>>) src(%dma_wait3A_693 : memref<19999x64xf32, #tpu.memory_space<hbm>>) dst(%arg18 : memref<125x64xf32, #tpu.memory_space<vmem>>)
      %add3A_694 = arith.constant 2 : i32
      %add3A_695 = arith.addi %mul3A_629, %add3A_694 : i32
      %dma_start3A_696 = arith.constant 1 : i32
      %dma_start3A_697 = arith.constant 0 : i32
      %dma_start3A_698 = tpu.memref_slice %arg13[%dma_start3A_696, %dma_start3A_697] : memref<2x125xi32, #tpu.memory_space<vmem>> -> memref<1x125xi32, #tpu.memory_space<vmem>>
      %dma_start3A_699 = tpu.memref_squeeze %dma_start3A_698 : memref<1x125xi32, #tpu.memory_space<vmem>> -> memref<125xi32, #tpu.memory_space<vmem>>
      %dma_start3A_700 = arith.constant 0 : i32
      %dma_start3A_701 = arith.constant 0 : i32
      %dma_start3A_702 = tpu.memref_slice %arg6[%dma_start3A_700, %dma_start3A_701] : memref<10112x64xf32, #tpu.memory_space<vmem_shared>> -> memref<10112x64xf32, #tpu.memory_space<vmem_shared>>
      tpu.enqueue_indirect_dma source(%arg18 : memref<125x64xf32, #tpu.memory_space<vmem>>) target(%dma_start3A_702 : memref<10112x64xf32, #tpu.memory_space<vmem_shared>>) offsets(%dma_start3A_699 : memref<125xi32, #tpu.memory_space<vmem>>) semaphore(%arg33 : memref<!tpu.dma_semaphore, #tpu.memory_space<semaphore_mem>>) {add = true}
      %lt3A_703 = arith.constant 80 : i32
      %lt3A_704 = arith.cmpi slt, %add3A_695, %lt3A_703 : i32
      %eq3A_705 = arith.constant 0 : i32
      %eq3A_706 = arith.cmpi eq, %arg0, %eq3A_705 : i32
      %eq3A_707 = arith.xori %lt3A_704, %eq3A_706 : i1
      %eq3A_708 = arith.constant true
      %eq3A_709 = arith.xori %eq3A_707, %eq3A_708 : i1
      %convert_element_type3A_710 = arith.extui %eq3A_709 : i1 to i32
      %cond3A_711 = arith.constant 0 : i32
      %cond3A_712 = arith.cmpi ne, %convert_element_type3A_710, %cond3A_711 : i32
      scf.if %cond3A_712 {
        %dma_start3A_794 = arith.constant 1 : i32
        %dma_start3A_795 = arith.constant 0 : i32
        %dma_start3A_796 = tpu.memref_slice %arg13[%dma_start3A_794, %dma_start3A_795] : memref<2x125xi32, #tpu.memory_space<vmem>> -> memref<1x125xi32, #tpu.memory_space<vmem>>
        %dma_start3A_797 = tpu.memref_squeeze %dma_start3A_796 : memref<1x125xi32, #tpu.memory_space<vmem>> -> memref<125xi32, #tpu.memory_space<vmem>>
        %dma_start3A_798 = arith.constant 0 : i32
        %dma_start3A_799 = arith.constant 0 : i32
        %dma_start3A_800 = tpu.memref_slice %arg7[%dma_start3A_798, %dma_start3A_799] : memref<10112x16xf32, #tpu.memory_space<vmem_shared>> -> memref<10112x16xf32, #tpu.memory_space<vmem_shared>>
        tpu.enqueue_indirect_dma source(%arg10 : memref<125x16xf32, #tpu.memory_space<vmem>>) target(%dma_start3A_800 : memref<10112x16xf32, #tpu.memory_space<vmem_shared>>) offsets(%dma_start3A_797 : memref<125xi32, #tpu.memory_space<vmem>>) semaphore(%arg38 : memref<!tpu.dma_semaphore, #tpu.memory_space<semaphore_mem>>) {add = true}
      } else {
      }
      %dma_wait3A_713 = arith.constant 0 : i32
      %dma_wait3A_714 = arith.constant 0 : i32
      %dma_wait3A_715 = tpu.memref_slice %arg14[%dma_wait3A_713, %dma_wait3A_714] : memref<2x125xi32, #tpu.memory_space<vmem>> -> memref<1x125xi32, #tpu.memory_space<vmem>>
      %dma_wait3A_716 = tpu.memref_squeeze %dma_wait3A_715 : memref<1x125xi32, #tpu.memory_space<vmem>> -> memref<125xi32, #tpu.memory_space<vmem>>
      %dma_wait3A_717 = arith.constant 0 : i32
      %dma_wait3A_718 = tpu.memref_slice %arg2[%arg0, %dma_wait3A_717] : memref<20000x64xf32, #tpu.memory_space<hbm>> -> memref<19999x64xf32, #tpu.memory_space<hbm>>
      %dma_wait3A_719 = arith.constant 0 : i32
      %dma_wait3A_720 = arith.constant 0 : i32
      %dma_wait3A_721 = tpu.memref_slice %dma_wait3A_718[%dma_wait3A_719, %dma_wait3A_720] : memref<19999x64xf32, #tpu.memory_space<hbm>> -> memref<19999x64xf32, #tpu.memory_space<hbm>>
      tpu.wait_indirect_dma semaphore(%arg29 : memref<!tpu.dma_semaphore, #tpu.memory_space<semaphore_mem>>) src(%dma_wait3A_721 : memref<19999x64xf32, #tpu.memory_space<hbm>>) dst(%arg19 : memref<125x64xf32, #tpu.memory_space<vmem>>)
      %add3A_722 = arith.constant 3 : i32
      %add3A_723 = arith.addi %mul3A_629, %add3A_722 : i32
      %dma_start3A_724 = arith.constant 1 : i32
      %dma_start3A_725 = arith.constant 0 : i32
      %dma_start3A_726 = tpu.memref_slice %arg14[%dma_start3A_724, %dma_start3A_725] : memref<2x125xi32, #tpu.memory_space<vmem>> -> memref<1x125xi32, #tpu.memory_space<vmem>>
      %dma_start3A_727 = tpu.memref_squeeze %dma_start3A_726 : memref<1x125xi32, #tpu.memory_space<vmem>> -> memref<125xi32, #tpu.memory_space<vmem>>
      %dma_start3A_728 = arith.constant 0 : i32
      %dma_start3A_729 = arith.constant 0 : i32
      %dma_start3A_730 = tpu.memref_slice %arg6[%dma_start3A_728, %dma_start3A_729] : memref<10112x64xf32, #tpu.memory_space<vmem_shared>> -> memref<10112x64xf32, #tpu.memory_space<vmem_shared>>
      tpu.enqueue_indirect_dma source(%arg19 : memref<125x64xf32, #tpu.memory_space<vmem>>) target(%dma_start3A_730 : memref<10112x64xf32, #tpu.memory_space<vmem_shared>>) offsets(%dma_start3A_727 : memref<125xi32, #tpu.memory_space<vmem>>) semaphore(%arg34 : memref<!tpu.dma_semaphore, #tpu.memory_space<semaphore_mem>>) {add = true}
      %lt3A_731 = arith.constant 80 : i32
      %lt3A_732 = arith.cmpi slt, %add3A_723, %lt3A_731 : i32
      %eq3A_733 = arith.constant 0 : i32
      %eq3A_734 = arith.cmpi eq, %arg0, %eq3A_733 : i32
      %eq3A_735 = arith.xori %lt3A_732, %eq3A_734 : i1
      %eq3A_736 = arith.constant true
      %eq3A_737 = arith.xori %eq3A_735, %eq3A_736 : i1
      %convert_element_type3A_738 = arith.extui %eq3A_737 : i1 to i32
      %cond3A_739 = arith.constant 0 : i32
      %cond3A_740 = arith.cmpi ne, %convert_element_type3A_738, %cond3A_739 : i32
      scf.if %cond3A_740 {
        %dma_start3A_794 = arith.constant 1 : i32
        %dma_start3A_795 = arith.constant 0 : i32
        %dma_start3A_796 = tpu.memref_slice %arg14[%dma_start3A_794, %dma_start3A_795] : memref<2x125xi32, #tpu.memory_space<vmem>> -> memref<1x125xi32, #tpu.memory_space<vmem>>
        %dma_start3A_797 = tpu.memref_squeeze %dma_start3A_796 : memref<1x125xi32, #tpu.memory_space<vmem>> -> memref<125xi32, #tpu.memory_space<vmem>>
        %dma_start3A_798 = arith.constant 0 : i32
        %dma_start3A_799 = arith.constant 0 : i32
        %dma_start3A_800 = tpu.memref_slice %arg7[%dma_start3A_798, %dma_start3A_799] : memref<10112x16xf32, #tpu.memory_space<vmem_shared>> -> memref<10112x16xf32, #tpu.memory_space<vmem_shared>>
        tpu.enqueue_indirect_dma source(%arg10 : memref<125x16xf32, #tpu.memory_space<vmem>>) target(%dma_start3A_800 : memref<10112x16xf32, #tpu.memory_space<vmem_shared>>) offsets(%dma_start3A_797 : memref<125xi32, #tpu.memory_space<vmem>>) semaphore(%arg39 : memref<!tpu.dma_semaphore, #tpu.memory_space<semaphore_mem>>) {add = true}
      } else {
      }
      %dma_wait3A_741 = arith.constant 0 : i32
      %dma_wait3A_742 = arith.constant 0 : i32
      %dma_wait3A_743 = tpu.memref_slice %arg15[%dma_wait3A_741, %dma_wait3A_742] : memref<2x125xi32, #tpu.memory_space<vmem>> -> memref<1x125xi32, #tpu.memory_space<vmem>>
      %dma_wait3A_744 = tpu.memref_squeeze %dma_wait3A_743 : memref<1x125xi32, #tpu.memory_space<vmem>> -> memref<125xi32, #tpu.memory_space<vmem>>
      %dma_wait3A_745 = arith.constant 0 : i32
      %dma_wait3A_746 = tpu.memref_slice %arg2[%arg0, %dma_wait3A_745] : memref<20000x64xf32, #tpu.memory_space<hbm>> -> memref<19999x64xf32, #tpu.memory_space<hbm>>
      %dma_wait3A_747 = arith.constant 0 : i32
      %dma_wait3A_748 = arith.constant 0 : i32
      %dma_wait3A_749 = tpu.memref_slice %dma_wait3A_746[%dma_wait3A_747, %dma_wait3A_748] : memref<19999x64xf32, #tpu.memory_space<hbm>> -> memref<19999x64xf32, #tpu.memory_space<hbm>>
      tpu.wait_indirect_dma semaphore(%arg30 : memref<!tpu.dma_semaphore, #tpu.memory_space<semaphore_mem>>) src(%dma_wait3A_749 : memref<19999x64xf32, #tpu.memory_space<hbm>>) dst(%arg20 : memref<125x64xf32, #tpu.memory_space<vmem>>)
      %add3A_750 = arith.constant 4 : i32
      %add3A_751 = arith.addi %mul3A_629, %add3A_750 : i32
      %dma_start3A_752 = arith.constant 1 : i32
      %dma_start3A_753 = arith.constant 0 : i32
      %dma_start3A_754 = tpu.memref_slice %arg15[%dma_start3A_752, %dma_start3A_753] : memref<2x125xi32, #tpu.memory_space<vmem>> -> memref<1x125xi32, #tpu.memory_space<vmem>>
      %dma_start3A_755 = tpu.memref_squeeze %dma_start3A_754 : memref<1x125xi32, #tpu.memory_space<vmem>> -> memref<125xi32, #tpu.memory_space<vmem>>
      %dma_start3A_756 = arith.constant 0 : i32
      %dma_start3A_757 = arith.constant 0 : i32
      %dma_start3A_758 = tpu.memref_slice %arg6[%dma_start3A_756, %dma_start3A_757] : memref<10112x64xf32, #tpu.memory_space<vmem_shared>> -> memref<10112x64xf32, #tpu.memory_space<vmem_shared>>
      tpu.enqueue_indirect_dma source(%arg20 : memref<125x64xf32, #tpu.memory_space<vmem>>) target(%dma_start3A_758 : memref<10112x64xf32, #tpu.memory_space<vmem_shared>>) offsets(%dma_start3A_755 : memref<125xi32, #tpu.memory_space<vmem>>) semaphore(%arg35 : memref<!tpu.dma_semaphore, #tpu.memory_space<semaphore_mem>>) {add = true}
      %lt3A_759 = arith.constant 80 : i32
      %lt3A_760 = arith.cmpi slt, %add3A_751, %lt3A_759 : i32
      %eq3A_761 = arith.constant 0 : i32
      %eq3A_762 = arith.cmpi eq, %arg0, %eq3A_761 : i32
      %eq3A_763 = arith.xori %lt3A_760, %eq3A_762 : i1
      %eq3A_764 = arith.constant true
      %eq3A_765 = arith.xori %eq3A_763, %eq3A_764 : i1
      %convert_element_type3A_766 = arith.extui %eq3A_765 : i1 to i32
      %cond3A_767 = arith.constant 0 : i32
      %cond3A_768 = arith.cmpi ne, %convert_element_type3A_766, %cond3A_767 : i32
      scf.if %cond3A_768 {
        %dma_start3A_794 = arith.constant 1 : i32
        %dma_start3A_795 = arith.constant 0 : i32
        %dma_start3A_796 = tpu.memref_slice %arg15[%dma_start3A_794, %dma_start3A_795] : memref<2x125xi32, #tpu.memory_space<vmem>> -> memref<1x125xi32, #tpu.memory_space<vmem>>
        %dma_start3A_797 = tpu.memref_squeeze %dma_start3A_796 : memref<1x125xi32, #tpu.memory_space<vmem>> -> memref<125xi32, #tpu.memory_space<vmem>>
        %dma_start3A_798 = arith.constant 0 : i32
        %dma_start3A_799 = arith.constant 0 : i32
        %dma_start3A_800 = tpu.memref_slice %arg7[%dma_start3A_798, %dma_start3A_799] : memref<10112x16xf32, #tpu.memory_space<vmem_shared>> -> memref<10112x16xf32, #tpu.memory_space<vmem_shared>>
        tpu.enqueue_indirect_dma source(%arg10 : memref<125x16xf32, #tpu.memory_space<vmem>>) target(%dma_start3A_800 : memref<10112x16xf32, #tpu.memory_space<vmem_shared>>) offsets(%dma_start3A_797 : memref<125xi32, #tpu.memory_space<vmem>>) semaphore(%arg40 : memref<!tpu.dma_semaphore, #tpu.memory_space<semaphore_mem>>) {add = true}
      } else {
      }
      %lt3A_769 = arith.constant 31 : i32
      %lt3A_770 = arith.cmpi slt, %scan3A_627, %lt3A_769 : i32
      %convert_element_type3A_771 = arith.extui %lt3A_770 : i1 to i32
      %cond3A_772 = arith.constant 0 : i32
      %cond3A_773 = arith.cmpi ne, %convert_element_type3A_771, %cond3A_772 : i32
      scf.if %cond3A_773 {
        %add3A_794 = arith.constant 0 : i32
        %add3A_795 = arith.addi %mul3A_629, %add3A_794 : i32
        %dma_wait3A_796 = arith.constant 1 : i32
        %dma_wait3A_797 = arith.constant 0 : i32
        %dma_wait3A_798 = tpu.memref_slice %arg11[%dma_wait3A_796, %dma_wait3A_797] : memref<2x125xi32, #tpu.memory_space<vmem>> -> memref<1x125xi32, #tpu.memory_space<vmem>>
        %dma_wait3A_799 = tpu.memref_squeeze %dma_wait3A_798 : memref<1x125xi32, #tpu.memory_space<vmem>> -> memref<125xi32, #tpu.memory_space<vmem>>
        %dma_wait3A_800 = arith.constant 0 : i32
        %dma_wait3A_801 = arith.constant 0 : i32
        %dma_wait3A_802 = tpu.memref_slice %arg6[%dma_wait3A_800, %dma_wait3A_801] : memref<10112x64xf32, #tpu.memory_space<vmem_shared>> -> memref<10112x64xf32, #tpu.memory_space<vmem_shared>>
        tpu.wait_indirect_dma semaphore(%arg31 : memref<!tpu.dma_semaphore, #tpu.memory_space<semaphore_mem>>) src(%arg16 : memref<125x64xf32, #tpu.memory_space<vmem>>) dst(%dma_wait3A_802 : memref<10112x64xf32, #tpu.memory_space<vmem_shared>>)
        %lt3A_803 = arith.constant 80 : i32
        %lt3A_804 = arith.cmpi slt, %add3A_795, %lt3A_803 : i32
        %eq3A_805 = arith.constant 0 : i32
        %eq3A_806 = arith.cmpi eq, %arg0, %eq3A_805 : i32
        %eq3A_807 = arith.xori %lt3A_804, %eq3A_806 : i1
        %eq3A_808 = arith.constant true
        %eq3A_809 = arith.xori %eq3A_807, %eq3A_808 : i1
        %convert_element_type3A_810 = arith.extui %eq3A_809 : i1 to i32
        %cond3A_811 = arith.constant 0 : i32
        %cond3A_812 = arith.cmpi ne, %convert_element_type3A_810, %cond3A_811 : i32
        scf.if %cond3A_812 {
          %dma_wait3A_914 = arith.constant 1 : i32
          %dma_wait3A_915 = arith.constant 0 : i32
          %dma_wait3A_916 = tpu.memref_slice %arg11[%dma_wait3A_914, %dma_wait3A_915] : memref<2x125xi32, #tpu.memory_space<vmem>> -> memref<1x125xi32, #tpu.memory_space<vmem>>
          %dma_wait3A_917 = tpu.memref_squeeze %dma_wait3A_916 : memref<1x125xi32, #tpu.memory_space<vmem>> -> memref<125xi32, #tpu.memory_space<vmem>>
          %dma_wait3A_918 = arith.constant 0 : i32
          %dma_wait3A_919 = arith.constant 0 : i32
          %dma_wait3A_920 = tpu.memref_slice %arg7[%dma_wait3A_918, %dma_wait3A_919] : memref<10112x16xf32, #tpu.memory_space<vmem_shared>> -> memref<10112x16xf32, #tpu.memory_space<vmem_shared>>
          tpu.wait_indirect_dma semaphore(%arg36 : memref<!tpu.dma_semaphore, #tpu.memory_space<semaphore_mem>>) src(%arg10 : memref<125x16xf32, #tpu.memory_space<vmem>>) dst(%dma_wait3A_920 : memref<10112x16xf32, #tpu.memory_space<vmem_shared>>)
        } else {
        }
        %add3A_813 = arith.constant 0 : i32
        %add3A_814 = arith.addi %mul3A_629, %add3A_813 : i32
        %add3A_815 = arith.constant 5 : i32
        %add3A_816 = arith.addi %add3A_814, %add3A_815 : i32
        %dma_start3A_817 = arith.constant 0 : i32
        %dma_start3A_818 = arith.constant 0 : i32
        %dma_start3A_819 = tpu.memref_slice %arg11[%dma_start3A_817, %dma_start3A_818] : memref<2x125xi32, #tpu.memory_space<vmem>> -> memref<1x125xi32, #tpu.memory_space<vmem>>
        %dma_start3A_820 = tpu.memref_squeeze %dma_start3A_819 : memref<1x125xi32, #tpu.memory_space<vmem>> -> memref<125xi32, #tpu.memory_space<vmem>>
        %dma_start3A_821 = arith.constant 0 : i32
        %dma_start3A_822 = arith.constant 0 : i32
        %dma_start3A_823 = tpu.memref_slice %arg3[%scan3A_534, %arg1, %dma_start3A_821, %dma_start3A_822] : memref<2x16x160x125xi32, #tpu.memory_space<hbm>> -> memref<1x1x160x125xi32, #tpu.memory_space<hbm>>
        %dma_start3A_824 = tpu.memref_squeeze %dma_start3A_823 : memref<1x1x160x125xi32, #tpu.memory_space<hbm>> -> memref<160x125xi32, #tpu.memory_space<hbm>>
        %dma_start3A_825 = arith.constant 0 : i32
        %dma_start3A_826 = tpu.memref_slice %dma_start3A_824[%add3A_816, %dma_start3A_825] : memref<160x125xi32, #tpu.memory_space<hbm>> -> memref<1x125xi32, #tpu.memory_space<hbm>>
        %dma_start3A_827 = tpu.memref_squeeze %dma_start3A_826 : memref<1x125xi32, #tpu.memory_space<hbm>> -> memref<125xi32, #tpu.memory_space<hbm>>
        %dma_start3A_828 = arith.constant 0 : i32
        %dma_start3A_829 = tpu.memref_slice %arg11[%dma_start3A_817, %dma_start3A_828] : memref<2x125xi32, #tpu.memory_space<vmem>> -> memref<1x125xi32, #tpu.memory_space<vmem>>
        %dma_start3A_830 = tpu.memref_squeeze %dma_start3A_829 : memref<1x125xi32, #tpu.memory_space<vmem>> -> memref<125xi32, #tpu.memory_space<vmem>>
        %dma_start3A_831 = arith.constant 0 : i32
        %dma_start3A_832 = arith.constant 0 : i32
        %dma_start3A_833 = tpu.memref_slice %arg3[%scan3A_534, %arg1, %dma_start3A_831, %dma_start3A_832] : memref<2x16x160x125xi32, #tpu.memory_space<hbm>> -> memref<1x1x160x125xi32, #tpu.memory_space<hbm>>
        %dma_start3A_834 = tpu.memref_squeeze %dma_start3A_833 : memref<1x1x160x125xi32, #tpu.memory_space<hbm>> -> memref<160x125xi32, #tpu.memory_space<hbm>>
        %dma_start3A_835 = arith.constant 0 : i32
        %dma_start3A_836 = tpu.memref_slice %dma_start3A_834[%add3A_816, %dma_start3A_835] : memref<160x125xi32, #tpu.memory_space<hbm>> -> memref<1x125xi32, #tpu.memory_space<hbm>>
        %dma_start3A_837 = tpu.memref_squeeze %dma_start3A_836 : memref<1x125xi32, #tpu.memory_space<hbm>> -> memref<125xi32, #tpu.memory_space<hbm>>
        tpu.enqueue_dma source(%dma_start3A_837 : memref<125xi32, #tpu.memory_space<hbm>>) target(%dma_start3A_830 : memref<125xi32, #tpu.memory_space<vmem>>) target_semaphore(%arg21 : memref<!tpu.dma_semaphore, #tpu.memory_space<semaphore_mem>>)
        %dma_start3A_838 = arith.constant 1 : i32
        %dma_start3A_839 = arith.constant 0 : i32
        %dma_start3A_840 = tpu.memref_slice %arg11[%dma_start3A_838, %dma_start3A_839] : memref<2x125xi32, #tpu.memory_space<vmem>> -> memref<1x125xi32, #tpu.memory_space<vmem>>
        %dma_start3A_841 = tpu.memref_squeeze %dma_start3A_840 : memref<1x125xi32, #tpu.memory_space<vmem>> -> memref<125xi32, #tpu.memory_space<vmem>>
        %dma_start3A_842 = arith.constant 0 : i32
        %dma_start3A_843 = arith.constant 0 : i32
        %dma_start3A_844 = tpu.memref_slice %arg3[%scan3A_535, %arg1, %dma_start3A_842, %dma_start3A_843] : memref<2x16x160x125xi32, #tpu.memory_space<hbm>> -> memref<1x1x160x125xi32, #tpu.memory_space<hbm>>
        %dma_start3A_845 = tpu.memref_squeeze %dma_start3A_844 : memref<1x1x160x125xi32, #tpu.memory_space<hbm>> -> memref<160x125xi32, #tpu.memory_space<hbm>>
        %dma_start3A_846 = arith.constant 0 : i32
        %dma_start3A_847 = tpu.memref_slice %dma_start3A_845[%add3A_816, %dma_start3A_846] : memref<160x125xi32, #tpu.memory_space<hbm>> -> memref<1x125xi32, #tpu.memory_space<hbm>>
        %dma_start3A_848 = tpu.memref_squeeze %dma_start3A_847 : memref<1x125xi32, #tpu.memory_space<hbm>> -> memref<125xi32, #tpu.memory_space<hbm>>
        %dma_start3A_849 = arith.constant 0 : i32
        %dma_start3A_850 = tpu.memref_slice %arg11[%dma_start3A_838, %dma_start3A_849] : memref<2x125xi32, #tpu.memory_space<vmem>> -> memref<1x125xi32, #tpu.memory_space<vmem>>
        %dma_start3A_851 = tpu.memref_squeeze %dma_start3A_850 : memref<1x125xi32, #tpu.memory_space<vmem>> -> memref<125xi32, #tpu.memory_space<vmem>>
        %dma_start3A_852 = arith.constant 0 : i32
        %dma_start3A_853 = arith.constant 0 : i32
        %dma_start3A_854 = tpu.memref_slice %arg3[%scan3A_535, %arg1, %dma_start3A_852, %dma_start3A_853] : memref<2x16x160x125xi32, #tpu.memory_space<hbm>> -> memref<1x1x160x125xi32, #tpu.memory_space<hbm>>
        %dma_start3A_855 = tpu.memref_squeeze %dma_start3A_854 : memref<1x1x160x125xi32, #tpu.memory_space<hbm>> -> memref<160x125xi32, #tpu.memory_space<hbm>>
        %dma_start3A_856 = arith.constant 0 : i32
        %dma_start3A_857 = tpu.memref_slice %dma_start3A_855[%add3A_816, %dma_start3A_856] : memref<160x125xi32, #tpu.memory_space<hbm>> -> memref<1x125xi32, #tpu.memory_space<hbm>>
        %dma_start3A_858 = tpu.memref_squeeze %dma_start3A_857 : memref<1x125xi32, #tpu.memory_space<hbm>> -> memref<125xi32, #tpu.memory_space<hbm>>
        tpu.enqueue_dma source(%dma_start3A_858 : memref<125xi32, #tpu.memory_space<hbm>>) target(%dma_start3A_851 : memref<125xi32, #tpu.memory_space<vmem>>) target_semaphore(%arg21 : memref<!tpu.dma_semaphore, #tpu.memory_space<semaphore_mem>>)
        %add3A_859 = arith.constant 0 : i32
        %add3A_860 = arith.addi %mul3A_629, %add3A_859 : i32
        %add3A_861 = arith.constant 5 : i32
        %add3A_862 = arith.addi %add3A_860, %add3A_861 : i32
        %dma_wait3A_863 = arith.constant 0 : i32
        %dma_wait3A_864 = arith.constant 0 : i32
        %dma_wait3A_865 = tpu.memref_slice %arg11[%dma_wait3A_863, %dma_wait3A_864] : memref<2x125xi32, #tpu.memory_space<vmem>> -> memref<1x125xi32, #tpu.memory_space<vmem>>
        %dma_wait3A_866 = tpu.memref_squeeze %dma_wait3A_865 : memref<1x125xi32, #tpu.memory_space<vmem>> -> memref<125xi32, #tpu.memory_space<vmem>>
        %dma_wait3A_867 = arith.constant 0 : i32
        %dma_wait3A_868 = arith.constant 0 : i32
        %dma_wait3A_869 = tpu.memref_slice %arg3[%scan3A_534, %arg1, %dma_wait3A_867, %dma_wait3A_868] : memref<2x16x160x125xi32, #tpu.memory_space<hbm>> -> memref<1x1x160x125xi32, #tpu.memory_space<hbm>>
        %dma_wait3A_870 = tpu.memref_squeeze %dma_wait3A_869 : memref<1x1x160x125xi32, #tpu.memory_space<hbm>> -> memref<160x125xi32, #tpu.memory_space<hbm>>
        %dma_wait3A_871 = arith.constant 0 : i32
        %dma_wait3A_872 = tpu.memref_slice %dma_wait3A_870[%add3A_862, %dma_wait3A_871] : memref<160x125xi32, #tpu.memory_space<hbm>> -> memref<1x125xi32, #tpu.memory_space<hbm>>
        %dma_wait3A_873 = tpu.memref_squeeze %dma_wait3A_872 : memref<1x125xi32, #tpu.memory_space<hbm>> -> memref<125xi32, #tpu.memory_space<hbm>>
        %dma_wait3A_874 = arith.constant 0 : i32
        %dma_wait3A_875 = tpu.memref_slice %arg11[%dma_wait3A_863, %dma_wait3A_874] : memref<2x125xi32, #tpu.memory_space<vmem>> -> memref<1x125xi32, #tpu.memory_space<vmem>>
        %dma_wait3A_876 = tpu.memref_squeeze %dma_wait3A_875 : memref<1x125xi32, #tpu.memory_space<vmem>> -> memref<125xi32, #tpu.memory_space<vmem>>
        %dma_wait3A_877 = arith.constant 0 : i32
        %dma_wait3A_878 = arith.constant 0 : i32
        %dma_wait3A_879 = tpu.memref_slice %arg3[%scan3A_534, %arg1, %dma_wait3A_877, %dma_wait3A_878] : memref<2x16x160x125xi32, #tpu.memory_space<hbm>> -> memref<1x1x160x125xi32, #tpu.memory_space<hbm>>
        %dma_wait3A_880 = tpu.memref_squeeze %dma_wait3A_879 : memref<1x1x160x125xi32, #tpu.memory_space<hbm>> -> memref<160x125xi32, #tpu.memory_space<hbm>>
        %dma_wait3A_881 = arith.constant 0 : i32
        %dma_wait3A_882 = tpu.memref_slice %dma_wait3A_880[%add3A_862, %dma_wait3A_881] : memref<160x125xi32, #tpu.memory_space<hbm>> -> memref<1x125xi32, #tpu.memory_space<hbm>>
        %dma_wait3A_883 = tpu.memref_squeeze %dma_wait3A_882 : memref<1x125xi32, #tpu.memory_space<hbm>> -> memref<125xi32, #tpu.memory_space<hbm>>
        tpu.wait_dma2 semaphore(%arg21 : memref<!tpu.dma_semaphore, #tpu.memory_space<semaphore_mem>>) src(%dma_wait3A_883 : memref<125xi32, #tpu.memory_space<hbm>>) dst(%dma_wait3A_876 : memref<125xi32, #tpu.memory_space<vmem>>)
        %dma_wait3A_884 = arith.constant 1 : i32
        %dma_wait3A_885 = arith.constant 0 : i32
        %dma_wait3A_886 = tpu.memref_slice %arg11[%dma_wait3A_884, %dma_wait3A_885] : memref<2x125xi32, #tpu.memory_space<vmem>> -> memref<1x125xi32, #tpu.memory_space<vmem>>
        %dma_wait3A_887 = tpu.memref_squeeze %dma_wait3A_886 : memref<1x125xi32, #tpu.memory_space<vmem>> -> memref<125xi32, #tpu.memory_space<vmem>>
        %dma_wait3A_888 = arith.constant 0 : i32
        %dma_wait3A_889 = arith.constant 0 : i32
        %dma_wait3A_890 = tpu.memref_slice %arg3[%scan3A_535, %arg1, %dma_wait3A_888, %dma_wait3A_889] : memref<2x16x160x125xi32, #tpu.memory_space<hbm>> -> memref<1x1x160x125xi32, #tpu.memory_space<hbm>>
        %dma_wait3A_891 = tpu.memref_squeeze %dma_wait3A_890 : memref<1x1x160x125xi32, #tpu.memory_space<hbm>> -> memref<160x125xi32, #tpu.memory_space<hbm>>
        %dma_wait3A_892 = arith.constant 0 : i32
        %dma_wait3A_893 = tpu.memref_slice %dma_wait3A_891[%add3A_862, %dma_wait3A_892] : memref<160x125xi32, #tpu.memory_space<hbm>> -> memref<1x125xi32, #tpu.memory_space<hbm>>
        %dma_wait3A_894 = tpu.memref_squeeze %dma_wait3A_893 : memref<1x125xi32, #tpu.memory_space<hbm>> -> memref<125xi32, #tpu.memory_space<hbm>>
        %dma_wait3A_895 = arith.constant 0 : i32
        %dma_wait3A_896 = tpu.memref_slice %arg11[%dma_wait3A_884, %dma_wait3A_895] : memref<2x125xi32, #tpu.memory_space<vmem>> -> memref<1x125xi32, #tpu.memory_space<vmem>>
        %dma_wait3A_897 = tpu.memref_squeeze %dma_wait3A_896 : memref<1x125xi32, #tpu.memory_space<vmem>> -> memref<125xi32, #tpu.memory_space<vmem>>
        %dma_wait3A_898 = arith.constant 0 : i32
        %dma_wait3A_899 = arith.constant 0 : i32
        %dma_wait3A_900 = tpu.memref_slice %arg3[%scan3A_535, %arg1, %dma_wait3A_898, %dma_wait3A_899] : memref<2x16x160x125xi32, #tpu.memory_space<hbm>> -> memref<1x1x160x125xi32, #tpu.memory_space<hbm>>
        %dma_wait3A_901 = tpu.memref_squeeze %dma_wait3A_900 : memref<1x1x160x125xi32, #tpu.memory_space<hbm>> -> memref<160x125xi32, #tpu.memory_space<hbm>>
        %dma_wait3A_902 = arith.constant 0 : i32
        %dma_wait3A_903 = tpu.memref_slice %dma_wait3A_901[%add3A_862, %dma_wait3A_902] : memref<160x125xi32, #tpu.memory_space<hbm>> -> memref<1x125xi32, #tpu.memory_space<hbm>>
        %dma_wait3A_904 = tpu.memref_squeeze %dma_wait3A_903 : memref<1x125xi32, #tpu.memory_space<hbm>> -> memref<125xi32, #tpu.memory_space<hbm>>
        tpu.wait_dma2 semaphore(%arg21 : memref<!tpu.dma_semaphore, #tpu.memory_space<semaphore_mem>>) src(%dma_wait3A_904 : memref<125xi32, #tpu.memory_space<hbm>>) dst(%dma_wait3A_897 : memref<125xi32, #tpu.memory_space<vmem>>)
        %dma_start3A_905 = arith.constant 0 : i32
        %dma_start3A_906 = arith.constant 0 : i32
        %dma_start3A_907 = tpu.memref_slice %arg11[%dma_start3A_905, %dma_start3A_906] : memref<2x125xi32, #tpu.memory_space<vmem>> -> memref<1x125xi32, #tpu.memory_space<vmem>>
        %dma_start3A_908 = tpu.memref_squeeze %dma_start3A_907 : memref<1x125xi32, #tpu.memory_space<vmem>> -> memref<125xi32, #tpu.memory_space<vmem>>
        %dma_start3A_909 = arith.constant 0 : i32
        %dma_start3A_910 = tpu.memref_slice %arg2[%arg0, %dma_start3A_909] : memref<20000x64xf32, #tpu.memory_space<hbm>> -> memref<19999x64xf32, #tpu.memory_space<hbm>>
        %dma_start3A_911 = arith.constant 0 : i32
        %dma_start3A_912 = arith.constant 0 : i32
        %dma_start3A_913 = tpu.memref_slice %dma_start3A_910[%dma_start3A_911, %dma_start3A_912] : memref<19999x64xf32, #tpu.memory_space<hbm>> -> memref<19999x64xf32, #tpu.memory_space<hbm>>
        tpu.enqueue_indirect_dma source(%dma_start3A_913 : memref<19999x64xf32, #tpu.memory_space<hbm>>) target(%arg16 : memref<125x64xf32, #tpu.memory_space<vmem>>) offsets(%dma_start3A_908 : memref<125xi32, #tpu.memory_space<vmem>>) semaphore(%arg26 : memref<!tpu.dma_semaphore, #tpu.memory_space<semaphore_mem>>)
      } else {
      }
      %lt3A_774 = arith.constant 31 : i32
      %lt3A_775 = arith.cmpi slt, %scan3A_627, %lt3A_774 : i32
      %convert_element_type3A_776 = arith.extui %lt3A_775 : i1 to i32
      %cond3A_777 = arith.constant 0 : i32
      %cond3A_778 = arith.cmpi ne, %convert_element_type3A_776, %cond3A_777 : i32
      scf.if %cond3A_778 {
        %add3A_794 = arith.constant 1 : i32
        %add3A_795 = arith.addi %mul3A_629, %add3A_794 : i32
        %dma_wait3A_796 = arith.constant 1 : i32
        %dma_wait3A_797 = arith.constant 0 : i32
        %dma_wait3A_798 = tpu.memref_slice %arg12[%dma_wait3A_796, %dma_wait3A_797] : memref<2x125xi32, #tpu.memory_space<vmem>> -> memref<1x125xi32, #tpu.memory_space<vmem>>
        %dma_wait3A_799 = tpu.memref_squeeze %dma_wait3A_798 : memref<1x125xi32, #tpu.memory_space<vmem>> -> memref<125xi32, #tpu.memory_space<vmem>>
        %dma_wait3A_800 = arith.constant 0 : i32
        %dma_wait3A_801 = arith.constant 0 : i32
        %dma_wait3A_802 = tpu.memref_slice %arg6[%dma_wait3A_800, %dma_wait3A_801] : memref<10112x64xf32, #tpu.memory_space<vmem_shared>> -> memref<10112x64xf32, #tpu.memory_space<vmem_shared>>
        tpu.wait_indirect_dma semaphore(%arg32 : memref<!tpu.dma_semaphore, #tpu.memory_space<semaphore_mem>>) src(%arg17 : memref<125x64xf32, #tpu.memory_space<vmem>>) dst(%dma_wait3A_802 : memref<10112x64xf32, #tpu.memory_space<vmem_shared>>)
        %lt3A_803 = arith.constant 80 : i32
        %lt3A_804 = arith.cmpi slt, %add3A_795, %lt3A_803 : i32
        %eq3A_805 = arith.constant 0 : i32
        %eq3A_806 = arith.cmpi eq, %arg0, %eq3A_805 : i32
        %eq3A_807 = arith.xori %lt3A_804, %eq3A_806 : i1
        %eq3A_808 = arith.constant true
        %eq3A_809 = arith.xori %eq3A_807, %eq3A_808 : i1
        %convert_element_type3A_810 = arith.extui %eq3A_809 : i1 to i32
        %cond3A_811 = arith.constant 0 : i32
        %cond3A_812 = arith.cmpi ne, %convert_element_type3A_810, %cond3A_811 : i32
        scf.if %cond3A_812 {
          %dma_wait3A_914 = arith.constant 1 : i32
          %dma_wait3A_915 = arith.constant 0 : i32
          %dma_wait3A_916 = tpu.memref_slice %arg12[%dma_wait3A_914, %dma_wait3A_915] : memref<2x125xi32, #tpu.memory_space<vmem>> -> memref<1x125xi32, #tpu.memory_space<vmem>>
          %dma_wait3A_917 = tpu.memref_squeeze %dma_wait3A_916 : memref<1x125xi32, #tpu.memory_space<vmem>> -> memref<125xi32, #tpu.memory_space<vmem>>
          %dma_wait3A_918 = arith.constant 0 : i32
          %dma_wait3A_919 = arith.constant 0 : i32
          %dma_wait3A_920 = tpu.memref_slice %arg7[%dma_wait3A_918, %dma_wait3A_919] : memref<10112x16xf32, #tpu.memory_space<vmem_shared>> -> memref<10112x16xf32, #tpu.memory_space<vmem_shared>>
          tpu.wait_indirect_dma semaphore(%arg37 : memref<!tpu.dma_semaphore, #tpu.memory_space<semaphore_mem>>) src(%arg10 : memref<125x16xf32, #tpu.memory_space<vmem>>) dst(%dma_wait3A_920 : memref<10112x16xf32, #tpu.memory_space<vmem_shared>>)
        } else {
        }
        %add3A_813 = arith.constant 1 : i32
        %add3A_814 = arith.addi %mul3A_629, %add3A_813 : i32
        %add3A_815 = arith.constant 5 : i32
        %add3A_816 = arith.addi %add3A_814, %add3A_815 : i32
        %dma_start3A_817 = arith.constant 0 : i32
        %dma_start3A_818 = arith.constant 0 : i32
        %dma_start3A_819 = tpu.memref_slice %arg12[%dma_start3A_817, %dma_start3A_818] : memref<2x125xi32, #tpu.memory_space<vmem>> -> memref<1x125xi32, #tpu.memory_space<vmem>>
        %dma_start3A_820 = tpu.memref_squeeze %dma_start3A_819 : memref<1x125xi32, #tpu.memory_space<vmem>> -> memref<125xi32, #tpu.memory_space<vmem>>
        %dma_start3A_821 = arith.constant 0 : i32
        %dma_start3A_822 = arith.constant 0 : i32
        %dma_start3A_823 = tpu.memref_slice %arg3[%scan3A_534, %arg1, %dma_start3A_821, %dma_start3A_822] : memref<2x16x160x125xi32, #tpu.memory_space<hbm>> -> memref<1x1x160x125xi32, #tpu.memory_space<hbm>>
        %dma_start3A_824 = tpu.memref_squeeze %dma_start3A_823 : memref<1x1x160x125xi32, #tpu.memory_space<hbm>> -> memref<160x125xi32, #tpu.memory_space<hbm>>
        %dma_start3A_825 = arith.constant 0 : i32
        %dma_start3A_826 = tpu.memref_slice %dma_start3A_824[%add3A_816, %dma_start3A_825] : memref<160x125xi32, #tpu.memory_space<hbm>> -> memref<1x125xi32, #tpu.memory_space<hbm>>
        %dma_start3A_827 = tpu.memref_squeeze %dma_start3A_826 : memref<1x125xi32, #tpu.memory_space<hbm>> -> memref<125xi32, #tpu.memory_space<hbm>>
        %dma_start3A_828 = arith.constant 0 : i32
        %dma_start3A_829 = tpu.memref_slice %arg12[%dma_start3A_817, %dma_start3A_828] : memref<2x125xi32, #tpu.memory_space<vmem>> -> memref<1x125xi32, #tpu.memory_space<vmem>>
        %dma_start3A_830 = tpu.memref_squeeze %dma_start3A_829 : memref<1x125xi32, #tpu.memory_space<vmem>> -> memref<125xi32, #tpu.memory_space<vmem>>
        %dma_start3A_831 = arith.constant 0 : i32
        %dma_start3A_832 = arith.constant 0 : i32
        %dma_start3A_833 = tpu.memref_slice %arg3[%scan3A_534, %arg1, %dma_start3A_831, %dma_start3A_832] : memref<2x16x160x125xi32, #tpu.memory_space<hbm>> -> memref<1x1x160x125xi32, #tpu.memory_space<hbm>>
        %dma_start3A_834 = tpu.memref_squeeze %dma_start3A_833 : memref<1x1x160x125xi32, #tpu.memory_space<hbm>> -> memref<160x125xi32, #tpu.memory_space<hbm>>
        %dma_start3A_835 = arith.constant 0 : i32
        %dma_start3A_836 = tpu.memref_slice %dma_start3A_834[%add3A_816, %dma_start3A_835] : memref<160x125xi32, #tpu.memory_space<hbm>> -> memref<1x125xi32, #tpu.memory_space<hbm>>
        %dma_start3A_837 = tpu.memref_squeeze %dma_start3A_836 : memref<1x125xi32, #tpu.memory_space<hbm>> -> memref<125xi32, #tpu.memory_space<hbm>>
        tpu.enqueue_dma source(%dma_start3A_837 : memref<125xi32, #tpu.memory_space<hbm>>) target(%dma_start3A_830 : memref<125xi32, #tpu.memory_space<vmem>>) target_semaphore(%arg22 : memref<!tpu.dma_semaphore, #tpu.memory_space<semaphore_mem>>)
        %dma_start3A_838 = arith.constant 1 : i32
        %dma_start3A_839 = arith.constant 0 : i32
        %dma_start3A_840 = tpu.memref_slice %arg12[%dma_start3A_838, %dma_start3A_839] : memref<2x125xi32, #tpu.memory_space<vmem>> -> memref<1x125xi32, #tpu.memory_space<vmem>>
        %dma_start3A_841 = tpu.memref_squeeze %dma_start3A_840 : memref<1x125xi32, #tpu.memory_space<vmem>> -> memref<125xi32, #tpu.memory_space<vmem>>
        %dma_start3A_842 = arith.constant 0 : i32
        %dma_start3A_843 = arith.constant 0 : i32
        %dma_start3A_844 = tpu.memref_slice %arg3[%scan3A_535, %arg1, %dma_start3A_842, %dma_start3A_843] : memref<2x16x160x125xi32, #tpu.memory_space<hbm>> -> memref<1x1x160x125xi32, #tpu.memory_space<hbm>>
        %dma_start3A_845 = tpu.memref_squeeze %dma_start3A_844 : memref<1x1x160x125xi32, #tpu.memory_space<hbm>> -> memref<160x125xi32, #tpu.memory_space<hbm>>
        %dma_start3A_846 = arith.constant 0 : i32
        %dma_start3A_847 = tpu.memref_slice %dma_start3A_845[%add3A_816, %dma_start3A_846] : memref<160x125xi32, #tpu.memory_space<hbm>> -> memref<1x125xi32, #tpu.memory_space<hbm>>
        %dma_start3A_848 = tpu.memref_squeeze %dma_start3A_847 : memref<1x125xi32, #tpu.memory_space<hbm>> -> memref<125xi32, #tpu.memory_space<hbm>>
        %dma_start3A_849 = arith.constant 0 : i32
        %dma_start3A_850 = tpu.memref_slice %arg12[%dma_start3A_838, %dma_start3A_849] : memref<2x125xi32, #tpu.memory_space<vmem>> -> memref<1x125xi32, #tpu.memory_space<vmem>>
        %dma_start3A_851 = tpu.memref_squeeze %dma_start3A_850 : memref<1x125xi32, #tpu.memory_space<vmem>> -> memref<125xi32, #tpu.memory_space<vmem>>
        %dma_start3A_852 = arith.constant 0 : i32
        %dma_start3A_853 = arith.constant 0 : i32
        %dma_start3A_854 = tpu.memref_slice %arg3[%scan3A_535, %arg1, %dma_start3A_852, %dma_start3A_853] : memref<2x16x160x125xi32, #tpu.memory_space<hbm>> -> memref<1x1x160x125xi32, #tpu.memory_space<hbm>>
        %dma_start3A_855 = tpu.memref_squeeze %dma_start3A_854 : memref<1x1x160x125xi32, #tpu.memory_space<hbm>> -> memref<160x125xi32, #tpu.memory_space<hbm>>
        %dma_start3A_856 = arith.constant 0 : i32
        %dma_start3A_857 = tpu.memref_slice %dma_start3A_855[%add3A_816, %dma_start3A_856] : memref<160x125xi32, #tpu.memory_space<hbm>> -> memref<1x125xi32, #tpu.memory_space<hbm>>
        %dma_start3A_858 = tpu.memref_squeeze %dma_start3A_857 : memref<1x125xi32, #tpu.memory_space<hbm>> -> memref<125xi32, #tpu.memory_space<hbm>>
        tpu.enqueue_dma source(%dma_start3A_858 : memref<125xi32, #tpu.memory_space<hbm>>) target(%dma_start3A_851 : memref<125xi32, #tpu.memory_space<vmem>>) target_semaphore(%arg22 : memref<!tpu.dma_semaphore, #tpu.memory_space<semaphore_mem>>)
        %add3A_859 = arith.constant 1 : i32
        %add3A_860 = arith.addi %mul3A_629, %add3A_859 : i32
        %add3A_861 = arith.constant 5 : i32
        %add3A_862 = arith.addi %add3A_860, %add3A_861 : i32
        %dma_wait3A_863 = arith.constant 0 : i32
        %dma_wait3A_864 = arith.constant 0 : i32
        %dma_wait3A_865 = tpu.memref_slice %arg12[%dma_wait3A_863, %dma_wait3A_864] : memref<2x125xi32, #tpu.memory_space<vmem>> -> memref<1x125xi32, #tpu.memory_space<vmem>>
        %dma_wait3A_866 = tpu.memref_squeeze %dma_wait3A_865 : memref<1x125xi32, #tpu.memory_space<vmem>> -> memref<125xi32, #tpu.memory_space<vmem>>
        %dma_wait3A_867 = arith.constant 0 : i32
        %dma_wait3A_868 = arith.constant 0 : i32
        %dma_wait3A_869 = tpu.memref_slice %arg3[%scan3A_534, %arg1, %dma_wait3A_867, %dma_wait3A_868] : memref<2x16x160x125xi32, #tpu.memory_space<hbm>> -> memref<1x1x160x125xi32, #tpu.memory_space<hbm>>
        %dma_wait3A_870 = tpu.memref_squeeze %dma_wait3A_869 : memref<1x1x160x125xi32, #tpu.memory_space<hbm>> -> memref<160x125xi32, #tpu.memory_space<hbm>>
        %dma_wait3A_871 = arith.constant 0 : i32
        %dma_wait3A_872 = tpu.memref_slice %dma_wait3A_870[%add3A_862, %dma_wait3A_871] : memref<160x125xi32, #tpu.memory_space<hbm>> -> memref<1x125xi32, #tpu.memory_space<hbm>>
        %dma_wait3A_873 = tpu.memref_squeeze %dma_wait3A_872 : memref<1x125xi32, #tpu.memory_space<hbm>> -> memref<125xi32, #tpu.memory_space<hbm>>
        %dma_wait3A_874 = arith.constant 0 : i32
        %dma_wait3A_875 = tpu.memref_slice %arg12[%dma_wait3A_863, %dma_wait3A_874] : memref<2x125xi32, #tpu.memory_space<vmem>> -> memref<1x125xi32, #tpu.memory_space<vmem>>
        %dma_wait3A_876 = tpu.memref_squeeze %dma_wait3A_875 : memref<1x125xi32, #tpu.memory_space<vmem>> -> memref<125xi32, #tpu.memory_space<vmem>>
        %dma_wait3A_877 = arith.constant 0 : i32
        %dma_wait3A_878 = arith.constant 0 : i32
        %dma_wait3A_879 = tpu.memref_slice %arg3[%scan3A_534, %arg1, %dma_wait3A_877, %dma_wait3A_878] : memref<2x16x160x125xi32, #tpu.memory_space<hbm>> -> memref<1x1x160x125xi32, #tpu.memory_space<hbm>>
        %dma_wait3A_880 = tpu.memref_squeeze %dma_wait3A_879 : memref<1x1x160x125xi32, #tpu.memory_space<hbm>> -> memref<160x125xi32, #tpu.memory_space<hbm>>
        %dma_wait3A_881 = arith.constant 0 : i32
        %dma_wait3A_882 = tpu.memref_slice %dma_wait3A_880[%add3A_862, %dma_wait3A_881] : memref<160x125xi32, #tpu.memory_space<hbm>> -> memref<1x125xi32, #tpu.memory_space<hbm>>
        %dma_wait3A_883 = tpu.memref_squeeze %dma_wait3A_882 : memref<1x125xi32, #tpu.memory_space<hbm>> -> memref<125xi32, #tpu.memory_space<hbm>>
        tpu.wait_dma2 semaphore(%arg22 : memref<!tpu.dma_semaphore, #tpu.memory_space<semaphore_mem>>) src(%dma_wait3A_883 : memref<125xi32, #tpu.memory_space<hbm>>) dst(%dma_wait3A_876 : memref<125xi32, #tpu.memory_space<vmem>>)
        %dma_wait3A_884 = arith.constant 1 : i32
        %dma_wait3A_885 = arith.constant 0 : i32
        %dma_wait3A_886 = tpu.memref_slice %arg12[%dma_wait3A_884, %dma_wait3A_885] : memref<2x125xi32, #tpu.memory_space<vmem>> -> memref<1x125xi32, #tpu.memory_space<vmem>>
        %dma_wait3A_887 = tpu.memref_squeeze %dma_wait3A_886 : memref<1x125xi32, #tpu.memory_space<vmem>> -> memref<125xi32, #tpu.memory_space<vmem>>
        %dma_wait3A_888 = arith.constant 0 : i32
        %dma_wait3A_889 = arith.constant 0 : i32
        %dma_wait3A_890 = tpu.memref_slice %arg3[%scan3A_535, %arg1, %dma_wait3A_888, %dma_wait3A_889] : memref<2x16x160x125xi32, #tpu.memory_space<hbm>> -> memref<1x1x160x125xi32, #tpu.memory_space<hbm>>
        %dma_wait3A_891 = tpu.memref_squeeze %dma_wait3A_890 : memref<1x1x160x125xi32, #tpu.memory_space<hbm>> -> memref<160x125xi32, #tpu.memory_space<hbm>>
        %dma_wait3A_892 = arith.constant 0 : i32
        %dma_wait3A_893 = tpu.memref_slice %dma_wait3A_891[%add3A_862, %dma_wait3A_892] : memref<160x125xi32, #tpu.memory_space<hbm>> -> memref<1x125xi32, #tpu.memory_space<hbm>>
        %dma_wait3A_894 = tpu.memref_squeeze %dma_wait3A_893 : memref<1x125xi32, #tpu.memory_space<hbm>> -> memref<125xi32, #tpu.memory_space<hbm>>
        %dma_wait3A_895 = arith.constant 0 : i32
        %dma_wait3A_896 = tpu.memref_slice %arg12[%dma_wait3A_884, %dma_wait3A_895] : memref<2x125xi32, #tpu.memory_space<vmem>> -> memref<1x125xi32, #tpu.memory_space<vmem>>
        %dma_wait3A_897 = tpu.memref_squeeze %dma_wait3A_896 : memref<1x125xi32, #tpu.memory_space<vmem>> -> memref<125xi32, #tpu.memory_space<vmem>>
        %dma_wait3A_898 = arith.constant 0 : i32
        %dma_wait3A_899 = arith.constant 0 : i32
        %dma_wait3A_900 = tpu.memref_slice %arg3[%scan3A_535, %arg1, %dma_wait3A_898, %dma_wait3A_899] : memref<2x16x160x125xi32, #tpu.memory_space<hbm>> -> memref<1x1x160x125xi32, #tpu.memory_space<hbm>>
        %dma_wait3A_901 = tpu.memref_squeeze %dma_wait3A_900 : memref<1x1x160x125xi32, #tpu.memory_space<hbm>> -> memref<160x125xi32, #tpu.memory_space<hbm>>
        %dma_wait3A_902 = arith.constant 0 : i32
        %dma_wait3A_903 = tpu.memref_slice %dma_wait3A_901[%add3A_862, %dma_wait3A_902] : memref<160x125xi32, #tpu.memory_space<hbm>> -> memref<1x125xi32, #tpu.memory_space<hbm>>
        %dma_wait3A_904 = tpu.memref_squeeze %dma_wait3A_903 : memref<1x125xi32, #tpu.memory_space<hbm>> -> memref<125xi32, #tpu.memory_space<hbm>>
        tpu.wait_dma2 semaphore(%arg22 : memref<!tpu.dma_semaphore, #tpu.memory_space<semaphore_mem>>) src(%dma_wait3A_904 : memref<125xi32, #tpu.memory_space<hbm>>) dst(%dma_wait3A_897 : memref<125xi32, #tpu.memory_space<vmem>>)
        %dma_start3A_905 = arith.constant 0 : i32
        %dma_start3A_906 = arith.constant 0 : i32
        %dma_start3A_907 = tpu.memref_slice %arg12[%dma_start3A_905, %dma_start3A_906] : memref<2x125xi32, #tpu.memory_space<vmem>> -> memref<1x125xi32, #tpu.memory_space<vmem>>
        %dma_start3A_908 = tpu.memref_squeeze %dma_start3A_907 : memref<1x125xi32, #tpu.memory_space<vmem>> -> memref<125xi32, #tpu.memory_space<vmem>>
        %dma_start3A_909 = arith.constant 0 : i32
        %dma_start3A_910 = tpu.memref_slice %arg2[%arg0, %dma_start3A_909] : memref<20000x64xf32, #tpu.memory_space<hbm>> -> memref<19999x64xf32, #tpu.memory_space<hbm>>
        %dma_start3A_911 = arith.constant 0 : i32
        %dma_start3A_912 = arith.constant 0 : i32
        %dma_start3A_913 = tpu.memref_slice %dma_start3A_910[%dma_start3A_911, %dma_start3A_912] : memref<19999x64xf32, #tpu.memory_space<hbm>> -> memref<19999x64xf32, #tpu.memory_space<hbm>>
        tpu.enqueue_indirect_dma source(%dma_start3A_913 : memref<19999x64xf32, #tpu.memory_space<hbm>>) target(%arg17 : memref<125x64xf32, #tpu.memory_space<vmem>>) offsets(%dma_start3A_908 : memref<125xi32, #tpu.memory_space<vmem>>) semaphore(%arg27 : memref<!tpu.dma_semaphore, #tpu.memory_space<semaphore_mem>>)
      } else {
      }
      %lt3A_779 = arith.constant 31 : i32
      %lt3A_780 = arith.cmpi slt, %scan3A_627, %lt3A_779 : i32
      %convert_element_type3A_781 = arith.extui %lt3A_780 : i1 to i32
      %cond3A_782 = arith.constant 0 : i32
      %cond3A_783 = arith.cmpi ne, %convert_element_type3A_781, %cond3A_782 : i32
      scf.if %cond3A_783 {
        %add3A_794 = arith.constant 2 : i32
        %add3A_795 = arith.addi %mul3A_629, %add3A_794 : i32
        %dma_wait3A_796 = arith.constant 1 : i32
        %dma_wait3A_797 = arith.constant 0 : i32
        %dma_wait3A_798 = tpu.memref_slice %arg13[%dma_wait3A_796, %dma_wait3A_797] : memref<2x125xi32, #tpu.memory_space<vmem>> -> memref<1x125xi32, #tpu.memory_space<vmem>>
        %dma_wait3A_799 = tpu.memref_squeeze %dma_wait3A_798 : memref<1x125xi32, #tpu.memory_space<vmem>> -> memref<125xi32, #tpu.memory_space<vmem>>
        %dma_wait3A_800 = arith.constant 0 : i32
        %dma_wait3A_801 = arith.constant 0 : i32
        %dma_wait3A_802 = tpu.memref_slice %arg6[%dma_wait3A_800, %dma_wait3A_801] : memref<10112x64xf32, #tpu.memory_space<vmem_shared>> -> memref<10112x64xf32, #tpu.memory_space<vmem_shared>>
        tpu.wait_indirect_dma semaphore(%arg33 : memref<!tpu.dma_semaphore, #tpu.memory_space<semaphore_mem>>) src(%arg18 : memref<125x64xf32, #tpu.memory_space<vmem>>) dst(%dma_wait3A_802 : memref<10112x64xf32, #tpu.memory_space<vmem_shared>>)
        %lt3A_803 = arith.constant 80 : i32
        %lt3A_804 = arith.cmpi slt, %add3A_795, %lt3A_803 : i32
        %eq3A_805 = arith.constant 0 : i32
        %eq3A_806 = arith.cmpi eq, %arg0, %eq3A_805 : i32
        %eq3A_807 = arith.xori %lt3A_804, %eq3A_806 : i1
        %eq3A_808 = arith.constant true
        %eq3A_809 = arith.xori %eq3A_807, %eq3A_808 : i1
        %convert_element_type3A_810 = arith.extui %eq3A_809 : i1 to i32
        %cond3A_811 = arith.constant 0 : i32
        %cond3A_812 = arith.cmpi ne, %convert_element_type3A_810, %cond3A_811 : i32
        scf.if %cond3A_812 {
          %dma_wait3A_914 = arith.constant 1 : i32
          %dma_wait3A_915 = arith.constant 0 : i32
          %dma_wait3A_916 = tpu.memref_slice %arg13[%dma_wait3A_914, %dma_wait3A_915] : memref<2x125xi32, #tpu.memory_space<vmem>> -> memref<1x125xi32, #tpu.memory_space<vmem>>
          %dma_wait3A_917 = tpu.memref_squeeze %dma_wait3A_916 : memref<1x125xi32, #tpu.memory_space<vmem>> -> memref<125xi32, #tpu.memory_space<vmem>>
          %dma_wait3A_918 = arith.constant 0 : i32
          %dma_wait3A_919 = arith.constant 0 : i32
          %dma_wait3A_920 = tpu.memref_slice %arg7[%dma_wait3A_918, %dma_wait3A_919] : memref<10112x16xf32, #tpu.memory_space<vmem_shared>> -> memref<10112x16xf32, #tpu.memory_space<vmem_shared>>
          tpu.wait_indirect_dma semaphore(%arg38 : memref<!tpu.dma_semaphore, #tpu.memory_space<semaphore_mem>>) src(%arg10 : memref<125x16xf32, #tpu.memory_space<vmem>>) dst(%dma_wait3A_920 : memref<10112x16xf32, #tpu.memory_space<vmem_shared>>)
        } else {
        }
        %add3A_813 = arith.constant 2 : i32
        %add3A_814 = arith.addi %mul3A_629, %add3A_813 : i32
        %add3A_815 = arith.constant 5 : i32
        %add3A_816 = arith.addi %add3A_814, %add3A_815 : i32
        %dma_start3A_817 = arith.constant 0 : i32
        %dma_start3A_818 = arith.constant 0 : i32
        %dma_start3A_819 = tpu.memref_slice %arg13[%dma_start3A_817, %dma_start3A_818] : memref<2x125xi32, #tpu.memory_space<vmem>> -> memref<1x125xi32, #tpu.memory_space<vmem>>
        %dma_start3A_820 = tpu.memref_squeeze %dma_start3A_819 : memref<1x125xi32, #tpu.memory_space<vmem>> -> memref<125xi32, #tpu.memory_space<vmem>>
        %dma_start3A_821 = arith.constant 0 : i32
        %dma_start3A_822 = arith.constant 0 : i32
        %dma_start3A_823 = tpu.memref_slice %arg3[%scan3A_534, %arg1, %dma_start3A_821, %dma_start3A_822] : memref<2x16x160x125xi32, #tpu.memory_space<hbm>> -> memref<1x1x160x125xi32, #tpu.memory_space<hbm>>
        %dma_start3A_824 = tpu.memref_squeeze %dma_start3A_823 : memref<1x1x160x125xi32, #tpu.memory_space<hbm>> -> memref<160x125xi32, #tpu.memory_space<hbm>>
        %dma_start3A_825 = arith.constant 0 : i32
        %dma_start3A_826 = tpu.memref_slice %dma_start3A_824[%add3A_816, %dma_start3A_825] : memref<160x125xi32, #tpu.memory_space<hbm>> -> memref<1x125xi32, #tpu.memory_space<hbm>>
        %dma_start3A_827 = tpu.memref_squeeze %dma_start3A_826 : memref<1x125xi32, #tpu.memory_space<hbm>> -> memref<125xi32, #tpu.memory_space<hbm>>
        %dma_start3A_828 = arith.constant 0 : i32
        %dma_start3A_829 = tpu.memref_slice %arg13[%dma_start3A_817, %dma_start3A_828] : memref<2x125xi32, #tpu.memory_space<vmem>> -> memref<1x125xi32, #tpu.memory_space<vmem>>
        %dma_start3A_830 = tpu.memref_squeeze %dma_start3A_829 : memref<1x125xi32, #tpu.memory_space<vmem>> -> memref<125xi32, #tpu.memory_space<vmem>>
        %dma_start3A_831 = arith.constant 0 : i32
        %dma_start3A_832 = arith.constant 0 : i32
        %dma_start3A_833 = tpu.memref_slice %arg3[%scan3A_534, %arg1, %dma_start3A_831, %dma_start3A_832] : memref<2x16x160x125xi32, #tpu.memory_space<hbm>> -> memref<1x1x160x125xi32, #tpu.memory_space<hbm>>
        %dma_start3A_834 = tpu.memref_squeeze %dma_start3A_833 : memref<1x1x160x125xi32, #tpu.memory_space<hbm>> -> memref<160x125xi32, #tpu.memory_space<hbm>>
        %dma_start3A_835 = arith.constant 0 : i32
        %dma_start3A_836 = tpu.memref_slice %dma_start3A_834[%add3A_816, %dma_start3A_835] : memref<160x125xi32, #tpu.memory_space<hbm>> -> memref<1x125xi32, #tpu.memory_space<hbm>>
        %dma_start3A_837 = tpu.memref_squeeze %dma_start3A_836 : memref<1x125xi32, #tpu.memory_space<hbm>> -> memref<125xi32, #tpu.memory_space<hbm>>
        tpu.enqueue_dma source(%dma_start3A_837 : memref<125xi32, #tpu.memory_space<hbm>>) target(%dma_start3A_830 : memref<125xi32, #tpu.memory_space<vmem>>) target_semaphore(%arg23 : memref<!tpu.dma_semaphore, #tpu.memory_space<semaphore_mem>>)
        %dma_start3A_838 = arith.constant 1 : i32
        %dma_start3A_839 = arith.constant 0 : i32
        %dma_start3A_840 = tpu.memref_slice %arg13[%dma_start3A_838, %dma_start3A_839] : memref<2x125xi32, #tpu.memory_space<vmem>> -> memref<1x125xi32, #tpu.memory_space<vmem>>
        %dma_start3A_841 = tpu.memref_squeeze %dma_start3A_840 : memref<1x125xi32, #tpu.memory_space<vmem>> -> memref<125xi32, #tpu.memory_space<vmem>>
        %dma_start3A_842 = arith.constant 0 : i32
        %dma_start3A_843 = arith.constant 0 : i32
        %dma_start3A_844 = tpu.memref_slice %arg3[%scan3A_535, %arg1, %dma_start3A_842, %dma_start3A_843] : memref<2x16x160x125xi32, #tpu.memory_space<hbm>> -> memref<1x1x160x125xi32, #tpu.memory_space<hbm>>
        %dma_start3A_845 = tpu.memref_squeeze %dma_start3A_844 : memref<1x1x160x125xi32, #tpu.memory_space<hbm>> -> memref<160x125xi32, #tpu.memory_space<hbm>>
        %dma_start3A_846 = arith.constant 0 : i32
        %dma_start3A_847 = tpu.memref_slice %dma_start3A_845[%add3A_816, %dma_start3A_846] : memref<160x125xi32, #tpu.memory_space<hbm>> -> memref<1x125xi32, #tpu.memory_space<hbm>>
        %dma_start3A_848 = tpu.memref_squeeze %dma_start3A_847 : memref<1x125xi32, #tpu.memory_space<hbm>> -> memref<125xi32, #tpu.memory_space<hbm>>
        %dma_start3A_849 = arith.constant 0 : i32
        %dma_start3A_850 = tpu.memref_slice %arg13[%dma_start3A_838, %dma_start3A_849] : memref<2x125xi32, #tpu.memory_space<vmem>> -> memref<1x125xi32, #tpu.memory_space<vmem>>
        %dma_start3A_851 = tpu.memref_squeeze %dma_start3A_850 : memref<1x125xi32, #tpu.memory_space<vmem>> -> memref<125xi32, #tpu.memory_space<vmem>>
        %dma_start3A_852 = arith.constant 0 : i32
        %dma_start3A_853 = arith.constant 0 : i32
        %dma_start3A_854 = tpu.memref_slice %arg3[%scan3A_535, %arg1, %dma_start3A_852, %dma_start3A_853] : memref<2x16x160x125xi32, #tpu.memory_space<hbm>> -> memref<1x1x160x125xi32, #tpu.memory_space<hbm>>
        %dma_start3A_855 = tpu.memref_squeeze %dma_start3A_854 : memref<1x1x160x125xi32, #tpu.memory_space<hbm>> -> memref<160x125xi32, #tpu.memory_space<hbm>>
        %dma_start3A_856 = arith.constant 0 : i32
        %dma_start3A_857 = tpu.memref_slice %dma_start3A_855[%add3A_816, %dma_start3A_856] : memref<160x125xi32, #tpu.memory_space<hbm>> -> memref<1x125xi32, #tpu.memory_space<hbm>>
        %dma_start3A_858 = tpu.memref_squeeze %dma_start3A_857 : memref<1x125xi32, #tpu.memory_space<hbm>> -> memref<125xi32, #tpu.memory_space<hbm>>
        tpu.enqueue_dma source(%dma_start3A_858 : memref<125xi32, #tpu.memory_space<hbm>>) target(%dma_start3A_851 : memref<125xi32, #tpu.memory_space<vmem>>) target_semaphore(%arg23 : memref<!tpu.dma_semaphore, #tpu.memory_space<semaphore_mem>>)
        %add3A_859 = arith.constant 2 : i32
        %add3A_860 = arith.addi %mul3A_629, %add3A_859 : i32
        %add3A_861 = arith.constant 5 : i32
        %add3A_862 = arith.addi %add3A_860, %add3A_861 : i32
        %dma_wait3A_863 = arith.constant 0 : i32
        %dma_wait3A_864 = arith.constant 0 : i32
        %dma_wait3A_865 = tpu.memref_slice %arg13[%dma_wait3A_863, %dma_wait3A_864] : memref<2x125xi32, #tpu.memory_space<vmem>> -> memref<1x125xi32, #tpu.memory_space<vmem>>
        %dma_wait3A_866 = tpu.memref_squeeze %dma_wait3A_865 : memref<1x125xi32, #tpu.memory_space<vmem>> -> memref<125xi32, #tpu.memory_space<vmem>>
        %dma_wait3A_867 = arith.constant 0 : i32
        %dma_wait3A_868 = arith.constant 0 : i32
        %dma_wait3A_869 = tpu.memref_slice %arg3[%scan3A_534, %arg1, %dma_wait3A_867, %dma_wait3A_868] : memref<2x16x160x125xi32, #tpu.memory_space<hbm>> -> memref<1x1x160x125xi32, #tpu.memory_space<hbm>>
        %dma_wait3A_870 = tpu.memref_squeeze %dma_wait3A_869 : memref<1x1x160x125xi32, #tpu.memory_space<hbm>> -> memref<160x125xi32, #tpu.memory_space<hbm>>
        %dma_wait3A_871 = arith.constant 0 : i32
        %dma_wait3A_872 = tpu.memref_slice %dma_wait3A_870[%add3A_862, %dma_wait3A_871] : memref<160x125xi32, #tpu.memory_space<hbm>> -> memref<1x125xi32, #tpu.memory_space<hbm>>
        %dma_wait3A_873 = tpu.memref_squeeze %dma_wait3A_872 : memref<1x125xi32, #tpu.memory_space<hbm>> -> memref<125xi32, #tpu.memory_space<hbm>>
        %dma_wait3A_874 = arith.constant 0 : i32
        %dma_wait3A_875 = tpu.memref_slice %arg13[%dma_wait3A_863, %dma_wait3A_874] : memref<2x125xi32, #tpu.memory_space<vmem>> -> memref<1x125xi32, #tpu.memory_space<vmem>>
        %dma_wait3A_876 = tpu.memref_squeeze %dma_wait3A_875 : memref<1x125xi32, #tpu.memory_space<vmem>> -> memref<125xi32, #tpu.memory_space<vmem>>
        %dma_wait3A_877 = arith.constant 0 : i32
        %dma_wait3A_878 = arith.constant 0 : i32
        %dma_wait3A_879 = tpu.memref_slice %arg3[%scan3A_534, %arg1, %dma_wait3A_877, %dma_wait3A_878] : memref<2x16x160x125xi32, #tpu.memory_space<hbm>> -> memref<1x1x160x125xi32, #tpu.memory_space<hbm>>
        %dma_wait3A_880 = tpu.memref_squeeze %dma_wait3A_879 : memref<1x1x160x125xi32, #tpu.memory_space<hbm>> -> memref<160x125xi32, #tpu.memory_space<hbm>>
        %dma_wait3A_881 = arith.constant 0 : i32
        %dma_wait3A_882 = tpu.memref_slice %dma_wait3A_880[%add3A_862, %dma_wait3A_881] : memref<160x125xi32, #tpu.memory_space<hbm>> -> memref<1x125xi32, #tpu.memory_space<hbm>>
        %dma_wait3A_883 = tpu.memref_squeeze %dma_wait3A_882 : memref<1x125xi32, #tpu.memory_space<hbm>> -> memref<125xi32, #tpu.memory_space<hbm>>
        tpu.wait_dma2 semaphore(%arg23 : memref<!tpu.dma_semaphore, #tpu.memory_space<semaphore_mem>>) src(%dma_wait3A_883 : memref<125xi32, #tpu.memory_space<hbm>>) dst(%dma_wait3A_876 : memref<125xi32, #tpu.memory_space<vmem>>)
        %dma_wait3A_884 = arith.constant 1 : i32
        %dma_wait3A_885 = arith.constant 0 : i32
        %dma_wait3A_886 = tpu.memref_slice %arg13[%dma_wait3A_884, %dma_wait3A_885] : memref<2x125xi32, #tpu.memory_space<vmem>> -> memref<1x125xi32, #tpu.memory_space<vmem>>
        %dma_wait3A_887 = tpu.memref_squeeze %dma_wait3A_886 : memref<1x125xi32, #tpu.memory_space<vmem>> -> memref<125xi32, #tpu.memory_space<vmem>>
        %dma_wait3A_888 = arith.constant 0 : i32
        %dma_wait3A_889 = arith.constant 0 : i32
        %dma_wait3A_890 = tpu.memref_slice %arg3[%scan3A_535, %arg1, %dma_wait3A_888, %dma_wait3A_889] : memref<2x16x160x125xi32, #tpu.memory_space<hbm>> -> memref<1x1x160x125xi32, #tpu.memory_space<hbm>>
        %dma_wait3A_891 = tpu.memref_squeeze %dma_wait3A_890 : memref<1x1x160x125xi32, #tpu.memory_space<hbm>> -> memref<160x125xi32, #tpu.memory_space<hbm>>
        %dma_wait3A_892 = arith.constant 0 : i32
        %dma_wait3A_893 = tpu.memref_slice %dma_wait3A_891[%add3A_862, %dma_wait3A_892] : memref<160x125xi32, #tpu.memory_space<hbm>> -> memref<1x125xi32, #tpu.memory_space<hbm>>
        %dma_wait3A_894 = tpu.memref_squeeze %dma_wait3A_893 : memref<1x125xi32, #tpu.memory_space<hbm>> -> memref<125xi32, #tpu.memory_space<hbm>>
        %dma_wait3A_895 = arith.constant 0 : i32
        %dma_wait3A_896 = tpu.memref_slice %arg13[%dma_wait3A_884, %dma_wait3A_895] : memref<2x125xi32, #tpu.memory_space<vmem>> -> memref<1x125xi32, #tpu.memory_space<vmem>>
        %dma_wait3A_897 = tpu.memref_squeeze %dma_wait3A_896 : memref<1x125xi32, #tpu.memory_space<vmem>> -> memref<125xi32, #tpu.memory_space<vmem>>
        %dma_wait3A_898 = arith.constant 0 : i32
        %dma_wait3A_899 = arith.constant 0 : i32
        %dma_wait3A_900 = tpu.memref_slice %arg3[%scan3A_535, %arg1, %dma_wait3A_898, %dma_wait3A_899] : memref<2x16x160x125xi32, #tpu.memory_space<hbm>> -> memref<1x1x160x125xi32, #tpu.memory_space<hbm>>
        %dma_wait3A_901 = tpu.memref_squeeze %dma_wait3A_900 : memref<1x1x160x125xi32, #tpu.memory_space<hbm>> -> memref<160x125xi32, #tpu.memory_space<hbm>>
        %dma_wait3A_902 = arith.constant 0 : i32
        %dma_wait3A_903 = tpu.memref_slice %dma_wait3A_901[%add3A_862, %dma_wait3A_902] : memref<160x125xi32, #tpu.memory_space<hbm>> -> memref<1x125xi32, #tpu.memory_space<hbm>>
        %dma_wait3A_904 = tpu.memref_squeeze %dma_wait3A_903 : memref<1x125xi32, #tpu.memory_space<hbm>> -> memref<125xi32, #tpu.memory_space<hbm>>
        tpu.wait_dma2 semaphore(%arg23 : memref<!tpu.dma_semaphore, #tpu.memory_space<semaphore_mem>>) src(%dma_wait3A_904 : memref<125xi32, #tpu.memory_space<hbm>>) dst(%dma_wait3A_897 : memref<125xi32, #tpu.memory_space<vmem>>)
        %dma_start3A_905 = arith.constant 0 : i32
        %dma_start3A_906 = arith.constant 0 : i32
        %dma_start3A_907 = tpu.memref_slice %arg13[%dma_start3A_905, %dma_start3A_906] : memref<2x125xi32, #tpu.memory_space<vmem>> -> memref<1x125xi32, #tpu.memory_space<vmem>>
        %dma_start3A_908 = tpu.memref_squeeze %dma_start3A_907 : memref<1x125xi32, #tpu.memory_space<vmem>> -> memref<125xi32, #tpu.memory_space<vmem>>
        %dma_start3A_909 = arith.constant 0 : i32
        %dma_start3A_910 = tpu.memref_slice %arg2[%arg0, %dma_start3A_909] : memref<20000x64xf32, #tpu.memory_space<hbm>> -> memref<19999x64xf32, #tpu.memory_space<hbm>>
        %dma_start3A_911 = arith.constant 0 : i32
        %dma_start3A_912 = arith.constant 0 : i32
        %dma_start3A_913 = tpu.memref_slice %dma_start3A_910[%dma_start3A_911, %dma_start3A_912] : memref<19999x64xf32, #tpu.memory_space<hbm>> -> memref<19999x64xf32, #tpu.memory_space<hbm>>
        tpu.enqueue_indirect_dma source(%dma_start3A_913 : memref<19999x64xf32, #tpu.memory_space<hbm>>) target(%arg18 : memref<125x64xf32, #tpu.memory_space<vmem>>) offsets(%dma_start3A_908 : memref<125xi32, #tpu.memory_space<vmem>>) semaphore(%arg28 : memref<!tpu.dma_semaphore, #tpu.memory_space<semaphore_mem>>)
      } else {
      }
      %lt3A_784 = arith.constant 31 : i32
      %lt3A_785 = arith.cmpi slt, %scan3A_627, %lt3A_784 : i32
      %convert_element_type3A_786 = arith.extui %lt3A_785 : i1 to i32
      %cond3A_787 = arith.constant 0 : i32
      %cond3A_788 = arith.cmpi ne, %convert_element_type3A_786, %cond3A_787 : i32
      scf.if %cond3A_788 {
        %add3A_794 = arith.constant 3 : i32
        %add3A_795 = arith.addi %mul3A_629, %add3A_794 : i32
        %dma_wait3A_796 = arith.constant 1 : i32
        %dma_wait3A_797 = arith.constant 0 : i32
        %dma_wait3A_798 = tpu.memref_slice %arg14[%dma_wait3A_796, %dma_wait3A_797] : memref<2x125xi32, #tpu.memory_space<vmem>> -> memref<1x125xi32, #tpu.memory_space<vmem>>
        %dma_wait3A_799 = tpu.memref_squeeze %dma_wait3A_798 : memref<1x125xi32, #tpu.memory_space<vmem>> -> memref<125xi32, #tpu.memory_space<vmem>>
        %dma_wait3A_800 = arith.constant 0 : i32
        %dma_wait3A_801 = arith.constant 0 : i32
        %dma_wait3A_802 = tpu.memref_slice %arg6[%dma_wait3A_800, %dma_wait3A_801] : memref<10112x64xf32, #tpu.memory_space<vmem_shared>> -> memref<10112x64xf32, #tpu.memory_space<vmem_shared>>
        tpu.wait_indirect_dma semaphore(%arg34 : memref<!tpu.dma_semaphore, #tpu.memory_space<semaphore_mem>>) src(%arg19 : memref<125x64xf32, #tpu.memory_space<vmem>>) dst(%dma_wait3A_802 : memref<10112x64xf32, #tpu.memory_space<vmem_shared>>)
        %lt3A_803 = arith.constant 80 : i32
        %lt3A_804 = arith.cmpi slt, %add3A_795, %lt3A_803 : i32
        %eq3A_805 = arith.constant 0 : i32
        %eq3A_806 = arith.cmpi eq, %arg0, %eq3A_805 : i32
        %eq3A_807 = arith.xori %lt3A_804, %eq3A_806 : i1
        %eq3A_808 = arith.constant true
        %eq3A_809 = arith.xori %eq3A_807, %eq3A_808 : i1
        %convert_element_type3A_810 = arith.extui %eq3A_809 : i1 to i32
        %cond3A_811 = arith.constant 0 : i32
        %cond3A_812 = arith.cmpi ne, %convert_element_type3A_810, %cond3A_811 : i32
        scf.if %cond3A_812 {
          %dma_wait3A_914 = arith.constant 1 : i32
          %dma_wait3A_915 = arith.constant 0 : i32
          %dma_wait3A_916 = tpu.memref_slice %arg14[%dma_wait3A_914, %dma_wait3A_915] : memref<2x125xi32, #tpu.memory_space<vmem>> -> memref<1x125xi32, #tpu.memory_space<vmem>>
          %dma_wait3A_917 = tpu.memref_squeeze %dma_wait3A_916 : memref<1x125xi32, #tpu.memory_space<vmem>> -> memref<125xi32, #tpu.memory_space<vmem>>
          %dma_wait3A_918 = arith.constant 0 : i32
          %dma_wait3A_919 = arith.constant 0 : i32
          %dma_wait3A_920 = tpu.memref_slice %arg7[%dma_wait3A_918, %dma_wait3A_919] : memref<10112x16xf32, #tpu.memory_space<vmem_shared>> -> memref<10112x16xf32, #tpu.memory_space<vmem_shared>>
          tpu.wait_indirect_dma semaphore(%arg39 : memref<!tpu.dma_semaphore, #tpu.memory_space<semaphore_mem>>) src(%arg10 : memref<125x16xf32, #tpu.memory_space<vmem>>) dst(%dma_wait3A_920 : memref<10112x16xf32, #tpu.memory_space<vmem_shared>>)
        } else {
        }
        %add3A_813 = arith.constant 3 : i32
        %add3A_814 = arith.addi %mul3A_629, %add3A_813 : i32
        %add3A_815 = arith.constant 5 : i32
        %add3A_816 = arith.addi %add3A_814, %add3A_815 : i32
        %dma_start3A_817 = arith.constant 0 : i32
        %dma_start3A_818 = arith.constant 0 : i32
        %dma_start3A_819 = tpu.memref_slice %arg14[%dma_start3A_817, %dma_start3A_818] : memref<2x125xi32, #tpu.memory_space<vmem>> -> memref<1x125xi32, #tpu.memory_space<vmem>>
        %dma_start3A_820 = tpu.memref_squeeze %dma_start3A_819 : memref<1x125xi32, #tpu.memory_space<vmem>> -> memref<125xi32, #tpu.memory_space<vmem>>
        %dma_start3A_821 = arith.constant 0 : i32
        %dma_start3A_822 = arith.constant 0 : i32
        %dma_start3A_823 = tpu.memref_slice %arg3[%scan3A_534, %arg1, %dma_start3A_821, %dma_start3A_822] : memref<2x16x160x125xi32, #tpu.memory_space<hbm>> -> memref<1x1x160x125xi32, #tpu.memory_space<hbm>>
        %dma_start3A_824 = tpu.memref_squeeze %dma_start3A_823 : memref<1x1x160x125xi32, #tpu.memory_space<hbm>> -> memref<160x125xi32, #tpu.memory_space<hbm>>
        %dma_start3A_825 = arith.constant 0 : i32
        %dma_start3A_826 = tpu.memref_slice %dma_start3A_824[%add3A_816, %dma_start3A_825] : memref<160x125xi32, #tpu.memory_space<hbm>> -> memref<1x125xi32, #tpu.memory_space<hbm>>
        %dma_start3A_827 = tpu.memref_squeeze %dma_start3A_826 : memref<1x125xi32, #tpu.memory_space<hbm>> -> memref<125xi32, #tpu.memory_space<hbm>>
        %dma_start3A_828 = arith.constant 0 : i32
        %dma_start3A_829 = tpu.memref_slice %arg14[%dma_start3A_817, %dma_start3A_828] : memref<2x125xi32, #tpu.memory_space<vmem>> -> memref<1x125xi32, #tpu.memory_space<vmem>>
        %dma_start3A_830 = tpu.memref_squeeze %dma_start3A_829 : memref<1x125xi32, #tpu.memory_space<vmem>> -> memref<125xi32, #tpu.memory_space<vmem>>
        %dma_start3A_831 = arith.constant 0 : i32
        %dma_start3A_832 = arith.constant 0 : i32
        %dma_start3A_833 = tpu.memref_slice %arg3[%scan3A_534, %arg1, %dma_start3A_831, %dma_start3A_832] : memref<2x16x160x125xi32, #tpu.memory_space<hbm>> -> memref<1x1x160x125xi32, #tpu.memory_space<hbm>>
        %dma_start3A_834 = tpu.memref_squeeze %dma_start3A_833 : memref<1x1x160x125xi32, #tpu.memory_space<hbm>> -> memref<160x125xi32, #tpu.memory_space<hbm>>
        %dma_start3A_835 = arith.constant 0 : i32
        %dma_start3A_836 = tpu.memref_slice %dma_start3A_834[%add3A_816, %dma_start3A_835] : memref<160x125xi32, #tpu.memory_space<hbm>> -> memref<1x125xi32, #tpu.memory_space<hbm>>
        %dma_start3A_837 = tpu.memref_squeeze %dma_start3A_836 : memref<1x125xi32, #tpu.memory_space<hbm>> -> memref<125xi32, #tpu.memory_space<hbm>>
        tpu.enqueue_dma source(%dma_start3A_837 : memref<125xi32, #tpu.memory_space<hbm>>) target(%dma_start3A_830 : memref<125xi32, #tpu.memory_space<vmem>>) target_semaphore(%arg24 : memref<!tpu.dma_semaphore, #tpu.memory_space<semaphore_mem>>)
        %dma_start3A_838 = arith.constant 1 : i32
        %dma_start3A_839 = arith.constant 0 : i32
        %dma_start3A_840 = tpu.memref_slice %arg14[%dma_start3A_838, %dma_start3A_839] : memref<2x125xi32, #tpu.memory_space<vmem>> -> memref<1x125xi32, #tpu.memory_space<vmem>>
        %dma_start3A_841 = tpu.memref_squeeze %dma_start3A_840 : memref<1x125xi32, #tpu.memory_space<vmem>> -> memref<125xi32, #tpu.memory_space<vmem>>
        %dma_start3A_842 = arith.constant 0 : i32
        %dma_start3A_843 = arith.constant 0 : i32
        %dma_start3A_844 = tpu.memref_slice %arg3[%scan3A_535, %arg1, %dma_start3A_842, %dma_start3A_843] : memref<2x16x160x125xi32, #tpu.memory_space<hbm>> -> memref<1x1x160x125xi32, #tpu.memory_space<hbm>>
        %dma_start3A_845 = tpu.memref_squeeze %dma_start3A_844 : memref<1x1x160x125xi32, #tpu.memory_space<hbm>> -> memref<160x125xi32, #tpu.memory_space<hbm>>
        %dma_start3A_846 = arith.constant 0 : i32
        %dma_start3A_847 = tpu.memref_slice %dma_start3A_845[%add3A_816, %dma_start3A_846] : memref<160x125xi32, #tpu.memory_space<hbm>> -> memref<1x125xi32, #tpu.memory_space<hbm>>
        %dma_start3A_848 = tpu.memref_squeeze %dma_start3A_847 : memref<1x125xi32, #tpu.memory_space<hbm>> -> memref<125xi32, #tpu.memory_space<hbm>>
        %dma_start3A_849 = arith.constant 0 : i32
        %dma_start3A_850 = tpu.memref_slice %arg14[%dma_start3A_838, %dma_start3A_849] : memref<2x125xi32, #tpu.memory_space<vmem>> -> memref<1x125xi32, #tpu.memory_space<vmem>>
        %dma_start3A_851 = tpu.memref_squeeze %dma_start3A_850 : memref<1x125xi32, #tpu.memory_space<vmem>> -> memref<125xi32, #tpu.memory_space<vmem>>
        %dma_start3A_852 = arith.constant 0 : i32
        %dma_start3A_853 = arith.constant 0 : i32
        %dma_start3A_854 = tpu.memref_slice %arg3[%scan3A_535, %arg1, %dma_start3A_852, %dma_start3A_853] : memref<2x16x160x125xi32, #tpu.memory_space<hbm>> -> memref<1x1x160x125xi32, #tpu.memory_space<hbm>>
        %dma_start3A_855 = tpu.memref_squeeze %dma_start3A_854 : memref<1x1x160x125xi32, #tpu.memory_space<hbm>> -> memref<160x125xi32, #tpu.memory_space<hbm>>
        %dma_start3A_856 = arith.constant 0 : i32
        %dma_start3A_857 = tpu.memref_slice %dma_start3A_855[%add3A_816, %dma_start3A_856] : memref<160x125xi32, #tpu.memory_space<hbm>> -> memref<1x125xi32, #tpu.memory_space<hbm>>
        %dma_start3A_858 = tpu.memref_squeeze %dma_start3A_857 : memref<1x125xi32, #tpu.memory_space<hbm>> -> memref<125xi32, #tpu.memory_space<hbm>>
        tpu.enqueue_dma source(%dma_start3A_858 : memref<125xi32, #tpu.memory_space<hbm>>) target(%dma_start3A_851 : memref<125xi32, #tpu.memory_space<vmem>>) target_semaphore(%arg24 : memref<!tpu.dma_semaphore, #tpu.memory_space<semaphore_mem>>)
        %add3A_859 = arith.constant 3 : i32
        %add3A_860 = arith.addi %mul3A_629, %add3A_859 : i32
        %add3A_861 = arith.constant 5 : i32
        %add3A_862 = arith.addi %add3A_860, %add3A_861 : i32
        %dma_wait3A_863 = arith.constant 0 : i32
        %dma_wait3A_864 = arith.constant 0 : i32
        %dma_wait3A_865 = tpu.memref_slice %arg14[%dma_wait3A_863, %dma_wait3A_864] : memref<2x125xi32, #tpu.memory_space<vmem>> -> memref<1x125xi32, #tpu.memory_space<vmem>>
        %dma_wait3A_866 = tpu.memref_squeeze %dma_wait3A_865 : memref<1x125xi32, #tpu.memory_space<vmem>> -> memref<125xi32, #tpu.memory_space<vmem>>
        %dma_wait3A_867 = arith.constant 0 : i32
        %dma_wait3A_868 = arith.constant 0 : i32
        %dma_wait3A_869 = tpu.memref_slice %arg3[%scan3A_534, %arg1, %dma_wait3A_867, %dma_wait3A_868] : memref<2x16x160x125xi32, #tpu.memory_space<hbm>> -> memref<1x1x160x125xi32, #tpu.memory_space<hbm>>
        %dma_wait3A_870 = tpu.memref_squeeze %dma_wait3A_869 : memref<1x1x160x125xi32, #tpu.memory_space<hbm>> -> memref<160x125xi32, #tpu.memory_space<hbm>>
        %dma_wait3A_871 = arith.constant 0 : i32
        %dma_wait3A_872 = tpu.memref_slice %dma_wait3A_870[%add3A_862, %dma_wait3A_871] : memref<160x125xi32, #tpu.memory_space<hbm>> -> memref<1x125xi32, #tpu.memory_space<hbm>>
        %dma_wait3A_873 = tpu.memref_squeeze %dma_wait3A_872 : memref<1x125xi32, #tpu.memory_space<hbm>> -> memref<125xi32, #tpu.memory_space<hbm>>
        %dma_wait3A_874 = arith.constant 0 : i32
        %dma_wait3A_875 = tpu.memref_slice %arg14[%dma_wait3A_863, %dma_wait3A_874] : memref<2x125xi32, #tpu.memory_space<vmem>> -> memref<1x125xi32, #tpu.memory_space<vmem>>
        %dma_wait3A_876 = tpu.memref_squeeze %dma_wait3A_875 : memref<1x125xi32, #tpu.memory_space<vmem>> -> memref<125xi32, #tpu.memory_space<vmem>>
        %dma_wait3A_877 = arith.constant 0 : i32
        %dma_wait3A_878 = arith.constant 0 : i32
        %dma_wait3A_879 = tpu.memref_slice %arg3[%scan3A_534, %arg1, %dma_wait3A_877, %dma_wait3A_878] : memref<2x16x160x125xi32, #tpu.memory_space<hbm>> -> memref<1x1x160x125xi32, #tpu.memory_space<hbm>>
        %dma_wait3A_880 = tpu.memref_squeeze %dma_wait3A_879 : memref<1x1x160x125xi32, #tpu.memory_space<hbm>> -> memref<160x125xi32, #tpu.memory_space<hbm>>
        %dma_wait3A_881 = arith.constant 0 : i32
        %dma_wait3A_882 = tpu.memref_slice %dma_wait3A_880[%add3A_862, %dma_wait3A_881] : memref<160x125xi32, #tpu.memory_space<hbm>> -> memref<1x125xi32, #tpu.memory_space<hbm>>
        %dma_wait3A_883 = tpu.memref_squeeze %dma_wait3A_882 : memref<1x125xi32, #tpu.memory_space<hbm>> -> memref<125xi32, #tpu.memory_space<hbm>>
        tpu.wait_dma2 semaphore(%arg24 : memref<!tpu.dma_semaphore, #tpu.memory_space<semaphore_mem>>) src(%dma_wait3A_883 : memref<125xi32, #tpu.memory_space<hbm>>) dst(%dma_wait3A_876 : memref<125xi32, #tpu.memory_space<vmem>>)
        %dma_wait3A_884 = arith.constant 1 : i32
        %dma_wait3A_885 = arith.constant 0 : i32
        %dma_wait3A_886 = tpu.memref_slice %arg14[%dma_wait3A_884, %dma_wait3A_885] : memref<2x125xi32, #tpu.memory_space<vmem>> -> memref<1x125xi32, #tpu.memory_space<vmem>>
        %dma_wait3A_887 = tpu.memref_squeeze %dma_wait3A_886 : memref<1x125xi32, #tpu.memory_space<vmem>> -> memref<125xi32, #tpu.memory_space<vmem>>
        %dma_wait3A_888 = arith.constant 0 : i32
        %dma_wait3A_889 = arith.constant 0 : i32
        %dma_wait3A_890 = tpu.memref_slice %arg3[%scan3A_535, %arg1, %dma_wait3A_888, %dma_wait3A_889] : memref<2x16x160x125xi32, #tpu.memory_space<hbm>> -> memref<1x1x160x125xi32, #tpu.memory_space<hbm>>
        %dma_wait3A_891 = tpu.memref_squeeze %dma_wait3A_890 : memref<1x1x160x125xi32, #tpu.memory_space<hbm>> -> memref<160x125xi32, #tpu.memory_space<hbm>>
        %dma_wait3A_892 = arith.constant 0 : i32
        %dma_wait3A_893 = tpu.memref_slice %dma_wait3A_891[%add3A_862, %dma_wait3A_892] : memref<160x125xi32, #tpu.memory_space<hbm>> -> memref<1x125xi32, #tpu.memory_space<hbm>>
        %dma_wait3A_894 = tpu.memref_squeeze %dma_wait3A_893 : memref<1x125xi32, #tpu.memory_space<hbm>> -> memref<125xi32, #tpu.memory_space<hbm>>
        %dma_wait3A_895 = arith.constant 0 : i32
        %dma_wait3A_896 = tpu.memref_slice %arg14[%dma_wait3A_884, %dma_wait3A_895] : memref<2x125xi32, #tpu.memory_space<vmem>> -> memref<1x125xi32, #tpu.memory_space<vmem>>
        %dma_wait3A_897 = tpu.memref_squeeze %dma_wait3A_896 : memref<1x125xi32, #tpu.memory_space<vmem>> -> memref<125xi32, #tpu.memory_space<vmem>>
        %dma_wait3A_898 = arith.constant 0 : i32
        %dma_wait3A_899 = arith.constant 0 : i32
        %dma_wait3A_900 = tpu.memref_slice %arg3[%scan3A_535, %arg1, %dma_wait3A_898, %dma_wait3A_899] : memref<2x16x160x125xi32, #tpu.memory_space<hbm>> -> memref<1x1x160x125xi32, #tpu.memory_space<hbm>>
        %dma_wait3A_901 = tpu.memref_squeeze %dma_wait3A_900 : memref<1x1x160x125xi32, #tpu.memory_space<hbm>> -> memref<160x125xi32, #tpu.memory_space<hbm>>
        %dma_wait3A_902 = arith.constant 0 : i32
        %dma_wait3A_903 = tpu.memref_slice %dma_wait3A_901[%add3A_862, %dma_wait3A_902] : memref<160x125xi32, #tpu.memory_space<hbm>> -> memref<1x125xi32, #tpu.memory_space<hbm>>
        %dma_wait3A_904 = tpu.memref_squeeze %dma_wait3A_903 : memref<1x125xi32, #tpu.memory_space<hbm>> -> memref<125xi32, #tpu.memory_space<hbm>>
        tpu.wait_dma2 semaphore(%arg24 : memref<!tpu.dma_semaphore, #tpu.memory_space<semaphore_mem>>) src(%dma_wait3A_904 : memref<125xi32, #tpu.memory_space<hbm>>) dst(%dma_wait3A_897 : memref<125xi32, #tpu.memory_space<vmem>>)
        %dma_start3A_905 = arith.constant 0 : i32
        %dma_start3A_906 = arith.constant 0 : i32
        %dma_start3A_907 = tpu.memref_slice %arg14[%dma_start3A_905, %dma_start3A_906] : memref<2x125xi32, #tpu.memory_space<vmem>> -> memref<1x125xi32, #tpu.memory_space<vmem>>
        %dma_start3A_908 = tpu.memref_squeeze %dma_start3A_907 : memref<1x125xi32, #tpu.memory_space<vmem>> -> memref<125xi32, #tpu.memory_space<vmem>>
        %dma_start3A_909 = arith.constant 0 : i32
        %dma_start3A_910 = tpu.memref_slice %arg2[%arg0, %dma_start3A_909] : memref<20000x64xf32, #tpu.memory_space<hbm>> -> memref<19999x64xf32, #tpu.memory_space<hbm>>
        %dma_start3A_911 = arith.constant 0 : i32
        %dma_start3A_912 = arith.constant 0 : i32
        %dma_start3A_913 = tpu.memref_slice %dma_start3A_910[%dma_start3A_911, %dma_start3A_912] : memref<19999x64xf32, #tpu.memory_space<hbm>> -> memref<19999x64xf32, #tpu.memory_space<hbm>>
        tpu.enqueue_indirect_dma source(%dma_start3A_913 : memref<19999x64xf32, #tpu.memory_space<hbm>>) target(%arg19 : memref<125x64xf32, #tpu.memory_space<vmem>>) offsets(%dma_start3A_908 : memref<125xi32, #tpu.memory_space<vmem>>) semaphore(%arg29 : memref<!tpu.dma_semaphore, #tpu.memory_space<semaphore_mem>>)
      } else {
      }
      %lt3A_789 = arith.constant 31 : i32
      %lt3A_790 = arith.cmpi slt, %scan3A_627, %lt3A_789 : i32
      %convert_element_type3A_791 = arith.extui %lt3A_790 : i1 to i32
      %cond3A_792 = arith.constant 0 : i32
      %cond3A_793 = arith.cmpi ne, %convert_element_type3A_791, %cond3A_792 : i32
      scf.if %cond3A_793 {
        %add3A_794 = arith.constant 4 : i32
        %add3A_795 = arith.addi %mul3A_629, %add3A_794 : i32
        %dma_wait3A_796 = arith.constant 1 : i32
        %dma_wait3A_797 = arith.constant 0 : i32
        %dma_wait3A_798 = tpu.memref_slice %arg15[%dma_wait3A_796, %dma_wait3A_797] : memref<2x125xi32, #tpu.memory_space<vmem>> -> memref<1x125xi32, #tpu.memory_space<vmem>>
        %dma_wait3A_799 = tpu.memref_squeeze %dma_wait3A_798 : memref<1x125xi32, #tpu.memory_space<vmem>> -> memref<125xi32, #tpu.memory_space<vmem>>
        %dma_wait3A_800 = arith.constant 0 : i32
        %dma_wait3A_801 = arith.constant 0 : i32
        %dma_wait3A_802 = tpu.memref_slice %arg6[%dma_wait3A_800, %dma_wait3A_801] : memref<10112x64xf32, #tpu.memory_space<vmem_shared>> -> memref<10112x64xf32, #tpu.memory_space<vmem_shared>>
        tpu.wait_indirect_dma semaphore(%arg35 : memref<!tpu.dma_semaphore, #tpu.memory_space<semaphore_mem>>) src(%arg20 : memref<125x64xf32, #tpu.memory_space<vmem>>) dst(%dma_wait3A_802 : memref<10112x64xf32, #tpu.memory_space<vmem_shared>>)
        %lt3A_803 = arith.constant 80 : i32
        %lt3A_804 = arith.cmpi slt, %add3A_795, %lt3A_803 : i32
        %eq3A_805 = arith.constant 0 : i32
        %eq3A_806 = arith.cmpi eq, %arg0, %eq3A_805 : i32
        %eq3A_807 = arith.xori %lt3A_804, %eq3A_806 : i1
        %eq3A_808 = arith.constant true
        %eq3A_809 = arith.xori %eq3A_807, %eq3A_808 : i1
        %convert_element_type3A_810 = arith.extui %eq3A_809 : i1 to i32
        %cond3A_811 = arith.constant 0 : i32
        %cond3A_812 = arith.cmpi ne, %convert_element_type3A_810, %cond3A_811 : i32
        scf.if %cond3A_812 {
          %dma_wait3A_914 = arith.constant 1 : i32
          %dma_wait3A_915 = arith.constant 0 : i32
          %dma_wait3A_916 = tpu.memref_slice %arg15[%dma_wait3A_914, %dma_wait3A_915] : memref<2x125xi32, #tpu.memory_space<vmem>> -> memref<1x125xi32, #tpu.memory_space<vmem>>
          %dma_wait3A_917 = tpu.memref_squeeze %dma_wait3A_916 : memref<1x125xi32, #tpu.memory_space<vmem>> -> memref<125xi32, #tpu.memory_space<vmem>>
          %dma_wait3A_918 = arith.constant 0 : i32
          %dma_wait3A_919 = arith.constant 0 : i32
          %dma_wait3A_920 = tpu.memref_slice %arg7[%dma_wait3A_918, %dma_wait3A_919] : memref<10112x16xf32, #tpu.memory_space<vmem_shared>> -> memref<10112x16xf32, #tpu.memory_space<vmem_shared>>
          tpu.wait_indirect_dma semaphore(%arg40 : memref<!tpu.dma_semaphore, #tpu.memory_space<semaphore_mem>>) src(%arg10 : memref<125x16xf32, #tpu.memory_space<vmem>>) dst(%dma_wait3A_920 : memref<10112x16xf32, #tpu.memory_space<vmem_shared>>)
        } else {
        }
        %add3A_813 = arith.constant 4 : i32
        %add3A_814 = arith.addi %mul3A_629, %add3A_813 : i32
        %add3A_815 = arith.constant 5 : i32
        %add3A_816 = arith.addi %add3A_814, %add3A_815 : i32
        %dma_start3A_817 = arith.constant 0 : i32
        %dma_start3A_818 = arith.constant 0 : i32
        %dma_start3A_819 = tpu.memref_slice %arg15[%dma_start3A_817, %dma_start3A_818] : memref<2x125xi32, #tpu.memory_space<vmem>> -> memref<1x125xi32, #tpu.memory_space<vmem>>
        %dma_start3A_820 = tpu.memref_squeeze %dma_start3A_819 : memref<1x125xi32, #tpu.memory_space<vmem>> -> memref<125xi32, #tpu.memory_space<vmem>>
        %dma_start3A_821 = arith.constant 0 : i32
        %dma_start3A_822 = arith.constant 0 : i32
        %dma_start3A_823 = tpu.memref_slice %arg3[%scan3A_534, %arg1, %dma_start3A_821, %dma_start3A_822] : memref<2x16x160x125xi32, #tpu.memory_space<hbm>> -> memref<1x1x160x125xi32, #tpu.memory_space<hbm>>
        %dma_start3A_824 = tpu.memref_squeeze %dma_start3A_823 : memref<1x1x160x125xi32, #tpu.memory_space<hbm>> -> memref<160x125xi32, #tpu.memory_space<hbm>>
        %dma_start3A_825 = arith.constant 0 : i32
        %dma_start3A_826 = tpu.memref_slice %dma_start3A_824[%add3A_816, %dma_start3A_825] : memref<160x125xi32, #tpu.memory_space<hbm>> -> memref<1x125xi32, #tpu.memory_space<hbm>>
        %dma_start3A_827 = tpu.memref_squeeze %dma_start3A_826 : memref<1x125xi32, #tpu.memory_space<hbm>> -> memref<125xi32, #tpu.memory_space<hbm>>
        %dma_start3A_828 = arith.constant 0 : i32
        %dma_start3A_829 = tpu.memref_slice %arg15[%dma_start3A_817, %dma_start3A_828] : memref<2x125xi32, #tpu.memory_space<vmem>> -> memref<1x125xi32, #tpu.memory_space<vmem>>
        %dma_start3A_830 = tpu.memref_squeeze %dma_start3A_829 : memref<1x125xi32, #tpu.memory_space<vmem>> -> memref<125xi32, #tpu.memory_space<vmem>>
        %dma_start3A_831 = arith.constant 0 : i32
        %dma_start3A_832 = arith.constant 0 : i32
        %dma_start3A_833 = tpu.memref_slice %arg3[%scan3A_534, %arg1, %dma_start3A_831, %dma_start3A_832] : memref<2x16x160x125xi32, #tpu.memory_space<hbm>> -> memref<1x1x160x125xi32, #tpu.memory_space<hbm>>
        %dma_start3A_834 = tpu.memref_squeeze %dma_start3A_833 : memref<1x1x160x125xi32, #tpu.memory_space<hbm>> -> memref<160x125xi32, #tpu.memory_space<hbm>>
        %dma_start3A_835 = arith.constant 0 : i32
        %dma_start3A_836 = tpu.memref_slice %dma_start3A_834[%add3A_816, %dma_start3A_835] : memref<160x125xi32, #tpu.memory_space<hbm>> -> memref<1x125xi32, #tpu.memory_space<hbm>>
        %dma_start3A_837 = tpu.memref_squeeze %dma_start3A_836 : memref<1x125xi32, #tpu.memory_space<hbm>> -> memref<125xi32, #tpu.memory_space<hbm>>
        tpu.enqueue_dma source(%dma_start3A_837 : memref<125xi32, #tpu.memory_space<hbm>>) target(%dma_start3A_830 : memref<125xi32, #tpu.memory_space<vmem>>) target_semaphore(%arg25 : memref<!tpu.dma_semaphore, #tpu.memory_space<semaphore_mem>>)
        %dma_start3A_838 = arith.constant 1 : i32
        %dma_start3A_839 = arith.constant 0 : i32
        %dma_start3A_840 = tpu.memref_slice %arg15[%dma_start3A_838, %dma_start3A_839] : memref<2x125xi32, #tpu.memory_space<vmem>> -> memref<1x125xi32, #tpu.memory_space<vmem>>
        %dma_start3A_841 = tpu.memref_squeeze %dma_start3A_840 : memref<1x125xi32, #tpu.memory_space<vmem>> -> memref<125xi32, #tpu.memory_space<vmem>>
        %dma_start3A_842 = arith.constant 0 : i32
        %dma_start3A_843 = arith.constant 0 : i32
        %dma_start3A_844 = tpu.memref_slice %arg3[%scan3A_535, %arg1, %dma_start3A_842, %dma_start3A_843] : memref<2x16x160x125xi32, #tpu.memory_space<hbm>> -> memref<1x1x160x125xi32, #tpu.memory_space<hbm>>
        %dma_start3A_845 = tpu.memref_squeeze %dma_start3A_844 : memref<1x1x160x125xi32, #tpu.memory_space<hbm>> -> memref<160x125xi32, #tpu.memory_space<hbm>>
        %dma_start3A_846 = arith.constant 0 : i32
        %dma_start3A_847 = tpu.memref_slice %dma_start3A_845[%add3A_816, %dma_start3A_846] : memref<160x125xi32, #tpu.memory_space<hbm>> -> memref<1x125xi32, #tpu.memory_space<hbm>>
        %dma_start3A_848 = tpu.memref_squeeze %dma_start3A_847 : memref<1x125xi32, #tpu.memory_space<hbm>> -> memref<125xi32, #tpu.memory_space<hbm>>
        %dma_start3A_849 = arith.constant 0 : i32
        %dma_start3A_850 = tpu.memref_slice %arg15[%dma_start3A_838, %dma_start3A_849] : memref<2x125xi32, #tpu.memory_space<vmem>> -> memref<1x125xi32, #tpu.memory_space<vmem>>
        %dma_start3A_851 = tpu.memref_squeeze %dma_start3A_850 : memref<1x125xi32, #tpu.memory_space<vmem>> -> memref<125xi32, #tpu.memory_space<vmem>>
        %dma_start3A_852 = arith.constant 0 : i32
        %dma_start3A_853 = arith.constant 0 : i32
        %dma_start3A_854 = tpu.memref_slice %arg3[%scan3A_535, %arg1, %dma_start3A_852, %dma_start3A_853] : memref<2x16x160x125xi32, #tpu.memory_space<hbm>> -> memref<1x1x160x125xi32, #tpu.memory_space<hbm>>
        %dma_start3A_855 = tpu.memref_squeeze %dma_start3A_854 : memref<1x1x160x125xi32, #tpu.memory_space<hbm>> -> memref<160x125xi32, #tpu.memory_space<hbm>>
        %dma_start3A_856 = arith.constant 0 : i32
        %dma_start3A_857 = tpu.memref_slice %dma_start3A_855[%add3A_816, %dma_start3A_856] : memref<160x125xi32, #tpu.memory_space<hbm>> -> memref<1x125xi32, #tpu.memory_space<hbm>>
        %dma_start3A_858 = tpu.memref_squeeze %dma_start3A_857 : memref<1x125xi32, #tpu.memory_space<hbm>> -> memref<125xi32, #tpu.memory_space<hbm>>
        tpu.enqueue_dma source(%dma_start3A_858 : memref<125xi32, #tpu.memory_space<hbm>>) target(%dma_start3A_851 : memref<125xi32, #tpu.memory_space<vmem>>) target_semaphore(%arg25 : memref<!tpu.dma_semaphore, #tpu.memory_space<semaphore_mem>>)
        %add3A_859 = arith.constant 4 : i32
        %add3A_860 = arith.addi %mul3A_629, %add3A_859 : i32
        %add3A_861 = arith.constant 5 : i32
        %add3A_862 = arith.addi %add3A_860, %add3A_861 : i32
        %dma_wait3A_863 = arith.constant 0 : i32
        %dma_wait3A_864 = arith.constant 0 : i32
        %dma_wait3A_865 = tpu.memref_slice %arg15[%dma_wait3A_863, %dma_wait3A_864] : memref<2x125xi32, #tpu.memory_space<vmem>> -> memref<1x125xi32, #tpu.memory_space<vmem>>
        %dma_wait3A_866 = tpu.memref_squeeze %dma_wait3A_865 : memref<1x125xi32, #tpu.memory_space<vmem>> -> memref<125xi32, #tpu.memory_space<vmem>>
        %dma_wait3A_867 = arith.constant 0 : i32
        %dma_wait3A_868 = arith.constant 0 : i32
        %dma_wait3A_869 = tpu.memref_slice %arg3[%scan3A_534, %arg1, %dma_wait3A_867, %dma_wait3A_868] : memref<2x16x160x125xi32, #tpu.memory_space<hbm>> -> memref<1x1x160x125xi32, #tpu.memory_space<hbm>>
        %dma_wait3A_870 = tpu.memref_squeeze %dma_wait3A_869 : memref<1x1x160x125xi32, #tpu.memory_space<hbm>> -> memref<160x125xi32, #tpu.memory_space<hbm>>
        %dma_wait3A_871 = arith.constant 0 : i32
        %dma_wait3A_872 = tpu.memref_slice %dma_wait3A_870[%add3A_862, %dma_wait3A_871] : memref<160x125xi32, #tpu.memory_space<hbm>> -> memref<1x125xi32, #tpu.memory_space<hbm>>
        %dma_wait3A_873 = tpu.memref_squeeze %dma_wait3A_872 : memref<1x125xi32, #tpu.memory_space<hbm>> -> memref<125xi32, #tpu.memory_space<hbm>>
        %dma_wait3A_874 = arith.constant 0 : i32
        %dma_wait3A_875 = tpu.memref_slice %arg15[%dma_wait3A_863, %dma_wait3A_874] : memref<2x125xi32, #tpu.memory_space<vmem>> -> memref<1x125xi32, #tpu.memory_space<vmem>>
        %dma_wait3A_876 = tpu.memref_squeeze %dma_wait3A_875 : memref<1x125xi32, #tpu.memory_space<vmem>> -> memref<125xi32, #tpu.memory_space<vmem>>
        %dma_wait3A_877 = arith.constant 0 : i32
        %dma_wait3A_878 = arith.constant 0 : i32
        %dma_wait3A_879 = tpu.memref_slice %arg3[%scan3A_534, %arg1, %dma_wait3A_877, %dma_wait3A_878] : memref<2x16x160x125xi32, #tpu.memory_space<hbm>> -> memref<1x1x160x125xi32, #tpu.memory_space<hbm>>
        %dma_wait3A_880 = tpu.memref_squeeze %dma_wait3A_879 : memref<1x1x160x125xi32, #tpu.memory_space<hbm>> -> memref<160x125xi32, #tpu.memory_space<hbm>>
        %dma_wait3A_881 = arith.constant 0 : i32
        %dma_wait3A_882 = tpu.memref_slice %dma_wait3A_880[%add3A_862, %dma_wait3A_881] : memref<160x125xi32, #tpu.memory_space<hbm>> -> memref<1x125xi32, #tpu.memory_space<hbm>>
        %dma_wait3A_883 = tpu.memref_squeeze %dma_wait3A_882 : memref<1x125xi32, #tpu.memory_space<hbm>> -> memref<125xi32, #tpu.memory_space<hbm>>
        tpu.wait_dma2 semaphore(%arg25 : memref<!tpu.dma_semaphore, #tpu.memory_space<semaphore_mem>>) src(%dma_wait3A_883 : memref<125xi32, #tpu.memory_space<hbm>>) dst(%dma_wait3A_876 : memref<125xi32, #tpu.memory_space<vmem>>)
        %dma_wait3A_884 = arith.constant 1 : i32
        %dma_wait3A_885 = arith.constant 0 : i32
        %dma_wait3A_886 = tpu.memref_slice %arg15[%dma_wait3A_884, %dma_wait3A_885] : memref<2x125xi32, #tpu.memory_space<vmem>> -> memref<1x125xi32, #tpu.memory_space<vmem>>
        %dma_wait3A_887 = tpu.memref_squeeze %dma_wait3A_886 : memref<1x125xi32, #tpu.memory_space<vmem>> -> memref<125xi32, #tpu.memory_space<vmem>>
        %dma_wait3A_888 = arith.constant 0 : i32
        %dma_wait3A_889 = arith.constant 0 : i32
        %dma_wait3A_890 = tpu.memref_slice %arg3[%scan3A_535, %arg1, %dma_wait3A_888, %dma_wait3A_889] : memref<2x16x160x125xi32, #tpu.memory_space<hbm>> -> memref<1x1x160x125xi32, #tpu.memory_space<hbm>>
        %dma_wait3A_891 = tpu.memref_squeeze %dma_wait3A_890 : memref<1x1x160x125xi32, #tpu.memory_space<hbm>> -> memref<160x125xi32, #tpu.memory_space<hbm>>
        %dma_wait3A_892 = arith.constant 0 : i32
        %dma_wait3A_893 = tpu.memref_slice %dma_wait3A_891[%add3A_862, %dma_wait3A_892] : memref<160x125xi32, #tpu.memory_space<hbm>> -> memref<1x125xi32, #tpu.memory_space<hbm>>
        %dma_wait3A_894 = tpu.memref_squeeze %dma_wait3A_893 : memref<1x125xi32, #tpu.memory_space<hbm>> -> memref<125xi32, #tpu.memory_space<hbm>>
        %dma_wait3A_895 = arith.constant 0 : i32
        %dma_wait3A_896 = tpu.memref_slice %arg15[%dma_wait3A_884, %dma_wait3A_895] : memref<2x125xi32, #tpu.memory_space<vmem>> -> memref<1x125xi32, #tpu.memory_space<vmem>>
        %dma_wait3A_897 = tpu.memref_squeeze %dma_wait3A_896 : memref<1x125xi32, #tpu.memory_space<vmem>> -> memref<125xi32, #tpu.memory_space<vmem>>
        %dma_wait3A_898 = arith.constant 0 : i32
        %dma_wait3A_899 = arith.constant 0 : i32
        %dma_wait3A_900 = tpu.memref_slice %arg3[%scan3A_535, %arg1, %dma_wait3A_898, %dma_wait3A_899] : memref<2x16x160x125xi32, #tpu.memory_space<hbm>> -> memref<1x1x160x125xi32, #tpu.memory_space<hbm>>
        %dma_wait3A_901 = tpu.memref_squeeze %dma_wait3A_900 : memref<1x1x160x125xi32, #tpu.memory_space<hbm>> -> memref<160x125xi32, #tpu.memory_space<hbm>>
        %dma_wait3A_902 = arith.constant 0 : i32
        %dma_wait3A_903 = tpu.memref_slice %dma_wait3A_901[%add3A_862, %dma_wait3A_902] : memref<160x125xi32, #tpu.memory_space<hbm>> -> memref<1x125xi32, #tpu.memory_space<hbm>>
        %dma_wait3A_904 = tpu.memref_squeeze %dma_wait3A_903 : memref<1x125xi32, #tpu.memory_space<hbm>> -> memref<125xi32, #tpu.memory_space<hbm>>
        tpu.wait_dma2 semaphore(%arg25 : memref<!tpu.dma_semaphore, #tpu.memory_space<semaphore_mem>>) src(%dma_wait3A_904 : memref<125xi32, #tpu.memory_space<hbm>>) dst(%dma_wait3A_897 : memref<125xi32, #tpu.memory_space<vmem>>)
        %dma_start3A_905 = arith.constant 0 : i32
        %dma_start3A_906 = arith.constant 0 : i32
        %dma_start3A_907 = tpu.memref_slice %arg15[%dma_start3A_905, %dma_start3A_906] : memref<2x125xi32, #tpu.memory_space<vmem>> -> memref<1x125xi32, #tpu.memory_space<vmem>>
        %dma_start3A_908 = tpu.memref_squeeze %dma_start3A_907 : memref<1x125xi32, #tpu.memory_space<vmem>> -> memref<125xi32, #tpu.memory_space<vmem>>
        %dma_start3A_909 = arith.constant 0 : i32
        %dma_start3A_910 = tpu.memref_slice %arg2[%arg0, %dma_start3A_909] : memref<20000x64xf32, #tpu.memory_space<hbm>> -> memref<19999x64xf32, #tpu.memory_space<hbm>>
        %dma_start3A_911 = arith.constant 0 : i32
        %dma_start3A_912 = arith.constant 0 : i32
        %dma_start3A_913 = tpu.memref_slice %dma_start3A_910[%dma_start3A_911, %dma_start3A_912] : memref<19999x64xf32, #tpu.memory_space<hbm>> -> memref<19999x64xf32, #tpu.memory_space<hbm>>
        tpu.enqueue_indirect_dma source(%dma_start3A_913 : memref<19999x64xf32, #tpu.memory_space<hbm>>) target(%arg20 : memref<125x64xf32, #tpu.memory_space<vmem>>) offsets(%dma_start3A_908 : memref<125xi32, #tpu.memory_space<vmem>>) semaphore(%arg30 : memref<!tpu.dma_semaphore, #tpu.memory_space<semaphore_mem>>)
      } else {
      }
    }
    %scan3A_540 = arith.constant 32 : i32
    %dma_wait3A_541 = arith.constant 1 : i32
    %dma_wait3A_542 = arith.constant 0 : i32
    %dma_wait3A_543 = tpu.memref_slice %arg11[%dma_wait3A_541, %dma_wait3A_542] : memref<2x125xi32, #tpu.memory_space<vmem>> -> memref<1x125xi32, #tpu.memory_space<vmem>>
    %dma_wait3A_544 = tpu.memref_squeeze %dma_wait3A_543 : memref<1x125xi32, #tpu.memory_space<vmem>> -> memref<125xi32, #tpu.memory_space<vmem>>
    %dma_wait3A_545 = arith.constant 0 : i32
    %dma_wait3A_546 = arith.constant 0 : i32
    %dma_wait3A_547 = tpu.memref_slice %arg6[%dma_wait3A_545, %dma_wait3A_546] : memref<10112x64xf32, #tpu.memory_space<vmem_shared>> -> memref<10112x64xf32, #tpu.memory_space<vmem_shared>>
    tpu.wait_indirect_dma semaphore(%arg31 : memref<!tpu.dma_semaphore, #tpu.memory_space<semaphore_mem>>) src(%arg16 : memref<125x64xf32, #tpu.memory_space<vmem>>) dst(%dma_wait3A_547 : memref<10112x64xf32, #tpu.memory_space<vmem_shared>>)
    %eq3A = arith.constant 0 : i32
    %eq3A_548 = arith.cmpi eq, %arg0, %eq3A : i32
    %eq3A_549 = arith.constant false
    %eq3A_550 = arith.xori %eq3A_548, %eq3A_549 : i1
    %eq3A_551 = arith.constant true
    %eq3A_552 = arith.xori %eq3A_550, %eq3A_551 : i1
    %convert_element_type3A = arith.extui %eq3A_552 : i1 to i32
    %cond3A = arith.constant 0 : i32
    %cond3A_553 = arith.cmpi ne, %convert_element_type3A, %cond3A : i32
    scf.if %cond3A_553 {
      %dma_wait3A_627 = arith.constant 1 : i32
      %dma_wait3A_628 = arith.constant 0 : i32
      %dma_wait3A_629 = tpu.memref_slice %arg11[%dma_wait3A_627, %dma_wait3A_628] : memref<2x125xi32, #tpu.memory_space<vmem>> -> memref<1x125xi32, #tpu.memory_space<vmem>>
      %dma_wait3A_630 = tpu.memref_squeeze %dma_wait3A_629 : memref<1x125xi32, #tpu.memory_space<vmem>> -> memref<125xi32, #tpu.memory_space<vmem>>
      %dma_wait3A_631 = arith.constant 0 : i32
      %dma_wait3A_632 = arith.constant 0 : i32
      %dma_wait3A_633 = tpu.memref_slice %arg7[%dma_wait3A_631, %dma_wait3A_632] : memref<10112x16xf32, #tpu.memory_space<vmem_shared>> -> memref<10112x16xf32, #tpu.memory_space<vmem_shared>>
      tpu.wait_indirect_dma semaphore(%arg36 : memref<!tpu.dma_semaphore, #tpu.memory_space<semaphore_mem>>) src(%arg10 : memref<125x16xf32, #tpu.memory_space<vmem>>) dst(%dma_wait3A_633 : memref<10112x16xf32, #tpu.memory_space<vmem_shared>>)
    } else {
    }
    %dma_wait3A_554 = arith.constant 1 : i32
    %dma_wait3A_555 = arith.constant 0 : i32
    %dma_wait3A_556 = tpu.memref_slice %arg12[%dma_wait3A_554, %dma_wait3A_555] : memref<2x125xi32, #tpu.memory_space<vmem>> -> memref<1x125xi32, #tpu.memory_space<vmem>>
    %dma_wait3A_557 = tpu.memref_squeeze %dma_wait3A_556 : memref<1x125xi32, #tpu.memory_space<vmem>> -> memref<125xi32, #tpu.memory_space<vmem>>
    %dma_wait3A_558 = arith.constant 0 : i32
    %dma_wait3A_559 = arith.constant 0 : i32
    %dma_wait3A_560 = tpu.memref_slice %arg6[%dma_wait3A_558, %dma_wait3A_559] : memref<10112x64xf32, #tpu.memory_space<vmem_shared>> -> memref<10112x64xf32, #tpu.memory_space<vmem_shared>>
    tpu.wait_indirect_dma semaphore(%arg32 : memref<!tpu.dma_semaphore, #tpu.memory_space<semaphore_mem>>) src(%arg17 : memref<125x64xf32, #tpu.memory_space<vmem>>) dst(%dma_wait3A_560 : memref<10112x64xf32, #tpu.memory_space<vmem_shared>>)
    %eq3A_561 = arith.constant 0 : i32
    %eq3A_562 = arith.cmpi eq, %arg0, %eq3A_561 : i32
    %eq3A_563 = arith.constant false
    %eq3A_564 = arith.xori %eq3A_562, %eq3A_563 : i1
    %eq3A_565 = arith.constant true
    %eq3A_566 = arith.xori %eq3A_564, %eq3A_565 : i1
    %convert_element_type3A_567 = arith.extui %eq3A_566 : i1 to i32
    %cond3A_568 = arith.constant 0 : i32
    %cond3A_569 = arith.cmpi ne, %convert_element_type3A_567, %cond3A_568 : i32
    scf.if %cond3A_569 {
      %dma_wait3A_627 = arith.constant 1 : i32
      %dma_wait3A_628 = arith.constant 0 : i32
      %dma_wait3A_629 = tpu.memref_slice %arg12[%dma_wait3A_627, %dma_wait3A_628] : memref<2x125xi32, #tpu.memory_space<vmem>> -> memref<1x125xi32, #tpu.memory_space<vmem>>
      %dma_wait3A_630 = tpu.memref_squeeze %dma_wait3A_629 : memref<1x125xi32, #tpu.memory_space<vmem>> -> memref<125xi32, #tpu.memory_space<vmem>>
      %dma_wait3A_631 = arith.constant 0 : i32
      %dma_wait3A_632 = arith.constant 0 : i32
      %dma_wait3A_633 = tpu.memref_slice %arg7[%dma_wait3A_631, %dma_wait3A_632] : memref<10112x16xf32, #tpu.memory_space<vmem_shared>> -> memref<10112x16xf32, #tpu.memory_space<vmem_shared>>
      tpu.wait_indirect_dma semaphore(%arg37 : memref<!tpu.dma_semaphore, #tpu.memory_space<semaphore_mem>>) src(%arg10 : memref<125x16xf32, #tpu.memory_space<vmem>>) dst(%dma_wait3A_633 : memref<10112x16xf32, #tpu.memory_space<vmem_shared>>)
    } else {
    }
    %dma_wait3A_570 = arith.constant 1 : i32
    %dma_wait3A_571 = arith.constant 0 : i32
    %dma_wait3A_572 = tpu.memref_slice %arg13[%dma_wait3A_570, %dma_wait3A_571] : memref<2x125xi32, #tpu.memory_space<vmem>> -> memref<1x125xi32, #tpu.memory_space<vmem>>
    %dma_wait3A_573 = tpu.memref_squeeze %dma_wait3A_572 : memref<1x125xi32, #tpu.memory_space<vmem>> -> memref<125xi32, #tpu.memory_space<vmem>>
    %dma_wait3A_574 = arith.constant 0 : i32
    %dma_wait3A_575 = arith.constant 0 : i32
    %dma_wait3A_576 = tpu.memref_slice %arg6[%dma_wait3A_574, %dma_wait3A_575] : memref<10112x64xf32, #tpu.memory_space<vmem_shared>> -> memref<10112x64xf32, #tpu.memory_space<vmem_shared>>
    tpu.wait_indirect_dma semaphore(%arg33 : memref<!tpu.dma_semaphore, #tpu.memory_space<semaphore_mem>>) src(%arg18 : memref<125x64xf32, #tpu.memory_space<vmem>>) dst(%dma_wait3A_576 : memref<10112x64xf32, #tpu.memory_space<vmem_shared>>)
    %eq3A_577 = arith.constant 0 : i32
    %eq3A_578 = arith.cmpi eq, %arg0, %eq3A_577 : i32
    %eq3A_579 = arith.constant false
    %eq3A_580 = arith.xori %eq3A_578, %eq3A_579 : i1
    %eq3A_581 = arith.constant true
    %eq3A_582 = arith.xori %eq3A_580, %eq3A_581 : i1
    %convert_element_type3A_583 = arith.extui %eq3A_582 : i1 to i32
    %cond3A_584 = arith.constant 0 : i32
    %cond3A_585 = arith.cmpi ne, %convert_element_type3A_583, %cond3A_584 : i32
    scf.if %cond3A_585 {
      %dma_wait3A_627 = arith.constant 1 : i32
      %dma_wait3A_628 = arith.constant 0 : i32
      %dma_wait3A_629 = tpu.memref_slice %arg13[%dma_wait3A_627, %dma_wait3A_628] : memref<2x125xi32, #tpu.memory_space<vmem>> -> memref<1x125xi32, #tpu.memory_space<vmem>>
      %dma_wait3A_630 = tpu.memref_squeeze %dma_wait3A_629 : memref<1x125xi32, #tpu.memory_space<vmem>> -> memref<125xi32, #tpu.memory_space<vmem>>
      %dma_wait3A_631 = arith.constant 0 : i32
      %dma_wait3A_632 = arith.constant 0 : i32
      %dma_wait3A_633 = tpu.memref_slice %arg7[%dma_wait3A_631, %dma_wait3A_632] : memref<10112x16xf32, #tpu.memory_space<vmem_shared>> -> memref<10112x16xf32, #tpu.memory_space<vmem_shared>>
      tpu.wait_indirect_dma semaphore(%arg38 : memref<!tpu.dma_semaphore, #tpu.memory_space<semaphore_mem>>) src(%arg10 : memref<125x16xf32, #tpu.memory_space<vmem>>) dst(%dma_wait3A_633 : memref<10112x16xf32, #tpu.memory_space<vmem_shared>>)
    } else {
    }
    %dma_wait3A_586 = arith.constant 1 : i32
    %dma_wait3A_587 = arith.constant 0 : i32
    %dma_wait3A_588 = tpu.memref_slice %arg14[%dma_wait3A_586, %dma_wait3A_587] : memref<2x125xi32, #tpu.memory_space<vmem>> -> memref<1x125xi32, #tpu.memory_space<vmem>>
    %dma_wait3A_589 = tpu.memref_squeeze %dma_wait3A_588 : memref<1x125xi32, #tpu.memory_space<vmem>> -> memref<125xi32, #tpu.memory_space<vmem>>
    %dma_wait3A_590 = arith.constant 0 : i32
    %dma_wait3A_591 = arith.constant 0 : i32
    %dma_wait3A_592 = tpu.memref_slice %arg6[%dma_wait3A_590, %dma_wait3A_591] : memref<10112x64xf32, #tpu.memory_space<vmem_shared>> -> memref<10112x64xf32, #tpu.memory_space<vmem_shared>>
    tpu.wait_indirect_dma semaphore(%arg34 : memref<!tpu.dma_semaphore, #tpu.memory_space<semaphore_mem>>) src(%arg19 : memref<125x64xf32, #tpu.memory_space<vmem>>) dst(%dma_wait3A_592 : memref<10112x64xf32, #tpu.memory_space<vmem_shared>>)
    %eq3A_593 = arith.constant 0 : i32
    %eq3A_594 = arith.cmpi eq, %arg0, %eq3A_593 : i32
    %eq3A_595 = arith.constant false
    %eq3A_596 = arith.xori %eq3A_594, %eq3A_595 : i1
    %eq3A_597 = arith.constant true
    %eq3A_598 = arith.xori %eq3A_596, %eq3A_597 : i1
    %convert_element_type3A_599 = arith.extui %eq3A_598 : i1 to i32
    %cond3A_600 = arith.constant 0 : i32
    %cond3A_601 = arith.cmpi ne, %convert_element_type3A_599, %cond3A_600 : i32
    scf.if %cond3A_601 {
      %dma_wait3A_627 = arith.constant 1 : i32
      %dma_wait3A_628 = arith.constant 0 : i32
      %dma_wait3A_629 = tpu.memref_slice %arg14[%dma_wait3A_627, %dma_wait3A_628] : memref<2x125xi32, #tpu.memory_space<vmem>> -> memref<1x125xi32, #tpu.memory_space<vmem>>
      %dma_wait3A_630 = tpu.memref_squeeze %dma_wait3A_629 : memref<1x125xi32, #tpu.memory_space<vmem>> -> memref<125xi32, #tpu.memory_space<vmem>>
      %dma_wait3A_631 = arith.constant 0 : i32
      %dma_wait3A_632 = arith.constant 0 : i32
      %dma_wait3A_633 = tpu.memref_slice %arg7[%dma_wait3A_631, %dma_wait3A_632] : memref<10112x16xf32, #tpu.memory_space<vmem_shared>> -> memref<10112x16xf32, #tpu.memory_space<vmem_shared>>
      tpu.wait_indirect_dma semaphore(%arg39 : memref<!tpu.dma_semaphore, #tpu.memory_space<semaphore_mem>>) src(%arg10 : memref<125x16xf32, #tpu.memory_space<vmem>>) dst(%dma_wait3A_633 : memref<10112x16xf32, #tpu.memory_space<vmem_shared>>)
    } else {
    }
    %dma_wait3A_602 = arith.constant 1 : i32
    %dma_wait3A_603 = arith.constant 0 : i32
    %dma_wait3A_604 = tpu.memref_slice %arg15[%dma_wait3A_602, %dma_wait3A_603] : memref<2x125xi32, #tpu.memory_space<vmem>> -> memref<1x125xi32, #tpu.memory_space<vmem>>
    %dma_wait3A_605 = tpu.memref_squeeze %dma_wait3A_604 : memref<1x125xi32, #tpu.memory_space<vmem>> -> memref<125xi32, #tpu.memory_space<vmem>>
    %dma_wait3A_606 = arith.constant 0 : i32
    %dma_wait3A_607 = arith.constant 0 : i32
    %dma_wait3A_608 = tpu.memref_slice %arg6[%dma_wait3A_606, %dma_wait3A_607] : memref<10112x64xf32, #tpu.memory_space<vmem_shared>> -> memref<10112x64xf32, #tpu.memory_space<vmem_shared>>
    tpu.wait_indirect_dma semaphore(%arg35 : memref<!tpu.dma_semaphore, #tpu.memory_space<semaphore_mem>>) src(%arg20 : memref<125x64xf32, #tpu.memory_space<vmem>>) dst(%dma_wait3A_608 : memref<10112x64xf32, #tpu.memory_space<vmem_shared>>)
    %eq3A_609 = arith.constant 0 : i32
    %eq3A_610 = arith.cmpi eq, %arg0, %eq3A_609 : i32
    %eq3A_611 = arith.constant false
    %eq3A_612 = arith.xori %eq3A_610, %eq3A_611 : i1
    %eq3A_613 = arith.constant true
    %eq3A_614 = arith.xori %eq3A_612, %eq3A_613 : i1
    %convert_element_type3A_615 = arith.extui %eq3A_614 : i1 to i32
    %cond3A_616 = arith.constant 0 : i32
    %cond3A_617 = arith.cmpi ne, %convert_element_type3A_615, %cond3A_616 : i32
    scf.if %cond3A_617 {
      %dma_wait3A_627 = arith.constant 1 : i32
      %dma_wait3A_628 = arith.constant 0 : i32
      %dma_wait3A_629 = tpu.memref_slice %arg15[%dma_wait3A_627, %dma_wait3A_628] : memref<2x125xi32, #tpu.memory_space<vmem>> -> memref<1x125xi32, #tpu.memory_space<vmem>>
      %dma_wait3A_630 = tpu.memref_squeeze %dma_wait3A_629 : memref<1x125xi32, #tpu.memory_space<vmem>> -> memref<125xi32, #tpu.memory_space<vmem>>
      %dma_wait3A_631 = arith.constant 0 : i32
      %dma_wait3A_632 = arith.constant 0 : i32
      %dma_wait3A_633 = tpu.memref_slice %arg7[%dma_wait3A_631, %dma_wait3A_632] : memref<10112x16xf32, #tpu.memory_space<vmem_shared>> -> memref<10112x16xf32, #tpu.memory_space<vmem_shared>>
      tpu.wait_indirect_dma semaphore(%arg40 : memref<!tpu.dma_semaphore, #tpu.memory_space<semaphore_mem>>) src(%arg10 : memref<125x16xf32, #tpu.memory_space<vmem>>) dst(%dma_wait3A_633 : memref<10112x16xf32, #tpu.memory_space<vmem_shared>>)
    } else {
    }
    %barrier3A_618 = arith.constant 0 : index
    tpu.barrier barrier_id(%barrier3A_618)
    %add3A_619 = arith.constant 0 : i32
    %add3A_620 = arith.addi %multiple_of3A, %add3A_619 : i32
    "tpu.region"() ({
      %run_scoped3A = tpu.sem_alloc : memref<!tpu.dma_semaphore, #tpu.memory_space<semaphore_mem>>
      %dma_start3A_627 = arith.constant 0 : i32
      %dma_start3A_628 = tpu.memref_slice %arg6[%add3A_620, %dma_start3A_627] : memref<10112x64xf32, #tpu.memory_space<vmem_shared>> -> memref<158x64xf32, #tpu.memory_space<vmem_shared>>
      %dma_start3A_629 = arith.constant 0 : i32
      %dma_start3A_630 = tpu.memref_slice %arg6[%add3A_620, %dma_start3A_629] : memref<10112x64xf32, #tpu.memory_space<vmem_shared>> -> memref<158x64xf32, #tpu.memory_space<vmem_shared>>
      tpu.enqueue_dma source(%dma_start3A_630 : memref<158x64xf32, #tpu.memory_space<vmem_shared>>) target(%arg8 : memref<158x64xf32, #tpu.memory_space<vmem>>) target_semaphore(%run_scoped3A : memref<!tpu.dma_semaphore, #tpu.memory_space<semaphore_mem>>)
      %dma_wait3A_631 = arith.constant 0 : i32
      %dma_wait3A_632 = tpu.memref_slice %arg6[%add3A_620, %dma_wait3A_631] : memref<10112x64xf32, #tpu.memory_space<vmem_shared>> -> memref<158x64xf32, #tpu.memory_space<vmem_shared>>
      %dma_wait3A_633 = arith.constant 0 : i32
      %dma_wait3A_634 = tpu.memref_slice %arg6[%add3A_620, %dma_wait3A_633] : memref<10112x64xf32, #tpu.memory_space<vmem_shared>> -> memref<158x64xf32, #tpu.memory_space<vmem_shared>>
      tpu.wait_dma2 semaphore(%run_scoped3A : memref<!tpu.dma_semaphore, #tpu.memory_space<semaphore_mem>>) src(%dma_wait3A_634 : memref<158x64xf32, #tpu.memory_space<vmem_shared>>) dst(%arg8 : memref<158x64xf32, #tpu.memory_space<vmem>>)
      tpu.yield
    }) : () -> ()
    "tpu.region"() ({
      %run_scoped3A = tpu.sem_alloc : memref<!tpu.dma_semaphore, #tpu.memory_space<semaphore_mem>>
      %dma_start3A_627 = arith.constant 0 : i32
      %dma_start3A_628 = tpu.memref_slice %arg4[%arg0, %add3A_620, %dma_start3A_627] : memref<2x10112x64xf32, #tpu.memory_space<hbm>> -> memref<1x158x64xf32, #tpu.memory_space<hbm>>
      %dma_start3A_629 = tpu.memref_squeeze %dma_start3A_628 : memref<1x158x64xf32, #tpu.memory_space<hbm>> -> memref<158x64xf32, #tpu.memory_space<hbm>>
      %dma_start3A_630 = arith.constant 0 : i32
      %dma_start3A_631 = tpu.memref_slice %arg4[%arg0, %add3A_620, %dma_start3A_630] : memref<2x10112x64xf32, #tpu.memory_space<hbm>> -> memref<1x158x64xf32, #tpu.memory_space<hbm>>
      %dma_start3A_632 = tpu.memref_squeeze %dma_start3A_631 : memref<1x158x64xf32, #tpu.memory_space<hbm>> -> memref<158x64xf32, #tpu.memory_space<hbm>>
      tpu.enqueue_dma source(%arg8 : memref<158x64xf32, #tpu.memory_space<vmem>>) target(%dma_start3A_632 : memref<158x64xf32, #tpu.memory_space<hbm>>) target_semaphore(%run_scoped3A : memref<!tpu.dma_semaphore, #tpu.memory_space<semaphore_mem>>)
      %dma_wait3A_633 = arith.constant 0 : i32
      %dma_wait3A_634 = tpu.memref_slice %arg4[%arg0, %add3A_620, %dma_wait3A_633] : memref<2x10112x64xf32, #tpu.memory_space<hbm>> -> memref<1x158x64xf32, #tpu.memory_space<hbm>>
      %dma_wait3A_635 = tpu.memref_squeeze %dma_wait3A_634 : memref<1x158x64xf32, #tpu.memory_space<hbm>> -> memref<158x64xf32, #tpu.memory_space<hbm>>
      %dma_wait3A_636 = arith.constant 0 : i32
      %dma_wait3A_637 = tpu.memref_slice %arg4[%arg0, %add3A_620, %dma_wait3A_636] : memref<2x10112x64xf32, #tpu.memory_space<hbm>> -> memref<1x158x64xf32, #tpu.memory_space<hbm>>
      %dma_wait3A_638 = tpu.memref_squeeze %dma_wait3A_637 : memref<1x158x64xf32, #tpu.memory_space<hbm>> -> memref<158x64xf32, #tpu.memory_space<hbm>>
      tpu.wait_dma2 semaphore(%run_scoped3A : memref<!tpu.dma_semaphore, #tpu.memory_space<semaphore_mem>>) src(%arg8 : memref<158x64xf32, #tpu.memory_space<vmem>>) dst(%dma_wait3A_638 : memref<158x64xf32, #tpu.memory_space<hbm>>)
      tpu.yield
    }) : () -> ()
    "tpu.region"() ({
      %run_scoped3A = tpu.sem_alloc : memref<!tpu.dma_semaphore, #tpu.memory_space<semaphore_mem>>
      %dma_start3A_627 = arith.constant 0 : i32
      %dma_start3A_628 = tpu.memref_slice %arg7[%add3A_620, %dma_start3A_627] : memref<10112x16xf32, #tpu.memory_space<vmem_shared>> -> memref<158x16xf32, #tpu.memory_space<vmem_shared>>
      %dma_start3A_629 = arith.constant 0 : i32
      %dma_start3A_630 = tpu.memref_slice %arg7[%add3A_620, %dma_start3A_629] : memref<10112x16xf32, #tpu.memory_space<vmem_shared>> -> memref<158x16xf32, #tpu.memory_space<vmem_shared>>
      tpu.enqueue_dma source(%dma_start3A_630 : memref<158x16xf32, #tpu.memory_space<vmem_shared>>) target(%arg9 : memref<158x16xf32, #tpu.memory_space<vmem>>) target_semaphore(%run_scoped3A : memref<!tpu.dma_semaphore, #tpu.memory_space<semaphore_mem>>)
      %dma_wait3A_631 = arith.constant 0 : i32
      %dma_wait3A_632 = tpu.memref_slice %arg7[%add3A_620, %dma_wait3A_631] : memref<10112x16xf32, #tpu.memory_space<vmem_shared>> -> memref<158x16xf32, #tpu.memory_space<vmem_shared>>
      %dma_wait3A_633 = arith.constant 0 : i32
      %dma_wait3A_634 = tpu.memref_slice %arg7[%add3A_620, %dma_wait3A_633] : memref<10112x16xf32, #tpu.memory_space<vmem_shared>> -> memref<158x16xf32, #tpu.memory_space<vmem_shared>>
      tpu.wait_dma2 semaphore(%run_scoped3A : memref<!tpu.dma_semaphore, #tpu.memory_space<semaphore_mem>>) src(%dma_wait3A_634 : memref<158x16xf32, #tpu.memory_space<vmem_shared>>) dst(%arg9 : memref<158x16xf32, #tpu.memory_space<vmem>>)
      tpu.yield
    }) : () -> ()
    "tpu.region"() ({
      %run_scoped3A = tpu.sem_alloc : memref<!tpu.dma_semaphore, #tpu.memory_space<semaphore_mem>>
      %dma_start3A_627 = arith.constant 0 : i32
      %dma_start3A_628 = tpu.memref_slice %arg5[%arg0, %add3A_620, %dma_start3A_627] : memref<2x10112x16xf32, #tpu.memory_space<hbm>> -> memref<1x158x16xf32, #tpu.memory_space<hbm>>
      %dma_start3A_629 = tpu.memref_squeeze %dma_start3A_628 : memref<1x158x16xf32, #tpu.memory_space<hbm>> -> memref<158x16xf32, #tpu.memory_space<hbm>>
      %dma_start3A_630 = arith.constant 0 : i32
      %dma_start3A_631 = tpu.memref_slice %arg5[%arg0, %add3A_620, %dma_start3A_630] : memref<2x10112x16xf32, #tpu.memory_space<hbm>> -> memref<1x158x16xf32, #tpu.memory_space<hbm>>
      %dma_start3A_632 = tpu.memref_squeeze %dma_start3A_631 : memref<1x158x16xf32, #tpu.memory_space<hbm>> -> memref<158x16xf32, #tpu.memory_space<hbm>>
      tpu.enqueue_dma source(%arg9 : memref<158x16xf32, #tpu.memory_space<vmem>>) target(%dma_start3A_632 : memref<158x16xf32, #tpu.memory_space<hbm>>) target_semaphore(%run_scoped3A : memref<!tpu.dma_semaphore, #tpu.memory_space<semaphore_mem>>)
      %dma_wait3A_633 = arith.constant 0 : i32
      %dma_wait3A_634 = tpu.memref_slice %arg5[%arg0, %add3A_620, %dma_wait3A_633] : memref<2x10112x16xf32, #tpu.memory_space<hbm>> -> memref<1x158x16xf32, #tpu.memory_space<hbm>>
      %dma_wait3A_635 = tpu.memref_squeeze %dma_wait3A_634 : memref<1x158x16xf32, #tpu.memory_space<hbm>> -> memref<158x16xf32, #tpu.memory_space<hbm>>
      %dma_wait3A_636 = arith.constant 0 : i32
      %dma_wait3A_637 = tpu.memref_slice %arg5[%arg0, %add3A_620, %dma_wait3A_636] : memref<2x10112x16xf32, #tpu.memory_space<hbm>> -> memref<1x158x16xf32, #tpu.memory_space<hbm>>
      %dma_wait3A_638 = tpu.memref_squeeze %dma_wait3A_637 : memref<1x158x16xf32, #tpu.memory_space<hbm>> -> memref<158x16xf32, #tpu.memory_space<hbm>>
      tpu.wait_dma2 semaphore(%run_scoped3A : memref<!tpu.dma_semaphore, #tpu.memory_space<semaphore_mem>>) src(%arg9 : memref<158x16xf32, #tpu.memory_space<vmem>>) dst(%dma_wait3A_638 : memref<158x16xf32, #tpu.memory_space<hbm>>)
      tpu.yield
    }) : () -> ()
    %add3A_621 = arith.constant 158 : i32
    %add3A_622 = arith.addi %multiple_of3A, %add3A_621 : i32
    "tpu.region"() ({
      %run_scoped3A = tpu.sem_alloc : memref<!tpu.dma_semaphore, #tpu.memory_space<semaphore_mem>>
      %dma_start3A_627 = arith.constant 0 : i32
      %dma_start3A_628 = tpu.memref_slice %arg6[%add3A_622, %dma_start3A_627] : memref<10112x64xf32, #tpu.memory_space<vmem_shared>> -> memref<158x64xf32, #tpu.memory_space<vmem_shared>>
      %dma_start3A_629 = arith.constant 0 : i32
      %dma_start3A_630 = tpu.memref_slice %arg6[%add3A_622, %dma_start3A_629] : memref<10112x64xf32, #tpu.memory_space<vmem_shared>> -> memref<158x64xf32, #tpu.memory_space<vmem_shared>>
      tpu.enqueue_dma source(%dma_start3A_630 : memref<158x64xf32, #tpu.memory_space<vmem_shared>>) target(%arg8 : memref<158x64xf32, #tpu.memory_space<vmem>>) target_semaphore(%run_scoped3A : memref<!tpu.dma_semaphore, #tpu.memory_space<semaphore_mem>>)
      %dma_wait3A_631 = arith.constant 0 : i32
      %dma_wait3A_632 = tpu.memref_slice %arg6[%add3A_622, %dma_wait3A_631] : memref<10112x64xf32, #tpu.memory_space<vmem_shared>> -> memref<158x64xf32, #tpu.memory_space<vmem_shared>>
      %dma_wait3A_633 = arith.constant 0 : i32
      %dma_wait3A_634 = tpu.memref_slice %arg6[%add3A_622, %dma_wait3A_633] : memref<10112x64xf32, #tpu.memory_space<vmem_shared>> -> memref<158x64xf32, #tpu.memory_space<vmem_shared>>
      tpu.wait_dma2 semaphore(%run_scoped3A : memref<!tpu.dma_semaphore, #tpu.memory_space<semaphore_mem>>) src(%dma_wait3A_634 : memref<158x64xf32, #tpu.memory_space<vmem_shared>>) dst(%arg8 : memref<158x64xf32, #tpu.memory_space<vmem>>)
      tpu.yield
    }) : () -> ()
    "tpu.region"() ({
      %run_scoped3A = tpu.sem_alloc : memref<!tpu.dma_semaphore, #tpu.memory_space<semaphore_mem>>
      %dma_start3A_627 = arith.constant 0 : i32
      %dma_start3A_628 = tpu.memref_slice %arg4[%arg0, %add3A_622, %dma_start3A_627] : memref<2x10112x64xf32, #tpu.memory_space<hbm>> -> memref<1x158x64xf32, #tpu.memory_space<hbm>>
      %dma_start3A_629 = tpu.memref_squeeze %dma_start3A_628 : memref<1x158x64xf32, #tpu.memory_space<hbm>> -> memref<158x64xf32, #tpu.memory_space<hbm>>
      %dma_start3A_630 = arith.constant 0 : i32
      %dma_start3A_631 = tpu.memref_slice %arg4[%arg0, %add3A_622, %dma_start3A_630] : memref<2x10112x64xf32, #tpu.memory_space<hbm>> -> memref<1x158x64xf32, #tpu.memory_space<hbm>>
      %dma_start3A_632 = tpu.memref_squeeze %dma_start3A_631 : memref<1x158x64xf32, #tpu.memory_space<hbm>> -> memref<158x64xf32, #tpu.memory_space<hbm>>
      tpu.enqueue_dma source(%arg8 : memref<158x64xf32, #tpu.memory_space<vmem>>) target(%dma_start3A_632 : memref<158x64xf32, #tpu.memory_space<hbm>>) target_semaphore(%run_scoped3A : memref<!tpu.dma_semaphore, #tpu.memory_space<semaphore_mem>>)
      %dma_wait3A_633 = arith.constant 0 : i32
      %dma_wait3A_634 = tpu.memref_slice %arg4[%arg0, %add3A_622, %dma_wait3A_633] : memref<2x10112x64xf32, #tpu.memory_space<hbm>> -> memref<1x158x64xf32, #tpu.memory_space<hbm>>
      %dma_wait3A_635 = tpu.memref_squeeze %dma_wait3A_634 : memref<1x158x64xf32, #tpu.memory_space<hbm>> -> memref<158x64xf32, #tpu.memory_space<hbm>>
      %dma_wait3A_636 = arith.constant 0 : i32
      %dma_wait3A_637 = tpu.memref_slice %arg4[%arg0, %add3A_622, %dma_wait3A_636] : memref<2x10112x64xf32, #tpu.memory_space<hbm>> -> memref<1x158x64xf32, #tpu.memory_space<hbm>>
      %dma_wait3A_638 = tpu.memref_squeeze %dma_wait3A_637 : memref<1x158x64xf32, #tpu.memory_space<hbm>> -> memref<158x64xf32, #tpu.memory_space<hbm>>
      tpu.wait_dma2 semaphore(%run_scoped3A : memref<!tpu.dma_semaphore, #tpu.memory_space<semaphore_mem>>) src(%arg8 : memref<158x64xf32, #tpu.memory_space<vmem>>) dst(%dma_wait3A_638 : memref<158x64xf32, #tpu.memory_space<hbm>>)
      tpu.yield
    }) : () -> ()
    "tpu.region"() ({
      %run_scoped3A = tpu.sem_alloc : memref<!tpu.dma_semaphore, #tpu.memory_space<semaphore_mem>>
      %dma_start3A_627 = arith.constant 0 : i32
      %dma_start3A_628 = tpu.memref_slice %arg7[%add3A_622, %dma_start3A_627] : memref<10112x16xf32, #tpu.memory_space<vmem_shared>> -> memref<158x16xf32, #tpu.memory_space<vmem_shared>>
      %dma_start3A_629 = arith.constant 0 : i32
      %dma_start3A_630 = tpu.memref_slice %arg7[%add3A_622, %dma_start3A_629] : memref<10112x16xf32, #tpu.memory_space<vmem_shared>> -> memref<158x16xf32, #tpu.memory_space<vmem_shared>>
      tpu.enqueue_dma source(%dma_start3A_630 : memref<158x16xf32, #tpu.memory_space<vmem_shared>>) target(%arg9 : memref<158x16xf32, #tpu.memory_space<vmem>>) target_semaphore(%run_scoped3A : memref<!tpu.dma_semaphore, #tpu.memory_space<semaphore_mem>>)
      %dma_wait3A_631 = arith.constant 0 : i32
      %dma_wait3A_632 = tpu.memref_slice %arg7[%add3A_622, %dma_wait3A_631] : memref<10112x16xf32, #tpu.memory_space<vmem_shared>> -> memref<158x16xf32, #tpu.memory_space<vmem_shared>>
      %dma_wait3A_633 = arith.constant 0 : i32
      %dma_wait3A_634 = tpu.memref_slice %arg7[%add3A_622, %dma_wait3A_633] : memref<10112x16xf32, #tpu.memory_space<vmem_shared>> -> memref<158x16xf32, #tpu.memory_space<vmem_shared>>
      tpu.wait_dma2 semaphore(%run_scoped3A : memref<!tpu.dma_semaphore, #tpu.memory_space<semaphore_mem>>) src(%dma_wait3A_634 : memref<158x16xf32, #tpu.memory_space<vmem_shared>>) dst(%arg9 : memref<158x16xf32, #tpu.memory_space<vmem>>)
      tpu.yield
    }) : () -> ()
    "tpu.region"() ({
      %run_scoped3A = tpu.sem_alloc : memref<!tpu.dma_semaphore, #tpu.memory_space<semaphore_mem>>
      %dma_start3A_627 = arith.constant 0 : i32
      %dma_start3A_628 = tpu.memref_slice %arg5[%arg0, %add3A_622, %dma_start3A_627] : memref<2x10112x16xf32, #tpu.memory_space<hbm>> -> memref<1x158x16xf32, #tpu.memory_space<hbm>>
      %dma_start3A_629 = tpu.memref_squeeze %dma_start3A_628 : memref<1x158x16xf32, #tpu.memory_space<hbm>> -> memref<158x16xf32, #tpu.memory_space<hbm>>
      %dma_start3A_630 = arith.constant 0 : i32
      %dma_start3A_631 = tpu.memref_slice %arg5[%arg0, %add3A_622, %dma_start3A_630] : memref<2x10112x16xf32, #tpu.memory_space<hbm>> -> memref<1x158x16xf32, #tpu.memory_space<hbm>>
      %dma_start3A_632 = tpu.memref_squeeze %dma_start3A_631 : memref<1x158x16xf32, #tpu.memory_space<hbm>> -> memref<158x16xf32, #tpu.memory_space<hbm>>
      tpu.enqueue_dma source(%arg9 : memref<158x16xf32, #tpu.memory_space<vmem>>) target(%dma_start3A_632 : memref<158x16xf32, #tpu.memory_space<hbm>>) target_semaphore(%run_scoped3A : memref<!tpu.dma_semaphore, #tpu.memory_space<semaphore_mem>>)
      %dma_wait3A_633 = arith.constant 0 : i32
      %dma_wait3A_634 = tpu.memref_slice %arg5[%arg0, %add3A_622, %dma_wait3A_633] : memref<2x10112x16xf32, #tpu.memory_space<hbm>> -> memref<1x158x16xf32, #tpu.memory_space<hbm>>
      %dma_wait3A_635 = tpu.memref_squeeze %dma_wait3A_634 : memref<1x158x16xf32, #tpu.memory_space<hbm>> -> memref<158x16xf32, #tpu.memory_space<hbm>>
      %dma_wait3A_636 = arith.constant 0 : i32
      %dma_wait3A_637 = tpu.memref_slice %arg5[%arg0, %add3A_622, %dma_wait3A_636] : memref<2x10112x16xf32, #tpu.memory_space<hbm>> -> memref<1x158x16xf32, #tpu.memory_space<hbm>>
      %dma_wait3A_638 = tpu.memref_squeeze %dma_wait3A_637 : memref<1x158x16xf32, #tpu.memory_space<hbm>> -> memref<158x16xf32, #tpu.memory_space<hbm>>
      tpu.wait_dma2 semaphore(%run_scoped3A : memref<!tpu.dma_semaphore, #tpu.memory_space<semaphore_mem>>) src(%arg9 : memref<158x16xf32, #tpu.memory_space<vmem>>) dst(%dma_wait3A_638 : memref<158x16xf32, #tpu.memory_space<hbm>>)
      tpu.yield
    }) : () -> ()
    %add3A_623 = arith.constant 316 : i32
    %add3A_624 = arith.addi %multiple_of3A, %add3A_623 : i32
    "tpu.region"() ({
      %run_scoped3A = tpu.sem_alloc : memref<!tpu.dma_semaphore, #tpu.memory_space<semaphore_mem>>
      %dma_start3A_627 = arith.constant 0 : i32
      %dma_start3A_628 = tpu.memref_slice %arg6[%add3A_624, %dma_start3A_627] : memref<10112x64xf32, #tpu.memory_space<vmem_shared>> -> memref<158x64xf32, #tpu.memory_space<vmem_shared>>
      %dma_start3A_629 = arith.constant 0 : i32
      %dma_start3A_630 = tpu.memref_slice %arg6[%add3A_624, %dma_start3A_629] : memref<10112x64xf32, #tpu.memory_space<vmem_shared>> -> memref<158x64xf32, #tpu.memory_space<vmem_shared>>
      tpu.enqueue_dma source(%dma_start3A_630 : memref<158x64xf32, #tpu.memory_space<vmem_shared>>) target(%arg8 : memref<158x64xf32, #tpu.memory_space<vmem>>) target_semaphore(%run_scoped3A : memref<!tpu.dma_semaphore, #tpu.memory_space<semaphore_mem>>)
      %dma_wait3A_631 = arith.constant 0 : i32
      %dma_wait3A_632 = tpu.memref_slice %arg6[%add3A_624, %dma_wait3A_631] : memref<10112x64xf32, #tpu.memory_space<vmem_shared>> -> memref<158x64xf32, #tpu.memory_space<vmem_shared>>
      %dma_wait3A_633 = arith.constant 0 : i32
      %dma_wait3A_634 = tpu.memref_slice %arg6[%add3A_624, %dma_wait3A_633] : memref<10112x64xf32, #tpu.memory_space<vmem_shared>> -> memref<158x64xf32, #tpu.memory_space<vmem_shared>>
      tpu.wait_dma2 semaphore(%run_scoped3A : memref<!tpu.dma_semaphore, #tpu.memory_space<semaphore_mem>>) src(%dma_wait3A_634 : memref<158x64xf32, #tpu.memory_space<vmem_shared>>) dst(%arg8 : memref<158x64xf32, #tpu.memory_space<vmem>>)
      tpu.yield
    }) : () -> ()
    "tpu.region"() ({
      %run_scoped3A = tpu.sem_alloc : memref<!tpu.dma_semaphore, #tpu.memory_space<semaphore_mem>>
      %dma_start3A_627 = arith.constant 0 : i32
      %dma_start3A_628 = tpu.memref_slice %arg4[%arg0, %add3A_624, %dma_start3A_627] : memref<2x10112x64xf32, #tpu.memory_space<hbm>> -> memref<1x158x64xf32, #tpu.memory_space<hbm>>
      %dma_start3A_629 = tpu.memref_squeeze %dma_start3A_628 : memref<1x158x64xf32, #tpu.memory_space<hbm>> -> memref<158x64xf32, #tpu.memory_space<hbm>>
      %dma_start3A_630 = arith.constant 0 : i32
      %dma_start3A_631 = tpu.memref_slice %arg4[%arg0, %add3A_624, %dma_start3A_630] : memref<2x10112x64xf32, #tpu.memory_space<hbm>> -> memref<1x158x64xf32, #tpu.memory_space<hbm>>
      %dma_start3A_632 = tpu.memref_squeeze %dma_start3A_631 : memref<1x158x64xf32, #tpu.memory_space<hbm>> -> memref<158x64xf32, #tpu.memory_space<hbm>>
      tpu.enqueue_dma source(%arg8 : memref<158x64xf32, #tpu.memory_space<vmem>>) target(%dma_start3A_632 : memref<158x64xf32, #tpu.memory_space<hbm>>) target_semaphore(%run_scoped3A : memref<!tpu.dma_semaphore, #tpu.memory_space<semaphore_mem>>)
      %dma_wait3A_633 = arith.constant 0 : i32
      %dma_wait3A_634 = tpu.memref_slice %arg4[%arg0, %add3A_624, %dma_wait3A_633] : memref<2x10112x64xf32, #tpu.memory_space<hbm>> -> memref<1x158x64xf32, #tpu.memory_space<hbm>>
      %dma_wait3A_635 = tpu.memref_squeeze %dma_wait3A_634 : memref<1x158x64xf32, #tpu.memory_space<hbm>> -> memref<158x64xf32, #tpu.memory_space<hbm>>
      %dma_wait3A_636 = arith.constant 0 : i32
      %dma_wait3A_637 = tpu.memref_slice %arg4[%arg0, %add3A_624, %dma_wait3A_636] : memref<2x10112x64xf32, #tpu.memory_space<hbm>> -> memref<1x158x64xf32, #tpu.memory_space<hbm>>
      %dma_wait3A_638 = tpu.memref_squeeze %dma_wait3A_637 : memref<1x158x64xf32, #tpu.memory_space<hbm>> -> memref<158x64xf32, #tpu.memory_space<hbm>>
      tpu.wait_dma2 semaphore(%run_scoped3A : memref<!tpu.dma_semaphore, #tpu.memory_space<semaphore_mem>>) src(%arg8 : memref<158x64xf32, #tpu.memory_space<vmem>>) dst(%dma_wait3A_638 : memref<158x64xf32, #tpu.memory_space<hbm>>)
      tpu.yield
    }) : () -> ()
    "tpu.region"() ({
      %run_scoped3A = tpu.sem_alloc : memref<!tpu.dma_semaphore, #tpu.memory_space<semaphore_mem>>
      %dma_start3A_627 = arith.constant 0 : i32
      %dma_start3A_628 = tpu.memref_slice %arg7[%add3A_624, %dma_start3A_627] : memref<10112x16xf32, #tpu.memory_space<vmem_shared>> -> memref<158x16xf32, #tpu.memory_space<vmem_shared>>
      %dma_start3A_629 = arith.constant 0 : i32
      %dma_start3A_630 = tpu.memref_slice %arg7[%add3A_624, %dma_start3A_629] : memref<10112x16xf32, #tpu.memory_space<vmem_shared>> -> memref<158x16xf32, #tpu.memory_space<vmem_shared>>
      tpu.enqueue_dma source(%dma_start3A_630 : memref<158x16xf32, #tpu.memory_space<vmem_shared>>) target(%arg9 : memref<158x16xf32, #tpu.memory_space<vmem>>) target_semaphore(%run_scoped3A : memref<!tpu.dma_semaphore, #tpu.memory_space<semaphore_mem>>)
      %dma_wait3A_631 = arith.constant 0 : i32
      %dma_wait3A_632 = tpu.memref_slice %arg7[%add3A_624, %dma_wait3A_631] : memref<10112x16xf32, #tpu.memory_space<vmem_shared>> -> memref<158x16xf32, #tpu.memory_space<vmem_shared>>
      %dma_wait3A_633 = arith.constant 0 : i32
      %dma_wait3A_634 = tpu.memref_slice %arg7[%add3A_624, %dma_wait3A_633] : memref<10112x16xf32, #tpu.memory_space<vmem_shared>> -> memref<158x16xf32, #tpu.memory_space<vmem_shared>>
      tpu.wait_dma2 semaphore(%run_scoped3A : memref<!tpu.dma_semaphore, #tpu.memory_space<semaphore_mem>>) src(%dma_wait3A_634 : memref<158x16xf32, #tpu.memory_space<vmem_shared>>) dst(%arg9 : memref<158x16xf32, #tpu.memory_space<vmem>>)
      tpu.yield
    }) : () -> ()
    "tpu.region"() ({
      %run_scoped3A = tpu.sem_alloc : memref<!tpu.dma_semaphore, #tpu.memory_space<semaphore_mem>>
      %dma_start3A_627 = arith.constant 0 : i32
      %dma_start3A_628 = tpu.memref_slice %arg5[%arg0, %add3A_624, %dma_start3A_627] : memref<2x10112x16xf32, #tpu.memory_space<hbm>> -> memref<1x158x16xf32, #tpu.memory_space<hbm>>
      %dma_start3A_629 = tpu.memref_squeeze %dma_start3A_628 : memref<1x158x16xf32, #tpu.memory_space<hbm>> -> memref<158x16xf32, #tpu.memory_space<hbm>>
      %dma_start3A_630 = arith.constant 0 : i32
      %dma_start3A_631 = tpu.memref_slice %arg5[%arg0, %add3A_624, %dma_start3A_630] : memref<2x10112x16xf32, #tpu.memory_space<hbm>> -> memref<1x158x16xf32, #tpu.memory_space<hbm>>
      %dma_start3A_632 = tpu.memref_squeeze %dma_start3A_631 : memref<1x158x16xf32, #tpu.memory_space<hbm>> -> memref<158x16xf32, #tpu.memory_space<hbm>>
      tpu.enqueue_dma source(%arg9 : memref<158x16xf32, #tpu.memory_space<vmem>>) target(%dma_start3A_632 : memref<158x16xf32, #tpu.memory_space<hbm>>) target_semaphore(%run_scoped3A : memref<!tpu.dma_semaphore, #tpu.memory_space<semaphore_mem>>)
      %dma_wait3A_633 = arith.constant 0 : i32
      %dma_wait3A_634 = tpu.memref_slice %arg5[%arg0, %add3A_624, %dma_wait3A_633] : memref<2x10112x16xf32, #tpu.memory_space<hbm>> -> memref<1x158x16xf32, #tpu.memory_space<hbm>>
      %dma_wait3A_635 = tpu.memref_squeeze %dma_wait3A_634 : memref<1x158x16xf32, #tpu.memory_space<hbm>> -> memref<158x16xf32, #tpu.memory_space<hbm>>
      %dma_wait3A_636 = arith.constant 0 : i32
      %dma_wait3A_637 = tpu.memref_slice %arg5[%arg0, %add3A_624, %dma_wait3A_636] : memref<2x10112x16xf32, #tpu.memory_space<hbm>> -> memref<1x158x16xf32, #tpu.memory_space<hbm>>
      %dma_wait3A_638 = tpu.memref_squeeze %dma_wait3A_637 : memref<1x158x16xf32, #tpu.memory_space<hbm>> -> memref<158x16xf32, #tpu.memory_space<hbm>>
      tpu.wait_dma2 semaphore(%run_scoped3A : memref<!tpu.dma_semaphore, #tpu.memory_space<semaphore_mem>>) src(%arg9 : memref<158x16xf32, #tpu.memory_space<vmem>>) dst(%dma_wait3A_638 : memref<158x16xf32, #tpu.memory_space<hbm>>)
      tpu.yield
    }) : () -> ()
    %add3A_625 = arith.constant 474 : i32
    %add3A_626 = arith.addi %multiple_of3A, %add3A_625 : i32
    "tpu.region"() ({
      %run_scoped3A = tpu.sem_alloc : memref<!tpu.dma_semaphore, #tpu.memory_space<semaphore_mem>>
      %dma_start3A_627 = arith.constant 0 : i32
      %dma_start3A_628 = tpu.memref_slice %arg6[%add3A_626, %dma_start3A_627] : memref<10112x64xf32, #tpu.memory_space<vmem_shared>> -> memref<158x64xf32, #tpu.memory_space<vmem_shared>>
      %dma_start3A_629 = arith.constant 0 : i32
      %dma_start3A_630 = tpu.memref_slice %arg6[%add3A_626, %dma_start3A_629] : memref<10112x64xf32, #tpu.memory_space<vmem_shared>> -> memref<158x64xf32, #tpu.memory_space<vmem_shared>>
      tpu.enqueue_dma source(%dma_start3A_630 : memref<158x64xf32, #tpu.memory_space<vmem_shared>>) target(%arg8 : memref<158x64xf32, #tpu.memory_space<vmem>>) target_semaphore(%run_scoped3A : memref<!tpu.dma_semaphore, #tpu.memory_space<semaphore_mem>>)
      %dma_wait3A_631 = arith.constant 0 : i32
      %dma_wait3A_632 = tpu.memref_slice %arg6[%add3A_626, %dma_wait3A_631] : memref<10112x64xf32, #tpu.memory_space<vmem_shared>> -> memref<158x64xf32, #tpu.memory_space<vmem_shared>>
      %dma_wait3A_633 = arith.constant 0 : i32
      %dma_wait3A_634 = tpu.memref_slice %arg6[%add3A_626, %dma_wait3A_633] : memref<10112x64xf32, #tpu.memory_space<vmem_shared>> -> memref<158x64xf32, #tpu.memory_space<vmem_shared>>
      tpu.wait_dma2 semaphore(%run_scoped3A : memref<!tpu.dma_semaphore, #tpu.memory_space<semaphore_mem>>) src(%dma_wait3A_634 : memref<158x64xf32, #tpu.memory_space<vmem_shared>>) dst(%arg8 : memref<158x64xf32, #tpu.memory_space<vmem>>)
      tpu.yield
    }) : () -> ()
    "tpu.region"() ({
      %run_scoped3A = tpu.sem_alloc : memref<!tpu.dma_semaphore, #tpu.memory_space<semaphore_mem>>
      %dma_start3A_627 = arith.constant 0 : i32
      %dma_start3A_628 = tpu.memref_slice %arg4[%arg0, %add3A_626, %dma_start3A_627] : memref<2x10112x64xf32, #tpu.memory_space<hbm>> -> memref<1x158x64xf32, #tpu.memory_space<hbm>>
      %dma_start3A_629 = tpu.memref_squeeze %dma_start3A_628 : memref<1x158x64xf32, #tpu.memory_space<hbm>> -> memref<158x64xf32, #tpu.memory_space<hbm>>
      %dma_start3A_630 = arith.constant 0 : i32
      %dma_start3A_631 = tpu.memref_slice %arg4[%arg0, %add3A_626, %dma_start3A_630] : memref<2x10112x64xf32, #tpu.memory_space<hbm>> -> memref<1x158x64xf32, #tpu.memory_space<hbm>>
      %dma_start3A_632 = tpu.memref_squeeze %dma_start3A_631 : memref<1x158x64xf32, #tpu.memory_space<hbm>> -> memref<158x64xf32, #tpu.memory_space<hbm>>
      tpu.enqueue_dma source(%arg8 : memref<158x64xf32, #tpu.memory_space<vmem>>) target(%dma_start3A_632 : memref<158x64xf32, #tpu.memory_space<hbm>>) target_semaphore(%run_scoped3A : memref<!tpu.dma_semaphore, #tpu.memory_space<semaphore_mem>>)
      %dma_wait3A_633 = arith.constant 0 : i32
      %dma_wait3A_634 = tpu.memref_slice %arg4[%arg0, %add3A_626, %dma_wait3A_633] : memref<2x10112x64xf32, #tpu.memory_space<hbm>> -> memref<1x158x64xf32, #tpu.memory_space<hbm>>
      %dma_wait3A_635 = tpu.memref_squeeze %dma_wait3A_634 : memref<1x158x64xf32, #tpu.memory_space<hbm>> -> memref<158x64xf32, #tpu.memory_space<hbm>>
      %dma_wait3A_636 = arith.constant 0 : i32
      %dma_wait3A_637 = tpu.memref_slice %arg4[%arg0, %add3A_626, %dma_wait3A_636] : memref<2x10112x64xf32, #tpu.memory_space<hbm>> -> memref<1x158x64xf32, #tpu.memory_space<hbm>>
      %dma_wait3A_638 = tpu.memref_squeeze %dma_wait3A_637 : memref<1x158x64xf32, #tpu.memory_space<hbm>> -> memref<158x64xf32, #tpu.memory_space<hbm>>
      tpu.wait_dma2 semaphore(%run_scoped3A : memref<!tpu.dma_semaphore, #tpu.memory_space<semaphore_mem>>) src(%arg8 : memref<158x64xf32, #tpu.memory_space<vmem>>) dst(%dma_wait3A_638 : memref<158x64xf32, #tpu.memory_space<hbm>>)
      tpu.yield
    }) : () -> ()
    "tpu.region"() ({
      %run_scoped3A = tpu.sem_alloc : memref<!tpu.dma_semaphore, #tpu.memory_space<semaphore_mem>>
      %dma_start3A_627 = arith.constant 0 : i32
      %dma_start3A_628 = tpu.memref_slice %arg7[%add3A_626, %dma_start3A_627] : memref<10112x16xf32, #tpu.memory_space<vmem_shared>> -> memref<158x16xf32, #tpu.memory_space<vmem_shared>>
      %dma_start3A_629 = arith.constant 0 : i32
      %dma_start3A_630 = tpu.memref_slice %arg7[%add3A_626, %dma_start3A_629] : memref<10112x16xf32, #tpu.memory_space<vmem_shared>> -> memref<158x16xf32, #tpu.memory_space<vmem_shared>>
      tpu.enqueue_dma source(%dma_start3A_630 : memref<158x16xf32, #tpu.memory_space<vmem_shared>>) target(%arg9 : memref<158x16xf32, #tpu.memory_space<vmem>>) target_semaphore(%run_scoped3A : memref<!tpu.dma_semaphore, #tpu.memory_space<semaphore_mem>>)
      %dma_wait3A_631 = arith.constant 0 : i32
      %dma_wait3A_632 = tpu.memref_slice %arg7[%add3A_626, %dma_wait3A_631] : memref<10112x16xf32, #tpu.memory_space<vmem_shared>> -> memref<158x16xf32, #tpu.memory_space<vmem_shared>>
      %dma_wait3A_633 = arith.constant 0 : i32
      %dma_wait3A_634 = tpu.memref_slice %arg7[%add3A_626, %dma_wait3A_633] : memref<10112x16xf32, #tpu.memory_space<vmem_shared>> -> memref<158x16xf32, #tpu.memory_space<vmem_shared>>
      tpu.wait_dma2 semaphore(%run_scoped3A : memref<!tpu.dma_semaphore, #tpu.memory_space<semaphore_mem>>) src(%dma_wait3A_634 : memref<158x16xf32, #tpu.memory_space<vmem_shared>>) dst(%arg9 : memref<158x16xf32, #tpu.memory_space<vmem>>)
      tpu.yield
    }) : () -> ()
    "tpu.region"() ({
      %run_scoped3A = tpu.sem_alloc : memref<!tpu.dma_semaphore, #tpu.memory_space<semaphore_mem>>
      %dma_start3A_627 = arith.constant 0 : i32
      %dma_start3A_628 = tpu.memref_slice %arg5[%arg0, %add3A_626, %dma_start3A_627] : memref<2x10112x16xf32, #tpu.memory_space<hbm>> -> memref<1x158x16xf32, #tpu.memory_space<hbm>>
      %dma_start3A_629 = tpu.memref_squeeze %dma_start3A_628 : memref<1x158x16xf32, #tpu.memory_space<hbm>> -> memref<158x16xf32, #tpu.memory_space<hbm>>
      %dma_start3A_630 = arith.constant 0 : i32
      %dma_start3A_631 = tpu.memref_slice %arg5[%arg0, %add3A_626, %dma_start3A_630] : memref<2x10112x16xf32, #tpu.memory_space<hbm>> -> memref<1x158x16xf32, #tpu.memory_space<hbm>>
      %dma_start3A_632 = tpu.memref_squeeze %dma_start3A_631 : memref<1x158x16xf32, #tpu.memory_space<hbm>> -> memref<158x16xf32, #tpu.memory_space<hbm>>
      tpu.enqueue_dma source(%arg9 : memref<158x16xf32, #tpu.memory_space<vmem>>) target(%dma_start3A_632 : memref<158x16xf32, #tpu.memory_space<hbm>>) target_semaphore(%run_scoped3A : memref<!tpu.dma_semaphore, #tpu.memory_space<semaphore_mem>>)
      %dma_wait3A_633 = arith.constant 0 : i32
      %dma_wait3A_634 = tpu.memref_slice %arg5[%arg0, %add3A_626, %dma_wait3A_633] : memref<2x10112x16xf32, #tpu.memory_space<hbm>> -> memref<1x158x16xf32, #tpu.memory_space<hbm>>
      %dma_wait3A_635 = tpu.memref_squeeze %dma_wait3A_634 : memref<1x158x16xf32, #tpu.memory_space<hbm>> -> memref<158x16xf32, #tpu.memory_space<hbm>>
      %dma_wait3A_636 = arith.constant 0 : i32
      %dma_wait3A_637 = tpu.memref_slice %arg5[%arg0, %add3A_626, %dma_wait3A_636] : memref<2x10112x16xf32, #tpu.memory_space<hbm>> -> memref<1x158x16xf32, #tpu.memory_space<hbm>>
      %dma_wait3A_638 = tpu.memref_squeeze %dma_wait3A_637 : memref<1x158x16xf32, #tpu.memory_space<hbm>> -> memref<158x16xf32, #tpu.memory_space<hbm>>
      tpu.wait_dma2 semaphore(%run_scoped3A : memref<!tpu.dma_semaphore, #tpu.memory_space<semaphore_mem>>) src(%arg9 : memref<158x16xf32, #tpu.memory_space<vmem>>) dst(%dma_wait3A_638 : memref<158x16xf32, #tpu.memory_space<hbm>>)
      tpu.yield
    }) : () -> ()
    return
  }
}

module attributes {stable_mosaic.version = 14 : i64} {
  func.func @_tc_self_body(%arg0: i32, %arg1: memref<400x128xf32, #tpu.memory_space<vmem>>, %arg2: memref<128x128xf32, #tpu.memory_space<vmem>>, %arg3: memref<1x128xf32, #tpu.memory_space<vmem>>, %arg4: memref<400x128xf32, #tpu.memory_space<vmem>>) attributes {dimension_semantics = [#tpu.dimension_semantics<arbitrary>], iteration_bounds = array<i64: 25>, scalar_prefetch = 0 : i64, scratch_operands = 0 : i64, tpu.core_type = #tpu.core_type<tc>, window_params = [{transform_indices = @transform_0, window_bounds = array<i64: 400, 128>}, {pipeline_mode = #tpu.pipeline_mode<synchronous>, transform_indices = @transform_1, window_bounds = array<i64: 128, 128>}, {pipeline_mode = #tpu.pipeline_mode<synchronous>, transform_indices = @transform_2, window_bounds = array<i64: 1, 128>}, {transform_indices = @transform_3, window_bounds = array<i64: 400, 128>}]} {
    %get3A = arith.constant 0 : index
    %get3A_0 = arith.constant 0 : index
    %get3A_1 = vector.load %arg1[%get3A, %get3A_0] : memref<400x128xf32, #tpu.memory_space<vmem>>, vector<400x128xf32>
    %get3A_2 = arith.constant 0 : index
    %get3A_3 = arith.constant 0 : index
    %get3A_4 = vector.load %arg2[%get3A_2, %get3A_3] : memref<128x128xf32, #tpu.memory_space<vmem>>, vector<128x128xf32>
    %dot_general3A = arith.constant dense<0.000000e+00> : vector<400x128xf32>
    %dot_general3A_5 = tpu.matmul %get3A_1, %get3A_4, %dot_general3A {dimension_numbers = #tpu.dot_dimension_numbers<[1], [1], [0], [0], [0, 0, 1, 0], [], []>, transpose_lhs_hint = false} : vector<400x128xf32>, vector<128x128xf32>, vector<400x128xf32> -> vector<400x128xf32>
    %get3A_6 = arith.constant 0 : index
    %get3A_7 = arith.constant 0 : index
    %get3A_8 = vector.load %arg3[%get3A_6, %get3A_7] : memref<1x128xf32, #tpu.memory_space<vmem>>, vector<1x128xf32>
    %add3A = vector.broadcast %get3A_8 : vector<1x128xf32> to vector<400x128xf32>
    %add3A_9 = arith.addf %dot_general3A_5, %add3A : vector<400x128xf32>
    %swap3A = arith.constant 0 : index
    %swap3A_10 = arith.constant 0 : index
    %swap3A_11 = vector.load %arg4[%swap3A, %swap3A_10] : memref<400x128xf32, #tpu.memory_space<vmem>>, vector<400x128xf32>
    tpu.vector_store %arg4[%swap3A, %swap3A_10], %add3A_9 {strides = array<i32>} : memref<400x128xf32, #tpu.memory_space<vmem>>, vector<400x128xf32>,
    return
  }
  func.func @transform_0(%arg0: i32) -> (i32, i32) {
    %c0_i32 = arith.constant 0 : i32
    %c0_i32_0 = arith.constant 0 : i32
    return %arg0, %c0_i32 : i32, i32
  }
  func.func @transform_1(%arg0: i32) -> (i32, i32) {
    %c0_i32 = arith.constant 0 : i32
    %c0_i32_0 = arith.constant 0 : i32
    %c0_i32_1 = arith.constant 0 : i32
    return %c0_i32, %c0_i32_0 : i32, i32
  }
  func.func @transform_2(%arg0: i32) -> (i32, i32) {
    %c0_i32 = arith.constant 0 : i32
    %c0_i32_0 = arith.constant 0 : i32
    %c0_i32_1 = arith.constant 0 : i32
    return %c0_i32, %c0_i32_0 : i32, i32
  }
  func.func @transform_3(%arg0: i32) -> (i32, i32) {
    %c0_i32 = arith.constant 0 : i32
    %c0_i32_0 = arith.constant 0 : i32
    return %arg0, %c0_i32 : i32, i32
  }
}

module attributes {stable_mosaic.version = 14 : i64} {
  func.func @_tc_body(%arg0: i32, %arg1: memref<2x400x64xf32, #tpu.memory_space<vmem>>, %arg2: memref<2x400x16xf32, #tpu.memory_space<vmem>>, %arg3: memref<400x128xf32, #tpu.memory_space<vmem>>, %arg4: memref<128x128xf32, #tpu.memory_space<vmem>>, %arg5: memref<400x128xf32, #tpu.memory_space<vmem>>) attributes {dimension_semantics = [#tpu.dimension_semantics<arbitrary>], iteration_bounds = array<i64: 25>, scalar_prefetch = 0 : i64, scratch_operands = 0 : i64, tpu.core_type = #tpu.core_type<tc>, window_params = [{transform_indices = @transform_0, window_bounds = array<i64: 2, 400, 64>}, {transform_indices = @transform_1, window_bounds = array<i64: 2, 400, 16>}, {transform_indices = @transform_2, window_bounds = array<i64: 400, 128>}, {pipeline_mode = #tpu.pipeline_mode<synchronous>, transform_indices = @transform_3, window_bounds = array<i64: 128, 128>}, {transform_indices = @transform_4, window_bounds = array<i64: 400, 128>}]} {
    %get3A = arith.constant 0 : index
    %get3A_0 = arith.constant 0 : index
    %get3A_1 = arith.constant 0 : index
    %get3A_2 = vector.load %arg1[%get3A, %get3A_0, %get3A_1] : memref<2x400x64xf32, #tpu.memory_space<vmem>>, vector<1x400x64xf32>
    %get3A_3 = vector.shape_cast %get3A_2 : vector<1x400x64xf32> to vector<400x64xf32>
    %get3A_4 = arith.constant 1 : index
    %get3A_5 = arith.constant 0 : index
    %get3A_6 = arith.constant 0 : index
    %get3A_7 = vector.load %arg1[%get3A_4, %get3A_5, %get3A_6] : memref<2x400x64xf32, #tpu.memory_space<vmem>>, vector<1x400x64xf32>
    %get3A_8 = vector.shape_cast %get3A_7 : vector<1x400x64xf32> to vector<400x64xf32>
    %concatenate3A = tpu.concatenate %get3A_3, %get3A_8 in 1 : vector<400x64xf32>, vector<400x64xf32> -> vector<400x128xf32>
    %get3A_9 = arith.constant 0 : index
    %get3A_10 = arith.constant 0 : index
    %get3A_11 = arith.constant 0 : index
    %get3A_12 = vector.load %arg2[%get3A_9, %get3A_10, %get3A_11] : memref<2x400x16xf32, #tpu.memory_space<vmem>>, vector<1x400x1xf32>
    %get3A_13 = vector.shape_cast %get3A_12 : vector<1x400x1xf32> to vector<400x1xf32>
    %get3A_14 = arith.constant 1 : index
    %get3A_15 = arith.constant 0 : index
    %get3A_16 = arith.constant 0 : index
    %get3A_17 = vector.load %arg2[%get3A_14, %get3A_15, %get3A_16] : memref<2x400x16xf32, #tpu.memory_space<vmem>>, vector<1x400x1xf32>
    %get3A_18 = vector.shape_cast %get3A_17 : vector<1x400x1xf32> to vector<400x1xf32>
    %add3A = arith.addf %get3A_13, %get3A_18 : vector<400x1xf32>
    %max3A = arith.constant 1.000000e+00 : f32
    %max3A_19 = vector.broadcast %max3A : f32 to vector<400x1xf32>
    %max3A_20 = arith.maximumf %add3A, %max3A_19 : vector<400x1xf32>
    %div3A = arith.constant 1.000000e+00 : f32
    %div3A_21 = vector.broadcast %div3A : f32 to vector<400x1xf32>
    %div3A_22 = arith.divf %div3A_21, %max3A_20 : vector<400x1xf32>
    %mul3A = vector.broadcast %div3A_22 : vector<400x1xf32> to vector<400x128xf32>
    %mul3A_23 = arith.mulf %concatenate3A, %mul3A : vector<400x128xf32>
    %get3A_24 = arith.constant 0 : index
    %get3A_25 = arith.constant 0 : index
    %get3A_26 = vector.load %arg4[%get3A_24, %get3A_25] : memref<128x128xf32, #tpu.memory_space<vmem>>, vector<128x128xf32>
    %dot_general3A = arith.constant dense<0.000000e+00> : vector<400x128xf32>
    %dot_general3A_27 = tpu.matmul %mul3A_23, %get3A_26, %dot_general3A {dimension_numbers = #tpu.dot_dimension_numbers<[1], [1], [0], [0], [0, 0, 1, 0], [], []>, transpose_lhs_hint = false} : vector<400x128xf32>, vector<128x128xf32>, vector<400x128xf32> -> vector<400x128xf32>
    %get3A_28 = arith.constant 0 : index
    %get3A_29 = arith.constant 0 : index
    %get3A_30 = vector.load %arg3[%get3A_28, %get3A_29] : memref<400x128xf32, #tpu.memory_space<vmem>>, vector<400x128xf32>
    %add3A_31 = arith.addf %dot_general3A_27, %get3A_30 : vector<400x128xf32>
    %swap3A = arith.constant 0 : index
    %swap3A_32 = arith.constant 0 : index
    %swap3A_33 = vector.load %arg5[%swap3A, %swap3A_32] : memref<400x128xf32, #tpu.memory_space<vmem>>, vector<400x128xf32>
    tpu.vector_store %arg5[%swap3A, %swap3A_32], %add3A_31 {strides = array<i32>} : memref<400x128xf32, #tpu.memory_space<vmem>>, vector<400x128xf32>,
    return
  }
  func.func @transform_0(%arg0: i32) -> (i32, i32, i32) {
    %c0_i32 = arith.constant 0 : i32
    %c0_i32_0 = arith.constant 0 : i32
    %c0_i32_1 = arith.constant 0 : i32
    return %c0_i32, %arg0, %c0_i32_0 : i32, i32, i32
  }
  func.func @transform_1(%arg0: i32) -> (i32, i32, i32) {
    %c0_i32 = arith.constant 0 : i32
    %c0_i32_0 = arith.constant 0 : i32
    %c0_i32_1 = arith.constant 0 : i32
    return %c0_i32, %arg0, %c0_i32_0 : i32, i32, i32
  }
  func.func @transform_2(%arg0: i32) -> (i32, i32) {
    %c0_i32 = arith.constant 0 : i32
    %c0_i32_0 = arith.constant 0 : i32
    return %arg0, %c0_i32 : i32, i32
  }
  func.func @transform_3(%arg0: i32) -> (i32, i32) {
    %c0_i32 = arith.constant 0 : i32
    %c0_i32_0 = arith.constant 0 : i32
    %c0_i32_1 = arith.constant 0 : i32
    return %c0_i32, %c0_i32_0 : i32, i32
  }
  func.func @transform_4(%arg0: i32) -> (i32, i32) {
    %c0_i32 = arith.constant 0 : i32
    %c0_i32_0 = arith.constant 0 : i32
    return %arg0, %c0_i32 : i32, i32
  }
}

</mosaic_0001>

<sc_bundles>
// kernel: kernel.5.cloned.1.call-start
scs
__scs_entry_jumppad:
0x0: {  	(pc) =	sbr.rel $0x88, $3  }
0x1: {  	(tag) =	ssettag $0x0;
	lr =	simm.s32 $0x1  }
0x2: {  	[smem:$0x3F9C] =	sst lr;
	_ =	strace $0xD0000000  }
0x3: {  	_ = 	snop  }
0x4: {  	_ = 	snop  }
0x5: {  	_ = 	snop  }
0x6: {  	_ = 	snop  }
0x7: {  	_ = 	snop  }
__scs_overlays_trampoline_lowered:
0x8: {  	[smem:$0x3FAB] =	sst s0  }
0x9: {  	[smem:$0x3FAC] =	sst s1  }
0xa: {  	[smem:$0x3FAD] =	sst s2  }
0xb: {  	[smem:$0x3FAE] =	sst s3  }
0xc: {  	[smem:$0x3FAF] =	sst s4  }
0xd: {  	[smem:$0x3FB0] =	sst s5  }
0xe: {  	[smem:$0x3FB1] =	sst s6  }
0xf: {  	[smem:$0x3FB2] =	sst s7  }
0x10: {  	[smem:$0x3FB3] =	sst s8  }
0x11: {  	[smem:$0x3FB4] =	sst s9;
	s0 =	simm.s32 @!p0 $0x0  }
0x12: {  	s1 =	sld [smem:$0x3F9A];
	s0 =	simm.s32 @p0 $0x1  }
0x13: {  	[smem:$0x3FB5] =	sst s0;
	s0 =	simm.s32 @!p1 $0x0  }
0x14: {  	s2 =	sld [smem:$0x3F99];
	s0 =	simm.s32 @p1 $0x1  }
0x15: {  	[smem:$0x3FB6] =	sst s0;
	s0 =	simm.s32 @!p2 $0x0  }
0x16: {  	s3 =	sld [smem:$0x3FDB];
	s0 =	simm.s32 @p2 $0x1  }
0x17: {  	s4 =	simm.s32 $0x1BF5;
	[smem:$0x3FB8] =	sst s0  }
0x18: {  	s0 =	sld [smem:$0x3F9B];
	_ =	swait.ge [sflag:s4], $0x0  }
0x19: {  	s7 =	sld [smem:$0x3F9C]  }
0x1a: {  	s8 =	sadd.s32 $0xFFFFE003, lr  }
0x1b: {  	s9 =	sadd.s32 $0xFFFFFEF7, lr;
	s5 =	simm.s32 $0xFFFFFFFF;
	p2 =	slt.u32 s8, $0xFFFFF086  }
0x1c: {  	p1 =	slt.u32 s9, $0xF7A;
	s5 =	simm.s32 @!p2 $0x0  }
0x1d: {  	s5 =	simm.s32 @p1 $0x1;
	p0 =	seq.s32 s7, s2  }
0x1e: {  	s7 =	smul.u32 @!p0 $0xF7A, s2;
	p2 =	seq.s32 @!p0 s5, $0x0  }
0x1f: {  	s9 =	smul.u32 $0xF7A, s1;
	s8 =	simm.s32 @!p0 $0x1BF5;
	p2 =	por !p2, p0  }
0x20: {  	[sflag:s8] =	ssyncset.s32 @!p0 $0xFFFFF086;
	s6 =	sadd.s32 @!p0 s3, s7;
	s7 =	simm.s32 @!p0 $0x108  }
0x21: {  	s3 =	sadd.s32 s3, s9;
	s6 =	sadd.s32 @!p0 $0x88, s6;
	s7 =	simm.s32 @p2 $0x1082  }
0x22: {  	[simem:s7], [sflag:s8] =	dma.local @!p0 [hbm:s6], $0xF7A  }
0x23: {  	s9 =	sor.u32 $0xD0000000, s2;
	s6 =	simm.s32 $0x108;
	_ =	swait.ge @!p0 [sflag:s8], $0x0  }
0x24: {  	s3 =	sadd.s32 $0x88, s3;
	s6 =	simm.s32 @!p1 $0x1082;
	[sflag:s4] =	ssyncset.s32 $0xFFFFF086  }
0x25: {  	[simem:s6], [sflag:s4] =	dma.local [hbm:s3], $0xF7A  }
0x26: {  	[smem:$0x3F9C] =	sst s1;
	(tag) =	ssettag s2;
	_ =	strace s9  }
0x27: {  	s1 =	sld [smem:$0x3FAC]  }
0x28: {  	s2 =	sld [smem:$0x3FAD]  }
0x29: {  	s4 =	sld [smem:$0x3FAF]  }
0x2a: {  	p0 =	seq.s32 s5, $0x0;
	s5 =	sld [smem:$0x3FB0]  }
0x2b: {  	s6 =	sld [smem:$0x3FB1]  }
0x2c: {  	s7 =	sld [smem:$0x3FB2]  }
0x2d: {  	s3 =	simm.s32 $0x108;
	s8 =	sld [smem:$0x3FB3]  }
0x2e: {  	s3 =	simm.s32 @!p0 $0x1082;
	s9 =	sld [smem:$0x3FB4]  }
0x2f: {  	lr =	sadd.s32 s0, s3;
	s0 =	sld [smem:$0x3FAB]  }
0x30: {  	s3 =	sld [smem:$0x3FAE]  }
0x31: {  	[smem:$0x3FB7] =	sst s10  }
0x32: {  	s10 =	sld [smem:$0x3FB5];
	_ =	sdelay $0x3  }
0x33: {  	p0 =	seq.s32 s10, $0x1;
	s10 =	sld [smem:$0x3FB7];
	_ =	sdelay $0x3  }
0x34: {  	[smem:$0x3FB7] =	sst s10  }
0x35: {  	s10 =	sld [smem:$0x3FB6];
	_ =	sdelay $0x3  }
0x36: {  	p1 =	seq.s32 s10, $0x1;
	s10 =	sld [smem:$0x3FB7];
	_ =	sdelay $0x3  }
0x37: {  	[smem:$0x3FB7] =	sst s10  }
0x38: {  	s10 =	sld [smem:$0x3FB8]  }
0x39: {  	_ = 	snop;
	(pc) =	sbr.ind lr, $3  }
0x3a: {  	_ = 	snop  }
0x3b: {  	_ = 	snop  }
0x3c: {  	p2 =	seq.s32 s10, $0x1;
	s10 =	sld [smem:$0x3FB7]  }
0x3d: {  	_ =	shalt  }
0x3e: {  	_ =	shalt  }
0x3f: {  	_ =	shalt  }
0x40: {  	_ =	shalt  }
0x41: {  	_ =	shalt  }
0x42: {  	_ =	shalt  }
0x43: {  	_ =	shalt  }
0x44: {  	_ =	shalt  }
0x45: {  	_ =	shalt  }
0x46: {  	_ =	shalt  }
0x47: {  	_ =	shalt  }
0x48: {  	_ =	shalt  }
0x49: {  	_ =	shalt  }
0x4a: {  	_ =	shalt  }
0x4b: {  	_ =	shalt  }
0x4c: {  	_ =	shalt  }
0x4d: {  	_ =	shalt  }
0x4e: {  	_ =	shalt  }
0x4f: {  	_ =	shalt  }
0x50: {  	_ =	shalt  }
0x51: {  	_ =	shalt  }
0x52: {  	_ =	shalt  }
0x53: {  	_ =	shalt  }
0x54: {  	_ =	shalt  }
0x55: {  	_ =	shalt  }
0x56: {  	_ =	shalt  }
0x57: {  	_ =	shalt  }
0x58: {  	_ =	shalt  }
0x59: {  	_ =	shalt  }
0x5a: {  	_ =	shalt  }
0x5b: {  	_ =	shalt  }
0x5c: {  	_ =	shalt  }
0x5d: {  	_ =	shalt  }
0x5e: {  	_ =	shalt  }
0x5f: {  	_ =	shalt  }
0x60: {  	_ =	shalt  }
0x61: {  	_ =	shalt  }
0x62: {  	_ =	shalt  }
0x63: {  	_ =	shalt  }
0x64: {  	_ =	shalt  }
0x65: {  	_ =	shalt  }
0x66: {  	_ =	shalt  }
0x67: {  	_ =	shalt  }
0x68: {  	_ =	shalt  }
0x69: {  	_ =	shalt  }
0x6a: {  	_ =	shalt  }
0x6b: {  	_ =	shalt  }
0x6c: {  	_ =	shalt  }
0x6d: {  	_ =	shalt  }
0x6e: {  	_ =	shalt  }
0x6f: {  	_ =	shalt  }
0x70: {  	_ =	shalt  }
0x71: {  	_ =	shalt  }
0x72: {  	_ =	shalt  }
0x73: {  	_ =	shalt  }
0x74: {  	_ =	shalt  }
0x75: {  	_ =	shalt  }
0x76: {  	_ =	shalt  }
0x77: {  	_ =	shalt  }
0x78: {  	_ =	shalt  }
0x79: {  	_ =	shalt  }
0x7a: {  	_ =	shalt  }
0x7b: {  	_ =	shalt  }
0x7c: {  	_ =	shalt  }
0x7d: {  	_ =	shalt  }
0x7e: {  	_ =	shalt  }
0x7f: {  	_ =	shalt  }
0x80: {  	_ =	shalt  }
0x81: {  	_ =	shalt  }
0x82: {  	_ =	shalt  }
0x83: {  	_ =	shalt  }
0x84: {  	_ =	shalt  }
0x85: {  	_ =	shalt  }
0x86: {  	_ =	shalt  }
0x87: {  	_ =	shalt  }
.Lfunc_end0:
.L_simem_size_0:
called_computation_lowered:
.L_overlay_start_0:
0x88: {  	s2 =	sld [smem:$0x3FD9]  }
0x89: {  	s3 =	sld [smem:$0x3FFE];
	_ =	sdelay $0x1  }
0x8a: {  	s1 =	srdreg.scid  }
0x8b: {  	s0 =	sand.u32 $0x1, s1  }
0x8c: {  	s17 =	sshll.u32 s0, $0xA;
	s2 =	sadd.s32 s3, s2  }
0x8d: {  	s2 =	sadd.s32 s2, s17  }
0x8e: {  	[smem:$0x3FC3] =	sst s2  }
0x8f: {  	_ = 	snop  }
0x90: {  	s2 =	sld [smem:$0x3FC9]  }
0x91: {  	s18 =	sld [smem:$0x3FD0];
	(tm) =	ssettm $0x1  }
0x92: {  	s4 =	sld [smem:$0x3FFB];
	_ =	sdelay $0x3  }
0x93: {  	_ =	strace s4  }
0x94: {  	s4 =	sld [smem:$0x3FFC];
	_ =	sdelay $0x3  }
0x95: {  	_ =	strace s4  }
0x96: {  	s4 =	sld [smem:$0x3FFD];
	_ =	sdelay $0x3  }
0x97: {  	_ =	strace s4  }
0x98: {  	_ =	strace $0x8FFFFFFF  }
0x99: {  	s19 =	sld [smem:$0x3FDB];
	_ =	sdelay $0x1  }
0x9a: {  	s5 =	simm.s32 $_scs_section_size  }
0x9b: {  	s6 =	simm.s32 $_size__tile_overlayer_lowered;
	s7 =	simm.s32 $_tile_overlayer_lowered  }
0x9c: {  	s22 =	simm.s32 $0x1BFF;
	s21 =	sshll.u32 s7, $0x1;
	s4 =	sadd.s32 s5, s19  }
0x9d: {  	s8 =	simm.s32 $0x0;
	s20 =	sshll.u32 s6, $0x1;
	s6 =	sadd.s32 s21, s4  }
0x9e: {  	[timem:s8], [sflag:s22] =	dma.local [hbm:s6], s20  }
0x9f: {  	_ =	swait.ge [sflag:s22], s20  }
0xa0: {  	s5 =	ssub.s32 $0x0, s20;
	[sflag:s22] =	ssyncset.done $0x0  }
0xa1: {  	[sflag:s22] =	ssyncadd.s32 s5;
	_ =	sdelay $0x1  }
0xa2: {  	s23 =	simm.s32 $0x1B8B  }
0xa3: {  	_ =	swait.ge [sflag:s23], $0x1  }
0xa4: {  	[sflag:s23] =	ssyncset.done $0x0  }
0xa5: {  	s25 =	simm.s32 $0x1B8E;
	s24 =	sld [smem:$0x3FFE];
	[sflag:s23] =	ssyncadd.s32 $0xFFFFFFFF  }
0xa6: {  	s26 =	simm.s32 $execute0_lowered;
	[smem:$0x3FD2] =	sst s25  }
0xa7: {  	s6 =	sshll.u32 s26, $0x1;
	_ =	strace $0x80000046;
	[dreg:$0x1] =	wrdreg $0xFFFFFFFF  }
0xa8: {  	s28 =	simm.s32 $_size_execute0_lowered;
	s4 =	sadd.s32 s4, s6;
	[dreg:$0x0] =	wrdreg $0x0  }
0xa9: {  	s6 =	sshll.u32 s28, $0x1;
	[dreg:$0x2] =	wrdreg s4  }
0xaa: {  	[dreg:$0x3] =	wrdreg s6  }
0xab: {  	[dreg:$0x4] =	wrdreg $0xC0  }
0xac: {  	_ =	task [dreg:s8], $0x5FFFF  }
0xad: {  	[dreg:$0x1] =	wrdreg $0xFFFFFFFF  }
0xae: {  	[dreg:$0x0] =	wrdreg $0x60  }
0xaf: {  	[dreg:$0x2] =	wrdreg s2  }
0xb0: {  	[dreg:$0x3] =	wrdreg s18  }
0xb1: {  	[dreg:$0x4] =	wrdreg s24  }
0xb2: {  	[dreg:$0x5] =	wrdreg $0x0  }
0xb3: {  	[dreg:$0x6] =	wrdreg $0x9E000  }
0xb4: {  	[dreg:$0x7] =	wrdreg $0x9  }
0xb5: {  	_ =	task.clear_ibuf [dreg:s8], $0x8FFFF;
	_ =	strace $0x90000046  }
0xb6: {  	s29 =	simm.s32 $0x9;
	_ =	strace $0x80000048  }
0xb7: {  	_ =	swait.ge [sflag:s29], $0x1  }
0xb8: {  	[sflag:s29] =	ssyncadd.s32 $0xFFFFFFFF  }
0xb9: {  	_ =	strace $0x90000048  }
0xba: {  	_ =	sfence  }
0xbb: {  	s30 =	sld [smem:$0x0];
	_ =	sdelay $0x2  }
0xbc: {  	s31 =	sshll.u32 s1, $0xD;
	s1 =	sshrl.u32 s1, $0x2  }
0xbd: {  	s3 =	sand.u32 $0x4000, s31;
	s1 =	sadd.s32 s1, s30  }
0xbe: {  	s0 =	sor.u32 s3, s0;
	s1 =	sshll.u32 s1, $0x11  }
0xbf: {  	s0 =	sor.u32 s1, s0  }
0xc0: {  	s0 =	sadd.s32 $0x8F2B, s0  }
0xc1: {  	[sflag:s0] =	ssyncadd.remote.s32 $0x1  }
0xc2: {  	_ =	sfence.sel $0xFFFF  }
0xc3: {  	[dreg:$0x0] =	wrdreg $0xFFFFFFFF;
	(pc) =	sbr.abs _section_cstart, $3  }
0xc4: {  	[dreg:$0x1] =	wrdreg $0xFFFFFFFF  }
0xc5: {  	_ =	task.clear_ibuf [dreg:s8], $0x2FFFF;
	_ =	strace $0x9FFFFFFF  }
0xc6: {  	(tm) =	ssettm $0x7FFFFFFF  }
0xc7: {  	_ =	shalt  }
tec
execute0_lowered:
.L_overlay_start_1:
0x0: {  	(tag) =	ssettag $0x1  }
0x1: {  	s0 =	rddreg [dreg:$0x0]  }
0x2: {  	s3 =	rddreg [dreg:$0x1]  }
0x3: {  	s5 =	rddreg [dreg:$0x2]  }
0x4: {  	s1 =	rddreg [dreg:$0x3]  }
0x5: {  	s2 =	rddreg [dreg:$0x4]  }
0x6: {  	s4 =	simm.s32 $0x0;
	s6 =	srdreg.scid;
	s12 =	stileid.u32  }
0x7: {  	s28 =	simm.s32 $0x15;
	[smem:$0x7FF] =	sst s4;
	s8 =	smul.u32 $0x5000, s12  }
0x8: {  	s7 =	sand.u32 $0x1, s6;
	s9 =	sadd.s32 $0x1800, s5;
	s11 =	smul.u32 $0x278, s12  }
0x9: {  	s5 =	sadd.s32 $0x29000, s5;
	_ =	strace $0x80000047;
	s6 =	ssub.s32 $0x2, s7  }
0xa: {  	s16 =	smul.u32 $0x9E000, s7;
	s24 =	sshll.u32 s7, $0x3;
	p0 =	seq.s32 s7, $0x0  }
0xb: {  	p1 =	sne.s32 s7, $0x0;
	s10 =	sshrl.u32 s6, $0x1;
	s21 =	sshrl.u32 s8, $0x3  }
0xc: {  	s22 =	sadd.s32 $0x9E, s11;
	s8 =	smul.u32 $0x2780, s12;
	s13 =	sadd.s32 $0x13C, s11  }
0xd: {  	s23 =	sadd.s32 $0x1DA, s11;
	s11 =	smul.u32 $0x27800, s7;
	s10 =	ssub.s32 s6, s10  }
0xe: {  	s21 =	sadd.s32 s3, s21;
	s3 =	smul.u32 $0x9E00, s12;
	s12 =	sshll.u32 s22, $0x6  }
0xf: {  	s14 =	sshll.u32 s22, $0x4;
	s15 =	sshll.u32 s13, $0x6;
	s13 =	sshll.u32 s13, $0x4  }
0x10: {  	s17 =	sshll.u32 s23, $0x6;
	s18 =	sshll.u32 s23, $0x4;
	s6 =	sadd.s32 s0, s24  }
0x11: {  	s19 =	sadd.s32 s8, s11;
	s20 =	sadd.s32 s16, s12;
	s22 =	sadd.s32 s11, s14  }
0x12: {  	s24 =	sadd.s32 s11, s13;
	s7 =	sadd.s32 $0x10, s21;
	[dreg:$0x6] =	wrdreg s21  }
0x13: {  	s11 =	sadd.s32 s11, s18;
	s8 =	sadd.s32 s8, s2;
	[dreg:$0x10] =	wrdreg s7  }
0x14: {  	s12 =	sadd.s32 s12, s1;
	s25 =	sadd.s32 s3, s16;
	[dreg:$0x12] =	wrdreg s8  }
0x15: {  	s19 =	sshrl.u32 s19, $0x3;
	[dreg:$0x13] =	wrdreg s12;
	s0 =	sshrl.u32 s25, $0x3  }
0x16: {  	s26 =	sadd.s32 s5, s19;
	s19 =	sshrl.u32 s20, $0x3;
	s20 =	sadd.s32 s16, s15  }
0x17: {  	s25 =	sshrl.u32 s22, $0x3;
	s22 =	sadd.s32 $0xA020, s21;
	[dreg:$0x8] =	wrdreg s26  }
0x18: {  	s16 =	sadd.s32 s16, s17;
	s0 =	sadd.s32 s9, s0;
	[dreg:$0x1c] =	wrdreg s22  }
0x19: {  	s26 =	sshrl.u32 s11, $0x3;
	s11 =	sadd.s32 s3, s1;
	[dreg:$0x7] =	wrdreg s0  }
0x1a: {  	s16 =	sshrl.u32 s16, $0x3;
	s0 =	sadd.s32 s9, s19;
	[dreg:$0x11] =	wrdreg s11  }
0x1b: {  	s30 =	simm.s32 $0x1;
	s23 =	sadd.s32 s9, s16;
	[dreg:$0x9] =	wrdreg s0  }
0x1c: {  	s31 =	simm.s32 $0x7D;
	s16 =	sadd.s32 s17, s1;
	[dreg:$0xb] =	wrdreg s23  }
0x1d: {  	s29 =	simm.s32 $0xA;
	s17 =	sadd.s32 s18, s2;
	[dreg:$0x17] =	wrdreg s16  }
0x1e: {  	s8 =	simm.s32 $0x0;
	s18 =	smax.u32 s10, $0x1;
	[dreg:$0x18] =	wrdreg s17  }
0x1f: {  	s3 =	simm.s32 $0x2;
	s19 =	sadd.s32 $0xA010, s21;
	[dreg:$0x19] =	wrdreg s18  }
0x20: {  	s0 =	sshrl.u32 s20, $0x3;
	[dreg:$0x1a] =	wrdreg s19;
	s20 =	sadd.s32 $0x20, s21  }
0x21: {  	s22 =	simm.s32 $0x5;
	s23 =	sadd.s32 $0x30, s21;
	[dreg:$0x1b] =	wrdreg s20  }
0x22: {  	s10 =	simm.s32 $0xB;
	s0 =	sadd.s32 s9, s0;
	[dreg:$0x1d] =	wrdreg s23  }
0x23: {  	s18 =	simm.s32 $0x3;
	s9 =	sadd.s32 s5, s25;
	[dreg:$0xa] =	wrdreg s0  }
0x24: {  	s19 =	simm.s32 $0x14230;
	s25 =	sadd.s32 $0x40, s21;
	[dreg:$0xc] =	wrdreg s9  }
0x25: {  	s17 =	simm.s32 $0xD;
	s9 =	sadd.s32 s14, s2;
	[dreg:$0x1f] =	wrdreg s25  }
0x26: {  	s16 =	simm.s32 $0x10130;
	s14 =	sadd.s32 s15, s1;
	[dreg:$0x14] =	wrdreg s9  }
0x27: {  	s20 =	simm.s32 $0x4;
	s15 =	sadd.s32 s13, s2;
	[dreg:$0x15] =	wrdreg s14  }
0x28: {  	s0 =	sshrl.u32 s24, $0x3;
	s24 =	sadd.s32 $0xA030, s21;
	[dreg:$0x16] =	wrdreg s15  }
0x29: {  	s23 =	simm.s32 $0x180B0;
	s0 =	sadd.s32 s5, s0;
	[dreg:$0x1e] =	wrdreg s24  }
.Ltmp0:
0x2a: {  	[dreg:$0xd] =	wrdreg s0;
	s0 =	sadd.s32 s5, s26;
	(pc) =	sbr.rel .LBB2_1-.Ltmp0, $4  }
0x2b: {  	s25 =	simm.s32 $0x10330;
	s5 =	sadd.s32 $0xA000, s21;
	[dreg:$0xe] =	wrdreg s0  }
0x2c: {  	s24 =	simm.s32 $0x6;
	s26 =	sadd.s32 $0xA040, s21;
	[dreg:$0xf] =	wrdreg s5  }
0x2d: {  	s14 =	simm.s32 $0xC;
	s21 =	simm.s32 $0xE;
	[smem:$0x7FD] =	sst s26  }
0x2e: {  	v0 =	vimm.f32 $0.0e+00;
	v1 =	vimm.f32 $1.000000000e+00;
	s0 =	simm.s32 $0x103B0;
	s26 =	simm.s32 $0x8;
	s5 =	simm.s32 $0xF  }
.LBB2_8:
0x2f: {  	s7 =	simm.s32 @p1 $0x10  }
0x30: {  	_ =	swait.ge @p1 [sflag:s7], $0x7D0  }
0x31: {  	[sflag:s7] =	ssyncset.done @p1 $0x0  }
0x32: {  	[sflag:s7] =	ssyncadd.s32 @p1 $0xFFFFF830;
	s7 =	simm.s32 @p1 $0xC  }
0x33: {  	_ =	swait.ge @p1 [sflag:s7], $0x1F40  }
0x34: {  	[sflag:s7] =	ssyncset.done @p1 $0x0  }
0x35: {  	[sflag:s7] =	ssyncadd.s32 @p1 $0xFFFFE0C0;
	s7 =	simm.s32 @p1 $0x11  }
0x36: {  	_ =	swait.ge @p1 [sflag:s7], $0x7D0  }
0x37: {  	[sflag:s7] =	ssyncset.done @p1 $0x0  }
0x38: {  	[sflag:s7] =	ssyncadd.s32 @p1 $0xFFFFF830;
	s7 =	simm.s32 @p1 $0xD  }
0x39: {  	_ =	swait.ge @p1 [sflag:s7], $0x1F40  }
0x3a: {  	[sflag:s7] =	ssyncset.done @p1 $0x0  }
0x3b: {  	[sflag:s7] =	ssyncadd.s32 @p1 $0xFFFFE0C0;
	s7 =	simm.s32 @p1 $0x12  }
0x3c: {  	_ =	swait.ge @p1 [sflag:s7], $0x7D0  }
0x3d: {  	[sflag:s7] =	ssyncset.done @p1 $0x0  }
0x3e: {  	[sflag:s7] =	ssyncadd.s32 @p1 $0xFFFFF830;
	s7 =	simm.s32 @p1 $0xE  }
0x3f: {  	_ =	swait.ge @p1 [sflag:s7], $0x1F40  }
0x40: {  	[sflag:s7] =	ssyncset.done @p1 $0x0  }
0x41: {  	[sflag:s7] =	ssyncadd.s32 @p1 $0xFFFFE0C0;
	s7 =	simm.s32 @p1 $0x13  }
0x42: {  	_ =	swait.ge @p1 [sflag:s7], $0x7D0  }
0x43: {  	[sflag:s7] =	ssyncset.done @p1 $0x0  }
0x44: {  	[sflag:s7] =	ssyncadd.s32 @p1 $0xFFFFF830;
	s7 =	simm.s32 @p1 $0xF  }
0x45: {  	_ =	swait.ge @p1 [sflag:s7], $0x1F40  }
0x46: {  	[sflag:s7] =	ssyncset.done @p1 $0x0  }
0x47: {  	[sflag:s7] =	ssyncadd.s32 @p1 $0xFFFFE0C0;
	s7 =	simm.s32 @p1 $0x14  }
0x48: {  	_ =	swait.ge @p1 [sflag:s7], $0x7D0  }
0x49: {  	[sflag:s7] =	ssyncset.done @p1 $0x0  }
0x4a: {  	[sflag:s7] =	ssyncadd.s32 @p1 $0xFFFFF830;
	s7 =	simm.s32 @!p1 $0xC  }
0x4b: {  	_ =	swait.ge @!p1 [sflag:s7], $0x1F40  }
0x4c: {  	[sflag:s7] =	ssyncset.done @!p1 $0x0  }
0x4d: {  	[sflag:s7] =	ssyncadd.s32 @!p1 $0xFFFFE0C0;
	s7 =	simm.s32 @!p1 $0xD  }
0x4e: {  	_ =	swait.ge @!p1 [sflag:s7], $0x1F40  }
0x4f: {  	[sflag:s7] =	ssyncset.done @!p1 $0x0  }
0x50: {  	[sflag:s7] =	ssyncadd.s32 @!p1 $0xFFFFE0C0;
	s7 =	simm.s32 @!p1 $0xE  }
0x51: {  	_ =	swait.ge @!p1 [sflag:s7], $0x1F40  }
0x52: {  	[sflag:s7] =	ssyncset.done @!p1 $0x0  }
0x53: {  	[sflag:s7] =	ssyncadd.s32 @!p1 $0xFFFFE0C0;
	s7 =	simm.s32 @!p1 $0xF  }
0x54: {  	_ =	swait.ge @!p1 [sflag:s7], $0x1F40  }
0x55: {  	[sflag:s7] =	ssyncset.done @!p1 $0x0  }
0x56: {  	[sflag:s7] =	ssyncadd.s32 @!p1 $0xFFFFE0C0  }
0x57: {  	[bflag:$0x0] =	sbarrier.arrive $0xFFFF  }
0x58: {  	s8 =	simm.s32 $0xC580;
	s11 =	rddreg [dreg:$0x11]  }
0x59: {  	[tilespmem:s8], [sflag:$0x15] =	stream.linear.gather [spmem:s11], $0x2780, $0x38;
	[tilespmem:$0x19FF0] =	vst v63  }
0x5a: {  	_ =	swait.ge [sflag:s28], $0x2780  }
0x5b: {  	[sflag:s28] =	ssyncset.done $0x0  }
0x5c: {  	s13 =	rddreg [dreg:$0x7];
	[sflag:s28] =	ssyncadd.s32 $0xFFFFD880  }
0x5d: {  	[hbm4b:s13+s4] =	stream.linear.scatter [tilespmem:s8], [sflag:$0x15], $0x2780, $0x38;
	[tilespmem:$0x19FF0] =	vst v63  }
0x5e: {  	_ =	swait.ge [sflag:s28], $0x2780  }
0x5f: {  	[sflag:s28] =	ssyncset.done $0x0  }
0x60: {  	s9 =	simm.s32 $0xED00;
	s15 =	rddreg [dreg:$0x12];
	[sflag:s28] =	ssyncadd.s32 $0xFFFFD880  }
0x61: {  	[tilespmem:s9], [sflag:$0x15] =	stream.linear.gather [spmem:s15], $0x9E0, $0x38;
	[tilespmem:$0x19FF0] =	vst v63  }
0x62: {  	_ =	swait.ge [sflag:s28], $0x9E0  }
0x63: {  	[sflag:s28] =	ssyncset.done $0x0  }
0x64: {  	s12 =	rddreg [dreg:$0x8];
	[sflag:s28] =	ssyncadd.s32 $0xFFFFF620  }
0x65: {  	[hbm4b:s12+s4] =	stream.linear.scatter [tilespmem:s9], [sflag:$0x15], $0x9E0, $0x38;
	[tilespmem:$0x19FF0] =	vst v63  }
0x66: {  	_ =	swait.ge [sflag:s28], $0x9E0  }
0x67: {  	[sflag:s28] =	ssyncset.done $0x0  }
0x68: {  	s12 =	rddreg [dreg:$0x13];
	[sflag:s28] =	ssyncadd.s32 $0xFFFFF620  }
0x69: {  	[tilespmem:s8], [sflag:$0x15] =	stream.linear.gather [spmem:s12], $0x2780, $0x38;
	[tilespmem:$0x19FF0] =	vst v63  }
0x6a: {  	_ =	swait.ge [sflag:s28], $0x2780  }
0x6b: {  	[sflag:s28] =	ssyncset.done $0x0  }
0x6c: {  	s13 =	rddreg [dreg:$0x9];
	[sflag:s28] =	ssyncadd.s32 $0xFFFFD880  }
0x6d: {  	[hbm4b:s13+s4] =	stream.linear.scatter [tilespmem:s8], [sflag:$0x15], $0x2780, $0x38;
	[tilespmem:$0x19FF0] =	vst v63  }
0x6e: {  	_ =	swait.ge [sflag:s28], $0x2780  }
0x6f: {  	[sflag:s28] =	ssyncset.done $0x0  }
0x70: {  	s15 =	rddreg [dreg:$0x14];
	[sflag:s28] =	ssyncadd.s32 $0xFFFFD880  }
0x71: {  	[tilespmem:s9], [sflag:$0x15] =	stream.linear.gather [spmem:s15], $0x9E0, $0x38;
	[tilespmem:$0x19FF0] =	vst v63  }
0x72: {  	_ =	swait.ge [sflag:s28], $0x9E0  }
0x73: {  	[sflag:s28] =	ssyncset.done $0x0  }
0x74: {  	s13 =	rddreg [dreg:$0xc];
	[sflag:s28] =	ssyncadd.s32 $0xFFFFF620  }
0x75: {  	[hbm4b:s13+s4] =	stream.linear.scatter [tilespmem:s9], [sflag:$0x15], $0x9E0, $0x38;
	[tilespmem:$0x19FF0] =	vst v63  }
0x76: {  	_ =	swait.ge [sflag:s28], $0x9E0  }
0x77: {  	[sflag:s28] =	ssyncset.done $0x0  }
0x78: {  	s15 =	rddreg [dreg:$0x15];
	[sflag:s28] =	ssyncadd.s32 $0xFFFFF620  }
0x79: {  	[tilespmem:s8], [sflag:$0x15] =	stream.linear.gather [spmem:s15], $0x2780, $0x38;
	[tilespmem:$0x19FF0] =	vst v63  }
0x7a: {  	_ =	swait.ge [sflag:s28], $0x2780  }
0x7b: {  	[sflag:s28] =	ssyncset.done $0x0  }
0x7c: {  	s13 =	rddreg [dreg:$0xa];
	[sflag:s28] =	ssyncadd.s32 $0xFFFFD880  }
0x7d: {  	[hbm4b:s13+s4] =	stream.linear.scatter [tilespmem:s8], [sflag:$0x15], $0x2780, $0x38;
	[tilespmem:$0x19FF0] =	vst v63  }
0x7e: {  	_ =	swait.ge [sflag:s28], $0x2780  }
0x7f: {  	[sflag:s28] =	ssyncset.done $0x0  }
0x80: {  	s15 =	rddreg [dreg:$0x16];
	[sflag:s28] =	ssyncadd.s32 $0xFFFFD880  }
0x81: {  	[tilespmem:s9], [sflag:$0x15] =	stream.linear.gather [spmem:s15], $0x9E0, $0x38;
	[tilespmem:$0x19FF0] =	vst v63  }
0x82: {  	_ =	swait.ge [sflag:s28], $0x9E0  }
0x83: {  	[sflag:s28] =	ssyncset.done $0x0  }
0x84: {  	s13 =	rddreg [dreg:$0xd];
	[sflag:s28] =	ssyncadd.s32 $0xFFFFF620  }
0x85: {  	[hbm4b:s13+s4] =	stream.linear.scatter [tilespmem:s9], [sflag:$0x15], $0x9E0, $0x38;
	[tilespmem:$0x19FF0] =	vst v63  }
0x86: {  	_ =	swait.ge [sflag:s28], $0x9E0  }
0x87: {  	[sflag:s28] =	ssyncset.done $0x0  }
0x88: {  	s15 =	rddreg [dreg:$0x17];
	[sflag:s28] =	ssyncadd.s32 $0xFFFFF620  }
0x89: {  	[tilespmem:s8], [sflag:$0x15] =	stream.linear.gather [spmem:s15], $0x2780, $0x38;
	[tilespmem:$0x19FF0] =	vst v63  }
0x8a: {  	_ =	swait.ge [sflag:s28], $0x2780  }
0x8b: {  	[sflag:s28] =	ssyncset.done $0x0  }
0x8c: {  	s13 =	rddreg [dreg:$0xb];
	[sflag:s28] =	ssyncadd.s32 $0xFFFFD880  }
0x8d: {  	[hbm4b:s13+s4] =	stream.linear.scatter [tilespmem:s8], [sflag:$0x15], $0x2780, $0x38;
	[tilespmem:$0x19FF0] =	vst v63  }
0x8e: {  	_ =	swait.ge [sflag:s28], $0x2780  }
0x8f: {  	[sflag:s28] =	ssyncset.done $0x0  }
0x90: {  	s15 =	rddreg [dreg:$0x18];
	[sflag:s28] =	ssyncadd.s32 $0xFFFFD880  }
0x91: {  	[tilespmem:s9], [sflag:$0x15] =	stream.linear.gather [spmem:s15], $0x9E0, $0x38;
	[tilespmem:$0x19FF0] =	vst v63  }
0x92: {  	_ =	swait.ge [sflag:s28], $0x9E0  }
0x93: {  	[sflag:s28] =	ssyncset.done $0x0  }
0x94: {  	s8 =	rddreg [dreg:$0xe];
	[sflag:s28] =	ssyncadd.s32 $0xFFFFF620  }
0x95: {  	[hbm4b:s8+s4] =	stream.linear.scatter [tilespmem:s9], [sflag:$0x15], $0x9E0, $0x38;
	[tilespmem:$0x19FF0] =	vst v63  }
0x96: {  	_ =	swait.ge [sflag:s28], $0x9E0  }
0x97: {  	s13 =	sld [smem:$0x7FC];
	_ =	sdelay $0x2  }
0x98: {  	s15 =	rddreg [dreg:$0x19];
	s8 =	sadd.s32 $0x1, s13  }
0x99: {  	p2 =	sne.s32 s8, s15  }
.Ltmp1:
0x9a: {  	_ = 	snop;
	(pc) =	sbr.rel @!p2 .LBB2_9-.Ltmp1, $3  }
0x9b: {  	_ =	sdelay $0x1  }
0x9c: {  	[sflag:s28] =	ssyncset.done $0x0  }
0x9d: {  	[sflag:s28] =	ssyncadd.s32 $0xFFFFF620  }
.LBB2_1:
0x9e: {  	[smem:$0x7FC] =	sst s8;
	s7 =	simm.s32 $0xC5A0;
	s8 =	simm.s32 $0x0  }
.LBB2_2:
0x9f: {  	p2 =	sne.s32 s8, $0x2740  }
.Ltmp2:
0xa0: {  	[tilespmem:s7+$0xFFFFFFE0] =	vst v0;
	(pc) =	sbr.rel @p2 .LBB2_2-.Ltmp2, $4  }
0xa1: {  	[tilespmem:s7+$0xFFFFFFF0] =	vst v0  }
0xa2: {  	[tilespmem:s7+$0x0] =	vst v0  }
0xa3: {  	[tilespmem:s7+$0x10] =	vst v0;
	s9 =	sshra.s32 s8, $0x2  }
0xa4: {  	s7 =	sadd.s32 $0x40, s7;
	s8 =	sadd.s32 $0x40, s8;
	[tilespmem:s9+$0xED00] =	vst v0  }
0xa5: {  	s7 =	simm.s32 $0x40;
	s8 =	simm.s32 $0x0  }
.LBB2_4:
0xa6: {  	p2 =	sne.s32 s7, $0x1F00;
	[tilespmem:s8+$0xF6E0] =	vst v1;
	s8 =	smov.u32 s7;
	s7 =	sadd.s32 $0x40, s7  }
.Ltmp3:
0xa7: {  	(pc) =	sbr.rel @p2 .LBB2_4-.Ltmp3, $2  }
0xa8: {  	_ =	sdelay $0x2  }
0xa9: {  	s8 =	sshra.s32 s8, $0x2  }
0xaa: {  	[tilespmem:s8+$0xF6E0] =	vst v1;
	s15 =	simm.s32 $0x0;
	s7 =	rddreg [dreg:$0x6];
	s9 =	simm.s32 $0xFEB0  }
0xab: {  	[tilespmem:s9], [sflag:$0x1] =	stream.linear.gather [hbm4b:s7+s15], $0x80, $0x38;
	[tilespmem:$0x19FF0] =	vst v63  }
0xac: {  	s13 =	rddreg [dreg:$0xf];
	s9 =	simm.s32 $0xFF30  }
0xad: {  	[tilespmem:s9], [sflag:$0x1] =	stream.linear.gather [hbm4b:s13+s15], $0x80, $0x38;
	[tilespmem:$0x19FF0] =	vst v63  }
0xae: {  	s8 =	rddreg [dreg:$0x10];
	s13 =	simm.s32 $0xFFB0  }
0xaf: {  	[tilespmem:s13], [sflag:$0x2] =	stream.linear.gather [hbm4b:s8+s15], $0x80, $0x38;
	[tilespmem:$0x19FF0] =	vst v63  }
0xb0: {  	s8 =	rddreg [dreg:$0x1a];
	s13 =	simm.s32 $0x10030  }
0xb1: {  	[tilespmem:s13], [sflag:$0x2] =	stream.linear.gather [hbm4b:s8+s15], $0x80, $0x38;
	[tilespmem:$0x19FF0] =	vst v63  }
0xb2: {  	s8 =	rddreg [dreg:$0x1b];
	s13 =	simm.s32 $0x100B0  }
0xb3: {  	[tilespmem:s13], [sflag:$0x3] =	stream.linear.gather [hbm4b:s8+s15], $0x80, $0x38;
	[tilespmem:$0x19FF0] =	vst v63  }
0xb4: {  	s13 =	rddreg [dreg:$0x1c]  }
0xb5: {  	[tilespmem:s16], [sflag:$0x3] =	stream.linear.gather [hbm4b:s13+s15], $0x80, $0x38;
	[tilespmem:$0x19FF0] =	vst v63  }
0xb6: {  	s8 =	rddreg [dreg:$0x1d];
	s13 =	simm.s32 $0x101B0  }
0xb7: {  	[tilespmem:s13], [sflag:$0x4] =	stream.linear.gather [hbm4b:s8+s15], $0x80, $0x38;
	[tilespmem:$0x19FF0] =	vst v63  }
0xb8: {  	s13 =	rddreg [dreg:$0x1e];
	s8 =	simm.s32 $0x10230  }
0xb9: {  	[tilespmem:s8], [sflag:$0x4] =	stream.linear.gather [hbm4b:s13+s15], $0x80, $0x38;
	[tilespmem:$0x19FF0] =	vst v63  }
0xba: {  	s8 =	rddreg [dreg:$0x1f];
	s13 =	simm.s32 $0x102B0  }
0xbb: {  	[tilespmem:s13], [sflag:$0x5] =	stream.linear.gather [hbm4b:s8+s15], $0x80, $0x38;
	[tilespmem:$0x19FF0] =	vst v63  }
0xbc: {  	s8 =	sld [smem:$0x7FD];
	_ =	sdelay $0x2  }
0xbd: {  	[tilespmem:s25], [sflag:$0x5] =	stream.linear.gather [hbm4b:s8+s15], $0x80, $0x38;
	[tilespmem:$0x19FF0] =	vst v63  }
0xbe: {  	s8 =	simm.s32 $0xC580  }
0xbf: {  	[spmem:s11] =	stream.linear.scatter [tilespmem:s8], [sflag:$0x15], $0x2780, $0x38;
	[tilespmem:$0x19FF0] =	vst v63  }
0xc0: {  	_ =	swait.ge [sflag:s28], $0x2780  }
0xc1: {  	[sflag:s28] =	ssyncset.done $0x0  }
0xc2: {  	s11 =	simm.s32 $0xED00;
	s7 =	rddreg [dreg:$0x12];
	[sflag:s28] =	ssyncadd.s32 $0xFFFFD880  }
0xc3: {  	[spmem:s7] =	stream.linear.scatter [tilespmem:s11], [sflag:$0x15], $0x9E0, $0x38;
	[tilespmem:$0x19FF0] =	vst v63  }
0xc4: {  	_ =	swait.ge [sflag:s28], $0x9E0  }
0xc5: {  	[sflag:s28] =	ssyncset.done $0x0  }
0xc6: {  	[sflag:s28] =	ssyncadd.s32 $0xFFFFF620  }
0xc7: {  	[spmem:s12] =	stream.linear.scatter [tilespmem:s8], [sflag:$0x15], $0x2780, $0x38;
	[tilespmem:$0x19FF0] =	vst v63  }
0xc8: {  	_ =	swait.ge [sflag:s28], $0x2780  }
0xc9: {  	[sflag:s28] =	ssyncset.done $0x0  }
0xca: {  	s12 =	rddreg [dreg:$0x14];
	[sflag:s28] =	ssyncadd.s32 $0xFFFFD880  }
0xcb: {  	[spmem:s12] =	stream.linear.scatter [tilespmem:s11], [sflag:$0x15], $0x9E0, $0x38;
	[tilespmem:$0x19FF0] =	vst v63  }
0xcc: {  	_ =	swait.ge [sflag:s28], $0x9E0  }
0xcd: {  	[sflag:s28] =	ssyncset.done $0x0  }
0xce: {  	s12 =	rddreg [dreg:$0x15];
	[sflag:s28] =	ssyncadd.s32 $0xFFFFF620  }
0xcf: {  	[spmem:s12] =	stream.linear.scatter [tilespmem:s8], [sflag:$0x15], $0x2780, $0x38;
	[tilespmem:$0x19FF0] =	vst v63  }
0xd0: {  	_ =	swait.ge [sflag:s28], $0x2780  }
0xd1: {  	[sflag:s28] =	ssyncset.done $0x0  }
0xd2: {  	s12 =	rddreg [dreg:$0x16];
	[sflag:s28] =	ssyncadd.s32 $0xFFFFD880  }
0xd3: {  	[spmem:s12] =	stream.linear.scatter [tilespmem:s11], [sflag:$0x15], $0x9E0, $0x38;
	[tilespmem:$0x19FF0] =	vst v63  }
0xd4: {  	_ =	swait.ge [sflag:s28], $0x9E0  }
0xd5: {  	[sflag:s28] =	ssyncset.done $0x0  }
0xd6: {  	s12 =	rddreg [dreg:$0x17];
	[sflag:s28] =	ssyncadd.s32 $0xFFFFF620  }
0xd7: {  	[spmem:s12] =	stream.linear.scatter [tilespmem:s8], [sflag:$0x15], $0x2780, $0x38;
	[tilespmem:$0x19FF0] =	vst v63  }
0xd8: {  	_ =	swait.ge [sflag:s28], $0x2780  }
0xd9: {  	[sflag:s28] =	ssyncset.done $0x0  }
0xda: {  	s12 =	rddreg [dreg:$0x18];
	[sflag:s28] =	ssyncadd.s32 $0xFFFFD880  }
0xdb: {  	[spmem:s12] =	stream.linear.scatter [tilespmem:s11], [sflag:$0x15], $0x9E0, $0x38;
	[tilespmem:$0x19FF0] =	vst v63  }
0xdc: {  	_ =	swait.ge [sflag:s28], $0x9E0  }
0xdd: {  	[sflag:s28] =	ssyncset.done $0x0  }
0xde: {  	[sflag:s28] =	ssyncadd.s32 $0xFFFFF620  }
0xdf: {  	[bflag:$0x0] =	sbarrier.arrive $0xFFFF  }
0xe0: {  	_ =	swait.ge [sflag:s30], $0x80  }
0xe1: {  	[sflag:s30] =	ssyncset.done $0x0  }
0xe2: {  	[sflag:s30] =	ssyncadd.s32 $0xFFFFFF80  }
0xe3: {  	_ =	swait.ge [sflag:s30], $0x80  }
0xe4: {  	[sflag:s30] =	ssyncset.done $0x0  }
0xe5: {  	s8 =	simm.s32 $0xFEB0;
	[sflag:s30] =	ssyncadd.s32 $0xFFFFFF80  }
0xe6: {  	[tilespmem:s0], [sflag:$0x6] =	stream.indirect.gather [hbm4b:s6+s31], $0x40, s8, s31, $0xb8;
	[tilespmem:$0x19FF0] =	vst v63  }
0xe7: {  	_ =	swait.ge [sflag:s3], $0x80  }
0xe8: {  	[sflag:s3] =	ssyncset.done $0x0  }
0xe9: {  	[sflag:s3] =	ssyncadd.s32 $0xFFFFFF80  }
0xea: {  	_ =	swait.ge [sflag:s3], $0x80  }
0xeb: {  	[sflag:s3] =	ssyncset.done $0x0  }
0xec: {  	s11 =	simm.s32 $0x122F0;
	s12 =	simm.s32 $0xFFB0;
	[sflag:s3] =	ssyncadd.s32 $0xFFFFFF80  }
0xed: {  	[tilespmem:s11], [sflag:$0x7] =	stream.indirect.gather [hbm4b:s6+s31], $0x40, s12, s31, $0xb8;
	[tilespmem:$0x19FF0] =	vst v63  }
0xee: {  	_ =	swait.ge [sflag:s18], $0x80  }
0xef: {  	[sflag:s18] =	ssyncset.done $0x0  }
0xf0: {  	[sflag:s18] =	ssyncadd.s32 $0xFFFFFF80  }
0xf1: {  	_ =	swait.ge [sflag:s18], $0x80  }
0xf2: {  	[sflag:s18] =	ssyncset.done $0x0  }
0xf3: {  	s8 =	simm.s32 $0x100B0;
	[sflag:s18] =	ssyncadd.s32 $0xFFFFFF80  }
0xf4: {  	[tilespmem:s19], [sflag:$0x8] =	stream.indirect.gather [hbm4b:s6+s31], $0x40, s8, s31, $0xb8;
	[tilespmem:$0x19FF0] =	vst v63  }
0xf5: {  	_ =	swait.ge [sflag:s20], $0x80  }
0xf6: {  	[sflag:s20] =	ssyncset.done $0x0  }
0xf7: {  	[sflag:s20] =	ssyncadd.s32 $0xFFFFFF80  }
0xf8: {  	_ =	swait.ge [sflag:s20], $0x80  }
0xf9: {  	[sflag:s20] =	ssyncset.done $0x0  }
0xfa: {  	s11 =	simm.s32 $0x16170;
	s12 =	simm.s32 $0x101B0;
	[sflag:s20] =	ssyncadd.s32 $0xFFFFFF80  }
0xfb: {  	[tilespmem:s11], [sflag:$0x9] =	stream.indirect.gather [hbm4b:s6+s31], $0x40, s12, s31, $0xb8;
	[tilespmem:$0x19FF0] =	vst v63  }
0xfc: {  	_ =	swait.ge [sflag:s22], $0x80  }
0xfd: {  	[sflag:s22] =	ssyncset.done $0x0  }
0xfe: {  	[sflag:s22] =	ssyncadd.s32 $0xFFFFFF80  }
0xff: {  	_ =	swait.ge [sflag:s22], $0x80  }
0x100: {  	[sflag:s22] =	ssyncset.done $0x0  }
0x101: {  	s7 =	simm.s32 $0x0;
	[sflag:s22] =	ssyncadd.s32 $0xFFFFFF80  }
0x102: {  	[tilespmem:s23], [sflag:$0xA] =	stream.indirect.gather [hbm4b:s6+s31], $0x40, s13, s31, $0xb8;
	[tilespmem:$0x19FF0] =	vst v63  }
.LBB2_6:
0x103: {  	_ =	swait.ge [sflag:s24], $0x1F40  }
0x104: {  	[sflag:s24] =	ssyncset.done $0x0  }
0x105: {  	[sflag:s24] =	ssyncadd.s32 $0xFFFFE0C0  }
0x106: {  	[spmem:s1] =	stream.indirect.scatter.add.f32 [tilespmem:s0], [sflag:$0xB], $0x40, s9, s31, $0xb8;
	[tilespmem:$0x19FF0] =	vst v63  }
0x107: {  	p3 =	sgt.u32 s7, $0xF;
	s8 =	simm.s32 $0x1;
	s9 =	simm.s32 $0x1  }
0x108: {  	s8 =	simm.s32 @!p3 $0x0;
	s9 =	simm.s32 @!p0 $0x0  }
0x109: {  	p2 =	seq.s32 s9, s8  }
0x10a: {  	s8 =	simm.s32 @p2 $0x7  }
0x10b: {  	_ =	swait.ge @p2 [sflag:s8], $0x1F40  }
0x10c: {  	s9 =	simm.s32 @p2 $0x10030;
	[sflag:s8] =	ssyncset.done @p2 $0x0  }
0x10d: {  	s11 =	simm.s32 @p2 $0x122F0;
	[sflag:s8] =	ssyncadd.s32 @p2 $0xFFFFE0C0;
	s8 =	simm.s32 @p2 $0x7D  }
0x10e: {  	[spmem:s1] =	stream.indirect.scatter.add.f32 @p2 [tilespmem:s11], [sflag:$0xC], $0x40, s9, s8, $0xb8;
	[tilespmem:$0x19FF0] =	vst v63  }
0x10f: {  	s8 =	simm.s32 @!p2 $0x7D;
	s9 =	simm.s32 @!p2 $0xFF30;
	s11 =	simm.s32 @!p2 $0xF6E0  }
0x110: {  	[spmem:s2] =	stream.indirect.scatter.add.f32 @!p2 [tilespmem:s11], [sflag:$0x10], $0x10, s9, s8, $0xb8;
	[tilespmem:$0x19FF0] =	vst v63  }
0x111: {  	s9 =	simm.s32 @!p2 $0x7  }
0x112: {  	_ =	swait.ge @!p2 [sflag:s9], $0x1F40  }
0x113: {  	[sflag:s9] =	ssyncset.done @!p2 $0x0  }
0x114: {  	s12 =	simm.s32 @!p2 $0x122F0;
	[sflag:s9] =	ssyncadd.s32 @!p2 $0xFFFFE0C0;
	s9 =	simm.s32 @!p2 $0x10030  }
0x115: {  	[spmem:s1] =	stream.indirect.scatter.add.f32 @!p2 [tilespmem:s12], [sflag:$0xC], $0x40, s9, s8, $0xb8;
	[tilespmem:$0x19FF0] =	vst v63  }
0x116: {  	_ = 	snop  }
0x117: {  	[spmem:s2] =	stream.indirect.scatter.add.f32 @!p2 [tilespmem:s11], [sflag:$0x11], $0x10, s9, s8, $0xb8;
	[tilespmem:$0x19FF0] =	vst v63  }
0x118: {  	p2 =	por !p3, !p3;
	_ =	swait.ge [sflag:s26], $0x1F40  }
0x119: {  	p2 =	por @!p0 p3, p3;
	[sflag:s26] =	ssyncset.done $0x0  }
0x11a: {  	s8 =	simm.s32 @!p2 $0x9;
	[sflag:s26] =	ssyncadd.s32 $0xFFFFE0C0  }
0x11b: {  	[spmem:s1] =	stream.indirect.scatter.add.f32 [tilespmem:s19], [sflag:$0xD], $0x40, s16, s31, $0xb8;
	[tilespmem:$0x19FF0] =	vst v63  }
0x11c: {  	_ =	swait.ge @!p2 [sflag:s8], $0x1F40  }
0x11d: {  	s9 =	simm.s32 @!p2 $0x10230;
	[sflag:s8] =	ssyncset.done @!p2 $0x0  }
0x11e: {  	s11 =	simm.s32 @!p2 $0x16170;
	[sflag:s8] =	ssyncadd.s32 @!p2 $0xFFFFE0C0;
	s8 =	simm.s32 @!p2 $0x7D  }
0x11f: {  	[spmem:s1] =	stream.indirect.scatter.add.f32 @!p2 [tilespmem:s11], [sflag:$0xE], $0x40, s9, s8, $0xb8;
	[tilespmem:$0x19FF0] =	vst v63  }
0x120: {  	s8 =	simm.s32 @p2 $0x7D;
	s9 =	simm.s32 @p2 $0x10130;
	s11 =	simm.s32 @p2 $0xF6E0  }
0x121: {  	[spmem:s2] =	stream.indirect.scatter.add.f32 @p2 [tilespmem:s11], [sflag:$0x12], $0x10, s9, s8, $0xb8;
	[tilespmem:$0x19FF0] =	vst v63  }
0x122: {  	s9 =	simm.s32 @p2 $0x9  }
0x123: {  	_ =	swait.ge @p2 [sflag:s9], $0x1F40  }
0x124: {  	[sflag:s9] =	ssyncset.done @p2 $0x0  }
0x125: {  	s12 =	simm.s32 @p2 $0x16170;
	[sflag:s9] =	ssyncadd.s32 @p2 $0xFFFFE0C0;
	s9 =	simm.s32 @p2 $0x10230  }
0x126: {  	[spmem:s1] =	stream.indirect.scatter.add.f32 @p2 [tilespmem:s12], [sflag:$0xE], $0x40, s9, s8, $0xb8;
	[tilespmem:$0x19FF0] =	vst v63  }
0x127: {  	_ = 	snop  }
0x128: {  	[spmem:s2] =	stream.indirect.scatter.add.f32 @p2 [tilespmem:s11], [sflag:$0x13], $0x10, s9, s8, $0xb8;
	[tilespmem:$0x19FF0] =	vst v63  }
0x129: {  	_ =	swait.ge [sflag:s29], $0x1F40  }
0x12a: {  	[sflag:s29] =	ssyncset.done $0x0  }
0x12b: {  	p3 =	seq.s32 s15, $0x9B0;
	[sflag:s29] =	ssyncadd.s32 $0xFFFFE0C0  }
0x12c: {  	[spmem:s1] =	stream.indirect.scatter.add.f32 [tilespmem:s23], [sflag:$0xF], $0x40, s25, s31, $0xb8;
	[tilespmem:$0x19FF0] =	vst v63  }
.Ltmp4:
0x12d: {  	s9 =	simm.s32 @p2 $0x10330;
	(pc) =	sbr.rel @p3 .LBB2_8-.Ltmp4, $4  }
0x12e: {  	[spmem:s2] =	stream.indirect.scatter.add.f32 @p2 [tilespmem:s11], [sflag:$0x14], $0x10, s9, s8, $0xb8;
	[tilespmem:$0x19FF0] =	vst v63  }
0x12f: {  	_ =	swait.ge [sflag:s10], $0x1F40  }
0x130: {  	[sflag:s10] =	ssyncset.done $0x0  }
0x131: {  	s13 =	simm.s32 $0xFF30;
	[sflag:s10] =	ssyncadd.s32 $0xFFFFE0C0  }
0x132: {  	s9 =	simm.s32 @p2 $0x10  }
0x133: {  	_ =	swait.ge @p2 [sflag:s9], $0x7D0  }
0x134: {  	s8 =	rddreg [dreg:$0x6]  }
0x135: {  	[sflag:s9] =	ssyncset.done @p2 $0x0;
	s8 =	sadd.s32 s15, s8  }
0x136: {  	s12 =	simm.s32 $0xFEB0;
	[sflag:s9] =	ssyncadd.s32 @p2 $0xFFFFF830;
	s11 =	sadd.s32 $0x50, s8  }
0x137: {  	[tilespmem:s12], [sflag:$0x1] =	stream.linear.gather [hbm4b:s11+s4], $0x80, $0x38;
	[tilespmem:$0x19FF0] =	vst v63  }
0x138: {  	s11 =	rddreg [dreg:$0xf]  }
0x139: {  	s9 =	sadd.s32 s15, s11  }
0x13a: {  	s11 =	sadd.s32 $0x50, s9  }
0x13b: {  	[tilespmem:s13], [sflag:$0x1] =	stream.linear.gather [hbm4b:s11+s4], $0x80, $0x38;
	[tilespmem:$0x19FF0] =	vst v63  }
0x13c: {  	_ =	swait.ge [sflag:s30], $0x80  }
0x13d: {  	[sflag:s30] =	ssyncset.done $0x0  }
0x13e: {  	[sflag:s30] =	ssyncadd.s32 $0xFFFFFF80  }
0x13f: {  	_ =	swait.ge [sflag:s30], $0x80  }
0x140: {  	[sflag:s30] =	ssyncset.done $0x0  }
0x141: {  	[sflag:s30] =	ssyncadd.s32 $0xFFFFFF80  }
0x142: {  	[tilespmem:s0], [sflag:$0x6] =	stream.indirect.gather [hbm4b:s6+s31], $0x40, s12, s31, $0xb8;
	[tilespmem:$0x19FF0] =	vst v63  }
0x143: {  	_ =	swait.ge [sflag:s14], $0x1F40  }
0x144: {  	[sflag:s14] =	ssyncset.done $0x0  }
0x145: {  	s11 =	simm.s32 @p2 $0x11;
	[sflag:s14] =	ssyncadd.s32 $0xFFFFE0C0  }
0x146: {  	_ =	swait.ge @p2 [sflag:s11], $0x7D0  }
0x147: {  	[sflag:s11] =	ssyncset.done @p2 $0x0  }
0x148: {  	s13 =	sadd.s32 $0x60, s8;
	s12 =	simm.s32 $0xFFB0;
	[sflag:s11] =	ssyncadd.s32 @p2 $0xFFFFF830  }
0x149: {  	[tilespmem:s12], [sflag:$0x2] =	stream.linear.gather [hbm4b:s13+s4], $0x80, $0x38;
	[tilespmem:$0x19FF0] =	vst v63  }
0x14a: {  	s11 =	sadd.s32 $0x60, s9;
	s13 =	simm.s32 $0x10030  }
0x14b: {  	[tilespmem:s13], [sflag:$0x2] =	stream.linear.gather [hbm4b:s11+s4], $0x80, $0x38;
	[tilespmem:$0x19FF0] =	vst v63  }
0x14c: {  	_ =	swait.ge [sflag:s3], $0x80  }
0x14d: {  	[sflag:s3] =	ssyncset.done $0x0  }
0x14e: {  	[sflag:s3] =	ssyncadd.s32 $0xFFFFFF80  }
0x14f: {  	_ =	swait.ge [sflag:s3], $0x80  }
0x150: {  	[sflag:s3] =	ssyncset.done $0x0  }
0x151: {  	s13 =	simm.s32 $0x122F0;
	[sflag:s3] =	ssyncadd.s32 $0xFFFFFF80  }
0x152: {  	[tilespmem:s13], [sflag:$0x7] =	stream.indirect.gather [hbm4b:s6+s31], $0x40, s12, s31, $0xb8;
	[tilespmem:$0x19FF0] =	vst v63  }
0x153: {  	_ =	swait.ge [sflag:s17], $0x1F40  }
0x154: {  	[sflag:s17] =	ssyncset.done $0x0  }
0x155: {  	s11 =	simm.s32 @p2 $0x12;
	[sflag:s17] =	ssyncadd.s32 $0xFFFFE0C0  }
0x156: {  	_ =	swait.ge @p2 [sflag:s11], $0x7D0  }
0x157: {  	[sflag:s11] =	ssyncset.done @p2 $0x0  }
0x158: {  	s13 =	sadd.s32 $0x70, s8;
	s12 =	simm.s32 $0x100B0;
	[sflag:s11] =	ssyncadd.s32 @p2 $0xFFFFF830  }
0x159: {  	[tilespmem:s12], [sflag:$0x3] =	stream.linear.gather [hbm4b:s13+s4], $0x80, $0x38;
	[tilespmem:$0x19FF0] =	vst v63  }
0x15a: {  	s13 =	sadd.s32 $0x70, s9  }
0x15b: {  	[tilespmem:s16], [sflag:$0x3] =	stream.linear.gather [hbm4b:s13+s4], $0x80, $0x38;
	[tilespmem:$0x19FF0] =	vst v63  }
0x15c: {  	_ =	swait.ge [sflag:s18], $0x80  }
0x15d: {  	[sflag:s18] =	ssyncset.done $0x0  }
0x15e: {  	[sflag:s18] =	ssyncadd.s32 $0xFFFFFF80  }
0x15f: {  	_ =	swait.ge [sflag:s18], $0x80  }
0x160: {  	[sflag:s18] =	ssyncset.done $0x0  }
0x161: {  	[sflag:s18] =	ssyncadd.s32 $0xFFFFFF80  }
0x162: {  	[tilespmem:s19], [sflag:$0x8] =	stream.indirect.gather [hbm4b:s6+s31], $0x40, s12, s31, $0xb8;
	[tilespmem:$0x19FF0] =	vst v63  }
0x163: {  	_ =	swait.ge [sflag:s21], $0x1F40  }
0x164: {  	[sflag:s21] =	ssyncset.done $0x0  }
0x165: {  	s11 =	simm.s32 @p2 $0x13;
	[sflag:s21] =	ssyncadd.s32 $0xFFFFE0C0  }
0x166: {  	_ =	swait.ge @p2 [sflag:s11], $0x7D0  }
0x167: {  	[sflag:s11] =	ssyncset.done @p2 $0x0  }
0x168: {  	s13 =	sadd.s32 $0x80, s8;
	s12 =	simm.s32 $0x101B0;
	[sflag:s11] =	ssyncadd.s32 @p2 $0xFFFFF830  }
0x169: {  	[tilespmem:s12], [sflag:$0x4] =	stream.linear.gather [hbm4b:s13+s4], $0x80, $0x38;
	[tilespmem:$0x19FF0] =	vst v63  }
0x16a: {  	s11 =	sadd.s32 $0x80, s9;
	s13 =	simm.s32 $0x10230  }
0x16b: {  	[tilespmem:s13], [sflag:$0x4] =	stream.linear.gather [hbm4b:s11+s4], $0x80, $0x38;
	[tilespmem:$0x19FF0] =	vst v63  }
0x16c: {  	_ =	swait.ge [sflag:s20], $0x80  }
0x16d: {  	[sflag:s20] =	ssyncset.done $0x0  }
0x16e: {  	[sflag:s20] =	ssyncadd.s32 $0xFFFFFF80  }
0x16f: {  	_ =	swait.ge [sflag:s20], $0x80  }
0x170: {  	[sflag:s20] =	ssyncset.done $0x0  }
0x171: {  	s13 =	simm.s32 $0x16170;
	[sflag:s20] =	ssyncadd.s32 $0xFFFFFF80  }
0x172: {  	[tilespmem:s13], [sflag:$0x9] =	stream.indirect.gather [hbm4b:s6+s31], $0x40, s12, s31, $0xb8;
	[tilespmem:$0x19FF0] =	vst v63  }
0x173: {  	_ =	swait.ge [sflag:s5], $0x1F40  }
0x174: {  	[sflag:s5] =	ssyncset.done $0x0  }
0x175: {  	s11 =	simm.s32 @p2 $0x14;
	[sflag:s5] =	ssyncadd.s32 $0xFFFFE0C0  }
0x176: {  	_ =	swait.ge @p2 [sflag:s11], $0x7D0  }
0x177: {  	[sflag:s11] =	ssyncset.done @p2 $0x0  }
0x178: {  	s8 =	sadd.s32 $0x90, s8;
	s12 =	simm.s32 $0x102B0;
	[sflag:s11] =	ssyncadd.s32 @p2 $0xFFFFF830  }
0x179: {  	[tilespmem:s12], [sflag:$0x5] =	stream.linear.gather [hbm4b:s8+s4], $0x80, $0x38;
	[tilespmem:$0x19FF0] =	vst v63  }
0x17a: {  	s13 =	sadd.s32 $0x90, s9  }
0x17b: {  	[tilespmem:s25], [sflag:$0x5] =	stream.linear.gather [hbm4b:s13+s4], $0x80, $0x38;
	[tilespmem:$0x19FF0] =	vst v63  }
0x17c: {  	_ =	swait.ge [sflag:s22], $0x80  }
0x17d: {  	[sflag:s22] =	ssyncset.done $0x0  }
.Ltmp5:
0x17e: {  	[sflag:s22] =	ssyncadd.s32 $0xFFFFFF80;
	(pc) =	sbr.rel .LBB2_6-.Ltmp5, $4  }
0x17f: {  	_ =	swait.ge [sflag:s22], $0x80  }
0x180: {  	s7 =	sadd.s32 $0x1, s7;
	[sflag:s22] =	ssyncset.done $0x0  }
0x181: {  	s15 =	sadd.s32 $0x50, s15;
	s9 =	simm.s32 $0xFF30;
	[sflag:s22] =	ssyncadd.s32 $0xFFFFFF80  }
0x182: {  	[tilespmem:s23], [sflag:$0xA] =	stream.indirect.gather [hbm4b:s6+s31], $0x40, s12, s31, $0xb8;
	[tilespmem:$0x19FF0] =	vst v63  }
.LBB2_9:
0x183: {  	_ =	sfence.sel $0x180000  }
0x184: {  	[bflag:$0x0] =	sbarrier.arrive $0xFFFF  }
0x185: {  	_ =	strace $0x90000047  }
0x186: {  	s0 =	stileid.u32;
	[bflag:$0x2] =	sbarrier.arrive $0xFFFF  }
0x187: {  	p0 =	sne.s32 s0, $0x0;
	s0 =	rddreg [dreg:$0x5]  }
0x188: {  	s0 =	sadd.s32 @!p0 $0x100000, s0  }
0x189: {  	[sflag:s0] =	ssyncadd.tile.s32 @!p0 $0x1;
	_ =	shalt  }
.Lfunc_end2:
_tile_overlayer_lowered:
.L_overlay_start_2:
0x18a: {  	(tag) =	ssettag $0x2  }
0x18b: {  	s0 =	rddreg [dreg:$0x0];
	s2 =	stileid.u32  }
0x18c: {  	s1 =	rddreg [dreg:$0x1];
	p0 =	sne.s32 s2, $0x0  }
0x18d: {  	s3 =	rddreg [dreg:$0x2];
	[bflag:$0x3] =	sbarrier.arrive $0xFFFF;
	s2 =	simm.s32 @!p0 $0x1C15  }
0x18e: {  	[timem:s3], [sflag:s2] =	dma.local @!p0 [hbm:s0], s1  }
0x18f: {  	s0 =	simm.s32 @!p0 $0x15  }
0x190: {  	_ =	swait.ge @!p0 [sflag:s0], s1  }
0x191: {  	s1 =	ssub.s32 @!p0 $0x0, s1;
	[sflag:s0] =	ssyncset.done @!p0 $0x0  }
0x192: {  	[sflag:s0] =	ssyncadd.s32 @!p0 s1  }
0x193: {  	[bflag:$0x3] =	sbarrier.arrive $0xFFFF  }
0x194: {  	_ =	shalt  }

</sc_bundles>
